<compile_context>
chip_gen: v7x
topology: tpu7x:2x2x1
jax: 0.10.2.dev20260603
libtpu: 0.0.44.dev20260713+nightly
codegen_flags: <defaults>
</compile_context>

<pallas_src>
import numpy as np
import jax
import jax.numpy as jnp
from jax import lax
from jax.experimental import pallas as pl
from jax.experimental.pallas import tpu as pltpu
from jax.experimental.pallas import tpu_sc as plsc

_N = 10000
_E = 320000
_DIN = 128
_EDIM = 16
_H = 128
_EOUT = 256

_NC = 2
_NS = 16
_NW = _NC * _NS
_NP = 10240
_ROWS_PT = _NP // _NS
_EPW = _E // _NW
_BLK = 400
_NBLK = _EPW // _BLK
_TN = 640


def _make_perm():
    try:
        try:
            dev = jax.local_devices(backend="cpu")[0]
            with jax.default_device(dev):
                p = np.asarray(jax.random.permutation(jax.random.key(1), _E))
        except Exception:
            p = np.asarray(jax.random.permutation(jax.random.key(1), _E))
    except Exception:
        p = np.arange(_E)
    return p.astype(np.int32)


_PERM = _make_perm()
_INV = np.empty_like(_PERM)
_INV[_PERM] = np.arange(_E, dtype=np.int32)


def _sc_mesh():
    return plsc.VectorSubcoreMesh(core_axis_name="c", subcore_axis_name="s",
                                  num_cores=_NC, num_subcores=_NS)


def _sc_scatter_body(efeat_fm, src, dst, inv, zeros_h, ones_h,
                     spos_o, sneg_o, din_o, dout_o,
                     col0, col1, row0v, row1v, ones_v, zeros_v,
                     src0, src1, dst0, dst1, iv0, iv1, dn0, dn1,
                     acc_pos, acc_neg, acc_din, acc_dout, dst_sh,
                     seml0, seml1, semc0, semc1, semg0, semg1):
    cid = lax.axis_index("c")
    sid = lax.axis_index("s")
    wid = cid * _NS + sid

    pltpu.sync_copy(zeros_h, zeros_v)
    pltpu.sync_copy(ones_h, ones_v)

    stg = pl.ds(sid * (_E // _NS), _E // _NS)
    pltpu.sync_copy(dst.at[stg], dst_sh.at[stg])

    rr = sid * _ROWS_PT
    pltpu.sync_copy(zeros_v, acc_pos.at[pl.ds(rr, _ROWS_PT)])
    pltpu.sync_copy(zeros_v, acc_neg.at[pl.ds(rr, _ROWS_PT)])
    pltpu.sync_copy(zeros_v, acc_din.at[pl.ds(rr, _ROWS_PT)])
    pltpu.sync_copy(zeros_v, acc_dout.at[pl.ds(rr, _ROWS_PT)])
    plsc.subcore_barrier()

    slots = ((col0, row0v, src0, dst0, iv0, dn0, seml0, semc0, semg0),
             (col1, row1v, src1, dst1, iv1, dn1, seml1, semc1, semg1))
    lane = jax.lax.iota(jnp.int32, 16)

    def loads(b, s):
        cv, _, sv, dv, iv, _, seml, _, _ = slots[s]
        base = wid * _EPW + b * _BLK
        pltpu.async_copy(efeat_fm.at[:, pl.ds(base, _BLK)], cv, seml)
        pltpu.async_copy(src.at[pl.ds(base, _BLK)], sv, seml)
        pltpu.async_copy(dst.at[pl.ds(base, _BLK)], dv, seml)
        pltpu.async_copy(inv.at[pl.ds(base, _BLK)], iv, seml)

    def wait_loads(b, s):
        cv, _, sv, dv, iv, _, seml, _, _ = slots[s]
        base = wid * _EPW + b * _BLK
        pltpu.make_async_copy(efeat_fm.at[:, pl.ds(base, _BLK)], cv,
                              seml).wait()
        pltpu.make_async_copy(src.at[pl.ds(base, _BLK)], sv, seml).wait()
        pltpu.make_async_copy(dst.at[pl.ds(base, _BLK)], dv, seml).wait()
        pltpu.make_async_copy(inv.at[pl.ds(base, _BLK)], iv, seml).wait()

    def transpose(s):
        cv, rv = slots[s][0], slots[s][1]

        def tbody(j, carry):
            rows = lane + j * 16
            for k in range(_EDIM):
                v = cv[k, pl.ds(j * 16, 16)]
                plsc.store_scatter(
                    rv, [rows, jnp.full((16,), k, jnp.int32)], v)
            return carry

        lax.fori_loop(0, _BLK // 16, tbody, 0)

    def wait_scat(s):
        _, rv, sv, dv, _, nv, _, semc, _ = slots[s]
        pltpu.make_async_copy(rv, acc_pos.at[dv], semc).wait()
        pltpu.make_async_copy(rv, acc_neg.at[nv], semc).wait()
        pltpu.make_async_copy(ones_v, acc_din.at[dv], semc).wait()
        pltpu.make_async_copy(ones_v, acc_dout.at[sv], semc).wait()

    def half(b, s, t):
        _, rv, sv, dv, iv, nv, _, semc, semg = slots[s]
        wait_loads(b, s)
        g = pltpu.async_copy(dst_sh.at[iv], nv, semg)
        transpose(s)
        pltpu.async_copy(rv, acc_pos.at[dv], semc, add=True)
        pltpu.async_copy(ones_v, acc_din.at[dv], semc, add=True)
        pltpu.async_copy(ones_v, acc_dout.at[sv], semc, add=True)
        g.wait()
        pltpu.async_copy(rv, acc_neg.at[nv], semc, add=True)

        @pl.when(b >= 1)
        def _w():
            wait_scat(t)

        @pl.when(b + 1 < _NBLK)
        def _l():
            loads(b + 1, t)

    loads(0, 0)

    def g_body(g, carry):
        b0 = g * 2
        half(b0, 0, 1)

        @pl.when(b0 + 1 < _NBLK)
        def _h2():
            half(b0 + 1, 1, 0)

        return carry

    lax.fori_loop(0, (_NBLK + 1) // 2, g_body, 0)
    wait_scat((_NBLK - 1) % 2)
    plsc.subcore_barrier()

    rows = pl.ds(rr, _ROWS_PT)
    pltpu.sync_copy(acc_pos.at[rows], spos_o.at[cid, rows])
    pltpu.sync_copy(acc_neg.at[rows], sneg_o.at[cid, rows])
    pltpu.sync_copy(acc_din.at[rows], din_o.at[cid, rows])
    pltpu.sync_copy(acc_dout.at[rows], dout_o.at[cid, rows])


def _run_sc_scatter(ef_fm, src, dst, inv):
    acc = jax.ShapeDtypeStruct((_NC, _NP, _EDIM), jnp.float32)
    f = pl.kernel(
        _sc_scatter_body,
        out_type=(acc, acc, acc, acc),
        mesh=_sc_mesh(),
        compiler_params=pltpu.CompilerParams(use_tc_tiling_on_sc=False,
                                             needs_layout_passes=False),
        scratch_types=[
            pltpu.VMEM((_EDIM, _BLK), jnp.float32),
            pltpu.VMEM((_EDIM, _BLK), jnp.float32),
            pltpu.VMEM((_BLK, _EDIM), jnp.float32),
            pltpu.VMEM((_BLK, _EDIM), jnp.float32),
            pltpu.VMEM((_BLK, _EDIM), jnp.float32),
            pltpu.VMEM((_ROWS_PT, _EDIM), jnp.float32),
            pltpu.VMEM((_BLK,), jnp.int32),
            pltpu.VMEM((_BLK,), jnp.int32),
            pltpu.VMEM((_BLK,), jnp.int32),
            pltpu.VMEM((_BLK,), jnp.int32),
            pltpu.VMEM((_BLK,), jnp.int32),
            pltpu.VMEM((_BLK,), jnp.int32),
            pltpu.VMEM((_BLK,), jnp.int32),
            pltpu.VMEM((_BLK,), jnp.int32),
            pltpu.VMEM_SHARED((_NP, _EDIM), jnp.float32),
            pltpu.VMEM_SHARED((_NP, _EDIM), jnp.float32),
            pltpu.VMEM_SHARED((_NP, _EDIM), jnp.float32),
            pltpu.VMEM_SHARED((_NP, _EDIM), jnp.float32),
            pltpu.VMEM_SHARED((_E,), jnp.int32),
            pltpu.SemaphoreType.DMA,
            pltpu.SemaphoreType.DMA,
            pltpu.SemaphoreType.DMA,
            pltpu.SemaphoreType.DMA,
            pltpu.SemaphoreType.DMA,
            pltpu.SemaphoreType.DMA,
        ],
    )
    zeros_h = jnp.zeros((_ROWS_PT, _EDIM), jnp.float32)
    ones_h = jnp.ones((_BLK, _EDIM), jnp.float32)
    return f(ef_fm, src, dst, inv, zeros_h, ones_h)


def _b_body(nf_ref, spos_ref, sneg_ref, din_ref, dout_ref,
            wnT_ref, weT_ref, b_ref, wew_ref, beb_ref, dw_ref,
            tab_ref, c_ref, hp_s, hn_s, acc_ref, u_s):
    p = pl.program_id(0)
    i = pl.program_id(1)
    off = pl.multiple_of(i * _TN, _TN)

    @pl.when(p == 0)
    def _phase0():
        din = din_ref[0, :, 0:1] + din_ref[1, :, 0:1]
        dout = dout_ref[0, :, 0:1] + dout_ref[1, :, 0:1]
        inv = 1.0 / jnp.maximum(din, 1.0)
        sp = (spos_ref[0] + spos_ref[1]) * inv
        sn = (sneg_ref[0] + sneg_ref[1]) * inv
        base = jnp.dot(nf_ref[...], wnT_ref[...],
                       preferred_element_type=jnp.float32) + b_ref[...]
        weT = weT_ref[...]
        hp = jnp.maximum(
            base + jnp.dot(sp, weT, preferred_element_type=jnp.float32), 0.0)
        hn = jnp.maximum(
            base + jnp.dot(sn, weT, preferred_element_type=jnp.float32), 0.0)
        hp_s[pl.ds(off, _TN), :] = hp
        hn_s[pl.ds(off, _TN), :] = hn

        mask = ((lax.broadcasted_iota(jnp.int32, (_TN, 1), 0) + i * _TN)
                < _N).astype(jnp.float32)
        msrc_t = jnp.sum(hp * (dout * mask), axis=0, keepdims=True)
        mdst_t = jnp.sum(hp * (din * mask), axis=0, keepdims=True)

        @pl.when(i == 0)
        def _init():
            acc_ref[...] = jnp.zeros((2, _H), jnp.float32)

        acc_ref[0:1, :] += msrc_t
        acc_ref[1:2, :] += mdst_t

        @pl.when(i == (_NP // _TN) - 1)
        def _fin():
            msrc = acc_ref[0:1, :]
            mdst = acc_ref[1:2, :]
            wew = wew_ref[...]
            w1 = wew[:, :_H]
            w2 = wew[:, _H:]
            dims = (((1,), (1,)), ((), ()))
            me = (lax.dot_general(msrc, w1, dims,
                                  preferred_element_type=jnp.float32)
                  + lax.dot_general(mdst, w2, dims,
                                    preferred_element_type=jnp.float32)
                  ) * (1.0 / _E) + beb_ref[...]
            summ = jax.nn.sigmoid(me)
            ws = lax.dot_general(summ, dw_ref[...], dims,
                                 preferred_element_type=jnp.float32)
            dims2 = (((1,), (0,)), ((), ()))
            u1 = lax.dot_general(ws, w1, dims2,
                                 preferred_element_type=jnp.float32)
            u2 = lax.dot_general(ws, w2, dims2,
                                 preferred_element_type=jnp.float32)
            u_s[...] = jnp.concatenate([u1, u2], axis=0)
            c_ref[...] = jnp.sum(beb_ref[...] * ws).reshape(1, 1)

    @pl.when(p == 1)
    def _phase1():
        u = u_s[...]
        hp = hp_s[pl.ds(off, _TN), :]
        hn = hn_s[pl.ds(off, _TN), :]
        dims = (((1,), (1,)), ((), ()))
        pq_p = lax.dot_general(u, hp, dims,
                               preferred_element_type=jnp.float32)
        pq_n = lax.dot_general(u, hn, dims,
                               preferred_element_type=jnp.float32)
        tab_ref[...] = jnp.concatenate(
            [pq_p, pq_n, jnp.zeros((4, _TN), jnp.float32)], axis=0)


def _run_b(nf, spos, sneg, din, dout, wnT, weT, brow, wew, beb_row, dw):
    grid = (2, _NP // _TN)

    def _i0(p, i):
        return jnp.where(p == 0, i, 0)

    seg = pl.BlockSpec((2, _TN, _EDIM), lambda p, i: (0, _i0(p, i), 0))
    return pl.pallas_call(
        _b_body,
        grid=grid,
        in_specs=[
            pl.BlockSpec((_TN, _DIN), lambda p, i: (_i0(p, i), 0)),
            seg, seg, seg, seg,
            pl.BlockSpec((_DIN, _H), lambda p, i: (0, 0)),
            pl.BlockSpec((_EDIM, _H), lambda p, i: (0, 0)),
            pl.BlockSpec((1, _H), lambda p, i: (0, 0)),
            pl.BlockSpec((_EOUT, _EOUT), lambda p, i: (0, 0)),
            pl.BlockSpec((1, _EOUT), lambda p, i: (0, 0)),
            pl.BlockSpec((_EOUT, _EOUT), lambda p, i: (0, 0)),
        ],
        out_specs=[pl.BlockSpec((8, _TN), lambda p, i: (p, i)),
                   pl.BlockSpec((1, 1), lambda p, i: (0, 0))],
        out_shape=[jax.ShapeDtypeStruct((16, _NP), jnp.float32),
                   jax.ShapeDtypeStruct((1, 1), jnp.float32)],
        scratch_shapes=[pltpu.VMEM((_NP, _H), jnp.float32),
                        pltpu.VMEM((_NP, _H), jnp.float32),
                        pltpu.VMEM((2, _H), jnp.float32),
                        pltpu.VMEM((2, _H), jnp.float32)],
        compiler_params=pltpu.CompilerParams(
            vmem_limit_bytes=100 * 1024 * 1024),
    )(nf, spos, sneg, din, dout, wnT, weT, brow, wew, beb_row, dw)


_LOG1P_C = (-6.07475245e-03, 3.44179115e-02, -9.23123095e-02,
            1.64781887e-01, -2.39189722e-01, 3.31333659e-01,
            -4.99801099e-01, 9.99991449e-01, 9.09903356e-08)


def _sc_edge_body(src, dst, tab, c_h, pp_o, pn_o,
                  tab_v, src_v, dst_v, c_v, part_v):
    cid = lax.axis_index("c")
    sid = lax.axis_index("s")
    wid = cid * _NS + sid

    pltpu.sync_copy(tab, tab_v)
    pltpu.sync_copy(c_h, c_v)
    base = wid * _EPW
    pltpu.sync_copy(src.at[pl.ds(base, _EPW)], src_v)
    pltpu.sync_copy(dst.at[pl.ds(base, _EPW)], dst_v)
    cv = c_v[...]

    def log1p_poly(t):
        p = jnp.full((16,), _LOG1P_C[0], jnp.float32)
        for coef in _LOG1P_C[1:]:
            p = p * t + coef
        return p

    def it(i, carry):
        ap, an = carry
        s = pl.ds(i * 16, 16)
        sv = src_v[s]
        dv = dst_v[s]
        xp = (plsc.load_gather(tab_v, [sv])
              + plsc.load_gather(tab_v, [dv + _NP]) + cv)
        xn = (plsc.load_gather(tab_v, [sv + 2 * _NP])
              + plsc.load_gather(tab_v, [dv + 3 * _NP]) + cv)
        ap = ap + jnp.maximum(-xp, 0.0) + log1p_poly(jnp.exp(-jnp.abs(xp)))
        an = an + jnp.maximum(xn, 0.0) + log1p_poly(jnp.exp(-jnp.abs(xn)))
        return (ap, an)

    z = jnp.zeros((16,), jnp.float32)
    ap, an = lax.fori_loop(0, _EPW // 16, it, (z, z))
    part_v[0, :] = ap
    part_v[1, :] = an
    out16 = pl.ds(wid * 16, 16)
    pltpu.sync_copy(part_v.at[0], pp_o.at[out16])
    pltpu.sync_copy(part_v.at[1], pn_o.at[out16])


def _run_sc_edge(src, dst, tab, c16):
    out = jax.ShapeDtypeStruct((_NW * 16,), jnp.float32)
    f = pl.kernel(
        _sc_edge_body,
        out_type=(out, out),
        mesh=_sc_mesh(),
        compiler_params=pltpu.CompilerParams(use_tc_tiling_on_sc=False,
                                             needs_layout_passes=False),
        scratch_types=[
            pltpu.VMEM((4 * _NP,), jnp.float32),
            pltpu.VMEM((_EPW,), jnp.int32),
            pltpu.VMEM((_EPW,), jnp.int32),
            pltpu.VMEM((16,), jnp.float32),
            pltpu.VMEM((2, 16), jnp.float32),
        ],
    )
    return f(src, dst, tab, c16)


def kernel(n_features, e_features, edge_index, W_apply_w, W_apply_b,
           W_edge_w, W_edge_b, disc_W):
    nf = n_features.reshape(_N, _DIN)
    ef_fm = e_features.reshape(_E, _EDIM).T
    src = edge_index[0]
    dst = edge_index[1]
    spos, sneg, din, dout = _run_sc_scatter(ef_fm, src, dst,
                                            jnp.asarray(_INV))

    wnT = W_apply_w[:, :_DIN].T
    weT = W_apply_w[:, _DIN:].T
    brow = W_apply_b.reshape(1, _H)
    beb_row = W_edge_b.reshape(1, _EOUT)
    tab8, c = _run_b(nf, spos, sneg, din, dout,
                     wnT, weT, brow, W_edge_w, beb_row, disc_W)

    c16 = jnp.broadcast_to(c[0, 0], (16,))
    pp, pn = _run_sc_edge(src, dst, tab8[8:12].reshape(4 * _NP), c16)

    return (jnp.sum(pp) + jnp.sum(pn)) * (1.0 / _E)

# --- scband reference (transcript-rebuilt; emitter-appended) ---
"""Pipeline reference for scband-dgi-10101763080733 (READ-ONLY COPY).

The authoritative reference and input builder live on the scoring server;
editing this copy changes nothing except your own understanding.
"""

import jax, jax.numpy as jnp
import numpy as np
import math

N = 10000
E = 320000
D_IN = 128
EDIM = 16
H = 128
EOUT = 256

def setup_inputs(seed: int = 0) -> dict:
    key = jax.random.key(seed)
    k1, k2, k3, k4, k5, k6, k7, k8, k9 = jax.random.split(key, 9)
    n_features = jax.random.normal(k1, (N, 1, D_IN), dtype=jnp.float32)
    e_features = jax.random.normal(k2, (E, 1, EDIM), dtype=jnp.float32)
    edge_index = jax.random.randint(k3, (2, E), 0, N, dtype=jnp.int32)
    # SAGELayer.W_apply: Linear(ndim_in + edim, 128), xavier_uniform with relu gain
    fan_in_a, fan_out_a = D_IN + EDIM, H
    a = math.sqrt(2.0) * math.sqrt(6.0 / (fan_in_a + fan_out_a))
    W_apply_w = jax.random.uniform(k4, (H, D_IN + EDIM), minval=-a, maxval=a, dtype=jnp.float32)
    b1 = 1.0 / math.sqrt(fan_in_a)
    W_apply_b = jax.random.uniform(k5, (H,), minval=-b1, maxval=b1, dtype=jnp.float32)
    # SAGELayer.W_edge: Linear(128*2, 256), default torch init
    b2 = 1.0 / math.sqrt(2 * H)
    W_edge_w = jax.random.uniform(k6, (EOUT, 2 * H), minval=-b2, maxval=b2, dtype=jnp.float32)
    W_edge_b = jax.random.uniform(k7, (EOUT,), minval=-b2, maxval=b2, dtype=jnp.float32)
    # Discriminator weight [256, 256], uniform(-1/sqrt(256), 1/sqrt(256))
    b3 = 1.0 / math.sqrt(EOUT)
    disc_W = jax.random.uniform(k8, (EOUT, EOUT), minval=-b3, maxval=b3, dtype=jnp.float32)
    return {
        "n_features": n_features,
        "e_features": e_features,
        "edge_index": edge_index,
        "W_apply_w": W_apply_w,
        "W_apply_b": W_apply_b,
        "W_edge_w": W_edge_w,
        "W_edge_b": W_edge_b,
        "disc_W": disc_W,
    }

def reference(n_features, e_features, edge_index, W_apply_w, W_apply_b, W_edge_w, W_edge_b, disc_W):
    src = edge_index[0]
    dst = edge_index[1]

    def encode(efeats):
        # update_all(copy edge 'h' -> mean over in-edges at dst)
        m_sum = jax.ops.segment_sum(efeats, dst, num_segments=N)  # [N, 1, EDIM]
        deg = jax.ops.segment_sum(jnp.ones((efeats.shape[0],), dtype=jnp.float32), dst, num_segments=N)
        h_neigh = m_sum / jnp.maximum(deg, 1.0)[:, None, None]  # zero for isolated nodes, like DGL
        cat_n = jnp.concatenate([n_features, h_neigh], axis=2)  # [N, 1, D_IN+EDIM]
        h = jax.nn.relu(jnp.einsum('nif,of->nio', cat_n, W_apply_w) + W_apply_b)  # [N, 1, H]
        cat_e = jnp.concatenate([h[src], h[dst]], axis=2)  # [E, 1, 2H]
        edge = jnp.einsum('eif,of->eio', cat_e, W_edge_w) + W_edge_b  # [E, 1, EOUT]
        return h.sum(1), edge.sum(1)

    # positive pass (no corruption)
    _, pos_e = encode(e_features)
    # negative pass: permute edge features (torch.randperm -> fixed jax key)
    perm = jax.random.permutation(jax.random.key(1), e_features.shape[0])
    _, neg_e = encode(e_features[perm])

    summary = jax.nn.sigmoid(jnp.mean(pos_e, axis=0))  # [EOUT]
    ws = disc_W @ summary  # [EOUT]
    pos_logits = pos_e @ ws  # [E]
    neg_logits = neg_e @ ws  # [E]
    # BCEWithLogitsLoss: target=1 -> mean(softplus(-x)); target=0 -> mean(softplus(x))
    l1 = jnp.mean(jax.nn.softplus(-pos_logits))
    l2 = jnp.mean(jax.nn.softplus(neg_logits))
    return l1 + l2

if __name__ == "__main__":
    import jax
    _d = setup_inputs()
    print(jax.jit(kernel)(*tuple(_d.values())))

</pallas_src>

<mosaic_0001>
#map = affine_map<(d0, d1) -> (0)>
module attributes {stable_mosaic.version = 14 : i64} {
  func.func @_sc_edge_body(%arg0: i32, %arg1: i32, %arg2: memref<320000xi32, #tpu.memory_space<hbm>>, %arg3: memref<320000xi32, #tpu.memory_space<hbm>>, %arg4: memref<40960xf32, #tpu.memory_space<hbm>>, %arg5: memref<16xf32, #tpu.memory_space<hbm>>, %arg6: memref<512xf32, #tpu.memory_space<hbm>>, %arg7: memref<512xf32, #tpu.memory_space<hbm>>, %arg8: memref<40960xf32, #tpu.memory_space<vmem>>, %arg9: memref<10000xi32, #tpu.memory_space<vmem>>, %arg10: memref<10000xi32, #tpu.memory_space<vmem>>, %arg11: memref<16xf32, #tpu.memory_space<vmem>>, %arg12: memref<2x16xf32, #tpu.memory_space<vmem>>) attributes {dimension_semantics = [#tpu.dimension_semantics<core_parallel>, #tpu.dimension_semantics<subcore_parallel>], iteration_bounds = array<i64: 2, 16>, scalar_prefetch = 0 : i64, scratch_operands = 5 : i64, tpu.core_type = #tpu.core_type<sc_vector_subcore>, window_params = [{transform_indices = #map}, {transform_indices = #map}, {transform_indices = #map}, {transform_indices = #map}, {transform_indices = #map}, {transform_indices = #map}]} {
    %mul3A = arith.constant 16 : i32
    %mul3A_0 = arith.muli %arg0, %mul3A : i32
    %add3A = arith.addi %mul3A_0, %arg1 : i32
    "tpu.region"() ({
      %run_scoped3A_20 = tpu.sem_alloc : memref<!tpu.dma_semaphore, #tpu.memory_space<semaphore_mem>>
      tpu.enqueue_dma source(%arg4 : memref<40960xf32, #tpu.memory_space<hbm>>) target(%arg8 : memref<40960xf32, #tpu.memory_space<vmem>>) target_semaphore(%run_scoped3A_20 : memref<!tpu.dma_semaphore, #tpu.memory_space<semaphore_mem>>)
      tpu.wait_dma2 semaphore(%run_scoped3A_20 : memref<!tpu.dma_semaphore, #tpu.memory_space<semaphore_mem>>) src(%arg4 : memref<40960xf32, #tpu.memory_space<hbm>>) dst(%arg8 : memref<40960xf32, #tpu.memory_space<vmem>>)
      tpu.yield
    }) : () -> ()
    "tpu.region"() ({
      %run_scoped3A_20 = tpu.sem_alloc : memref<!tpu.dma_semaphore, #tpu.memory_space<semaphore_mem>>
      tpu.enqueue_dma source(%arg5 : memref<16xf32, #tpu.memory_space<hbm>>) target(%arg11 : memref<16xf32, #tpu.memory_space<vmem>>) target_semaphore(%run_scoped3A_20 : memref<!tpu.dma_semaphore, #tpu.memory_space<semaphore_mem>>)
      tpu.wait_dma2 semaphore(%run_scoped3A_20 : memref<!tpu.dma_semaphore, #tpu.memory_space<semaphore_mem>>) src(%arg5 : memref<16xf32, #tpu.memory_space<hbm>>) dst(%arg11 : memref<16xf32, #tpu.memory_space<vmem>>)
      tpu.yield
    }) : () -> ()
    %mul3A_1 = arith.constant 10000 : i32
    %mul3A_2 = arith.muli %add3A, %mul3A_1 : i32
    "tpu.region"() ({
      %run_scoped3A_20 = tpu.sem_alloc : memref<!tpu.dma_semaphore, #tpu.memory_space<semaphore_mem>>
      %dma_start3A = tpu.memref_slice %arg2[%mul3A_2] : memref<320000xi32, #tpu.memory_space<hbm>> -> memref<10000xi32, #tpu.memory_space<hbm>>
      %dma_start3A_21 = tpu.memref_slice %arg2[%mul3A_2] : memref<320000xi32, #tpu.memory_space<hbm>> -> memref<10000xi32, #tpu.memory_space<hbm>>
      tpu.enqueue_dma source(%dma_start3A_21 : memref<10000xi32, #tpu.memory_space<hbm>>) target(%arg9 : memref<10000xi32, #tpu.memory_space<vmem>>) target_semaphore(%run_scoped3A_20 : memref<!tpu.dma_semaphore, #tpu.memory_space<semaphore_mem>>)
      %dma_wait3A = tpu.memref_slice %arg2[%mul3A_2] : memref<320000xi32, #tpu.memory_space<hbm>> -> memref<10000xi32, #tpu.memory_space<hbm>>
      %dma_wait3A_22 = tpu.memref_slice %arg2[%mul3A_2] : memref<320000xi32, #tpu.memory_space<hbm>> -> memref<10000xi32, #tpu.memory_space<hbm>>
      tpu.wait_dma2 semaphore(%run_scoped3A_20 : memref<!tpu.dma_semaphore, #tpu.memory_space<semaphore_mem>>) src(%dma_wait3A_22 : memref<10000xi32, #tpu.memory_space<hbm>>) dst(%arg9 : memref<10000xi32, #tpu.memory_space<vmem>>)
      tpu.yield
    }) : () -> ()
    "tpu.region"() ({
      %run_scoped3A_20 = tpu.sem_alloc : memref<!tpu.dma_semaphore, #tpu.memory_space<semaphore_mem>>
      %dma_start3A = tpu.memref_slice %arg3[%mul3A_2] : memref<320000xi32, #tpu.memory_space<hbm>> -> memref<10000xi32, #tpu.memory_space<hbm>>
      %dma_start3A_21 = tpu.memref_slice %arg3[%mul3A_2] : memref<320000xi32, #tpu.memory_space<hbm>> -> memref<10000xi32, #tpu.memory_space<hbm>>
      tpu.enqueue_dma source(%dma_start3A_21 : memref<10000xi32, #tpu.memory_space<hbm>>) target(%arg10 : memref<10000xi32, #tpu.memory_space<vmem>>) target_semaphore(%run_scoped3A_20 : memref<!tpu.dma_semaphore, #tpu.memory_space<semaphore_mem>>)
      %dma_wait3A = tpu.memref_slice %arg3[%mul3A_2] : memref<320000xi32, #tpu.memory_space<hbm>> -> memref<10000xi32, #tpu.memory_space<hbm>>
      %dma_wait3A_22 = tpu.memref_slice %arg3[%mul3A_2] : memref<320000xi32, #tpu.memory_space<hbm>> -> memref<10000xi32, #tpu.memory_space<hbm>>
      tpu.wait_dma2 semaphore(%run_scoped3A_20 : memref<!tpu.dma_semaphore, #tpu.memory_space<semaphore_mem>>) src(%dma_wait3A_22 : memref<10000xi32, #tpu.memory_space<hbm>>) dst(%arg10 : memref<10000xi32, #tpu.memory_space<vmem>>)
      tpu.yield
    }) : () -> ()
    %get3A = arith.constant 0 : index
    %get3A_3 = tpu.vector_load %arg11[%get3A] {strides = array<i32>} : memref<16xf32, #tpu.memory_space<vmem>>, vector<16xf32>,
    %broadcast_in_dim3A = arith.constant 0.000000e+00 : f32
    %broadcast_in_dim3A_4 = vector.broadcast %broadcast_in_dim3A : f32 to vector<16xf32>
    %scan3A = arith.constant 0 : i32
    %scan3A_5 = arith.constant 625 : i32
    %scan3A_6 = arith.addi %scan3A, %scan3A_5 : i32
    %scan3A_7 = arith.constant 1 : i32
    %scan3A_8:2 = scf.for %scan3A_20 = %scan3A to %scan3A_6 step %scan3A_7 iter_args(%scan3A_21 = %broadcast_in_dim3A_4, %scan3A_22 = %broadcast_in_dim3A_4) -> (vector<16xf32>, vector<16xf32>)  : i32 {
      %mul3A_23 = arith.constant 16 : i32
      %mul3A_24 = arith.muli %scan3A_20, %mul3A_23 : i32
      %get3A_25 = arith.index_cast %mul3A_24 : i32 to index
      %get3A_26 = tpu.vector_load %arg9[%get3A_25] {strides = array<i32>} : memref<10000xi32, #tpu.memory_space<vmem>>, vector<16xi32>,
      %get3A_27 = arith.index_cast %mul3A_24 : i32 to index
      %get3A_28 = tpu.vector_load %arg10[%get3A_27] {strides = array<i32>} : memref<10000xi32, #tpu.memory_space<vmem>>, vector<16xi32>,
      %gather3A = tpu.vector_load_idx %arg8[%get3A_26] : memref<40960xf32, #tpu.memory_space<vmem>>[vector<16xi32>], vector<16xf32>,
      %add3A_29 = arith.constant 10240 : i32
      %add3A_30 = vector.broadcast %add3A_29 : i32 to vector<16xi32>
      %add3A_31 = arith.addi %get3A_28, %add3A_30 : vector<16xi32>
      %gather3A_32 = tpu.vector_load_idx %arg8[%add3A_31] : memref<40960xf32, #tpu.memory_space<vmem>>[vector<16xi32>], vector<16xf32>,
      %add3A_33 = arith.addf %gather3A, %gather3A_32 : vector<16xf32>
      %add3A_34 = arith.addf %add3A_33, %get3A_3 : vector<16xf32>
      %add3A_35 = arith.constant 20480 : i32
      %add3A_36 = vector.broadcast %add3A_35 : i32 to vector<16xi32>
      %add3A_37 = arith.addi %get3A_26, %add3A_36 : vector<16xi32>
      %gather3A_38 = tpu.vector_load_idx %arg8[%add3A_37] : memref<40960xf32, #tpu.memory_space<vmem>>[vector<16xi32>], vector<16xf32>,
      %add3A_39 = arith.constant 30720 : i32
      %add3A_40 = vector.broadcast %add3A_39 : i32 to vector<16xi32>
      %add3A_41 = arith.addi %get3A_28, %add3A_40 : vector<16xi32>
      %gather3A_42 = tpu.vector_load_idx %arg8[%add3A_41] : memref<40960xf32, #tpu.memory_space<vmem>>[vector<16xi32>], vector<16xf32>,
      %add3A_43 = arith.addf %gather3A_38, %gather3A_42 : vector<16xf32>
      %add3A_44 = arith.addf %add3A_43, %get3A_3 : vector<16xf32>
      %neg3A = arith.constant 0.000000e+00 : f32
      %neg3A_45 = vector.broadcast %neg3A : f32 to vector<16xf32>
      %neg3A_46 = arith.subf %neg3A_45, %add3A_34 : vector<16xf32>
      %max3A = arith.constant 0.000000e+00 : f32
      %max3A_47 = vector.broadcast %max3A : f32 to vector<16xf32>
      %max3A_48 = arith.maximumf %neg3A_46, %max3A_47 : vector<16xf32>
      %add3A_49 = arith.addf %scan3A_21, %max3A_48 : vector<16xf32>
      %abs3A = math.absf %add3A_34 : vector<16xf32>
      %neg3A_50 = arith.constant 0.000000e+00 : f32
      %neg3A_51 = vector.broadcast %neg3A_50 : f32 to vector<16xf32>
      %neg3A_52 = arith.subf %neg3A_51, %abs3A : vector<16xf32>
      %exp3A = math.exp %neg3A_52 : vector<16xf32>
      %broadcast_in_dim3A_53 = arith.constant -0.00607475266 : f32
      %broadcast_in_dim3A_54 = vector.broadcast %broadcast_in_dim3A_53 : f32 to vector<16xf32>
      %mul3A_55 = arith.mulf %broadcast_in_dim3A_54, %exp3A : vector<16xf32>
      %add3A_56 = arith.constant 0.0344179124 : f32
      %add3A_57 = vector.broadcast %add3A_56 : f32 to vector<16xf32>
      %add3A_58 = arith.addf %mul3A_55, %add3A_57 : vector<16xf32>
      %mul3A_59 = arith.mulf %add3A_58, %exp3A : vector<16xf32>
      %add3A_60 = arith.constant -0.0923123061 : f32
      %add3A_61 = vector.broadcast %add3A_60 : f32 to vector<16xf32>
      %add3A_62 = arith.addf %mul3A_59, %add3A_61 : vector<16xf32>
      %mul3A_63 = arith.mulf %add3A_62, %exp3A : vector<16xf32>
      %add3A_64 = arith.constant 0.164781883 : f32
      %add3A_65 = vector.broadcast %add3A_64 : f32 to vector<16xf32>
      %add3A_66 = arith.addf %mul3A_63, %add3A_65 : vector<16xf32>
      %mul3A_67 = arith.mulf %add3A_66, %exp3A : vector<16xf32>
      %add3A_68 = arith.constant -0.239189729 : f32
      %add3A_69 = vector.broadcast %add3A_68 : f32 to vector<16xf32>
      %add3A_70 = arith.addf %mul3A_67, %add3A_69 : vector<16xf32>
      %mul3A_71 = arith.mulf %add3A_70, %exp3A : vector<16xf32>
      %add3A_72 = arith.constant 0.331333667 : f32
      %add3A_73 = vector.broadcast %add3A_72 : f32 to vector<16xf32>
      %add3A_74 = arith.addf %mul3A_71, %add3A_73 : vector<16xf32>
      %mul3A_75 = arith.mulf %add3A_74, %exp3A : vector<16xf32>
      %add3A_76 = arith.constant -0.499801099 : f32
      %add3A_77 = vector.broadcast %add3A_76 : f32 to vector<16xf32>
      %add3A_78 = arith.addf %mul3A_75, %add3A_77 : vector<16xf32>
      %mul3A_79 = arith.mulf %add3A_78, %exp3A : vector<16xf32>
      %add3A_80 = arith.constant 0.999991476 : f32
      %add3A_81 = vector.broadcast %add3A_80 : f32 to vector<16xf32>
      %add3A_82 = arith.addf %mul3A_79, %add3A_81 : vector<16xf32>
      %mul3A_83 = arith.mulf %add3A_82, %exp3A : vector<16xf32>
      %add3A_84 = arith.constant 9.09903334E-8 : f32
      %add3A_85 = vector.broadcast %add3A_84 : f32 to vector<16xf32>
      %add3A_86 = arith.addf %mul3A_83, %add3A_85 : vector<16xf32>
      %add3A_87 = arith.addf %add3A_49, %add3A_86 : vector<16xf32>
      %max3A_88 = arith.constant 0.000000e+00 : f32
      %max3A_89 = vector.broadcast %max3A_88 : f32 to vector<16xf32>
      %max3A_90 = arith.maximumf %add3A_44, %max3A_89 : vector<16xf32>
      %add3A_91 = arith.addf %scan3A_22, %max3A_90 : vector<16xf32>
      %abs3A_92 = math.absf %add3A_44 : vector<16xf32>
      %neg3A_93 = arith.constant 0.000000e+00 : f32
      %neg3A_94 = vector.broadcast %neg3A_93 : f32 to vector<16xf32>
      %neg3A_95 = arith.subf %neg3A_94, %abs3A_92 : vector<16xf32>
      %exp3A_96 = math.exp %neg3A_95 : vector<16xf32>
      %broadcast_in_dim3A_97 = arith.constant -0.00607475266 : f32
      %broadcast_in_dim3A_98 = vector.broadcast %broadcast_in_dim3A_97 : f32 to vector<16xf32>
      %mul3A_99 = arith.mulf %broadcast_in_dim3A_98, %exp3A_96 : vector<16xf32>
      %add3A_100 = arith.constant 0.0344179124 : f32
      %add3A_101 = vector.broadcast %add3A_100 : f32 to vector<16xf32>
      %add3A_102 = arith.addf %mul3A_99, %add3A_101 : vector<16xf32>
      %mul3A_103 = arith.mulf %add3A_102, %exp3A_96 : vector<16xf32>
      %add3A_104 = arith.constant -0.0923123061 : f32
      %add3A_105 = vector.broadcast %add3A_104 : f32 to vector<16xf32>
      %add3A_106 = arith.addf %mul3A_103, %add3A_105 : vector<16xf32>
      %mul3A_107 = arith.mulf %add3A_106, %exp3A_96 : vector<16xf32>
      %add3A_108 = arith.constant 0.164781883 : f32
      %add3A_109 = vector.broadcast %add3A_108 : f32 to vector<16xf32>
      %add3A_110 = arith.addf %mul3A_107, %add3A_109 : vector<16xf32>
      %mul3A_111 = arith.mulf %add3A_110, %exp3A_96 : vector<16xf32>
      %add3A_112 = arith.constant -0.239189729 : f32
      %add3A_113 = vector.broadcast %add3A_112 : f32 to vector<16xf32>
      %add3A_114 = arith.addf %mul3A_111, %add3A_113 : vector<16xf32>
      %mul3A_115 = arith.mulf %add3A_114, %exp3A_96 : vector<16xf32>
      %add3A_116 = arith.constant 0.331333667 : f32
      %add3A_117 = vector.broadcast %add3A_116 : f32 to vector<16xf32>
      %add3A_118 = arith.addf %mul3A_115, %add3A_117 : vector<16xf32>
      %mul3A_119 = arith.mulf %add3A_118, %exp3A_96 : vector<16xf32>
      %add3A_120 = arith.constant -0.499801099 : f32
      %add3A_121 = vector.broadcast %add3A_120 : f32 to vector<16xf32>
      %add3A_122 = arith.addf %mul3A_119, %add3A_121 : vector<16xf32>
      %mul3A_123 = arith.mulf %add3A_122, %exp3A_96 : vector<16xf32>
      %add3A_124 = arith.constant 0.999991476 : f32
      %add3A_125 = vector.broadcast %add3A_124 : f32 to vector<16xf32>
      %add3A_126 = arith.addf %mul3A_123, %add3A_125 : vector<16xf32>
      %mul3A_127 = arith.mulf %add3A_126, %exp3A_96 : vector<16xf32>
      %add3A_128 = arith.constant 9.09903334E-8 : f32
      %add3A_129 = vector.broadcast %add3A_128 : f32 to vector<16xf32>
      %add3A_130 = arith.addf %mul3A_127, %add3A_129 : vector<16xf32>
      %add3A_131 = arith.addf %add3A_91, %add3A_130 : vector<16xf32>
      scf.yield %add3A_87, %add3A_131 : vector<16xf32>, vector<16xf32>
    }
    %scan3A_9 = arith.constant 625 : i32
    %swap3A = arith.constant 0 : i32
    %swap3A_10 = arith.index_cast %swap3A : i32 to index
    %swap3A_11 = arith.constant 0 : index
    %swap3A_12 = tpu.vector_load %arg12[%swap3A_10, %swap3A_11] {strides = array<i32>} : memref<2x16xf32, #tpu.memory_space<vmem>>, vector<16xf32>,
    tpu.vector_store %arg12[%swap3A_10, %swap3A_11], %scan3A_8#0 {strides = array<i32>} : memref<2x16xf32, #tpu.memory_space<vmem>>, vector<16xf32>,
    %swap3A_13 = arith.constant 1 : i32
    %swap3A_14 = arith.index_cast %swap3A_13 : i32 to index
    %swap3A_15 = arith.constant 0 : index
    %swap3A_16 = tpu.vector_load %arg12[%swap3A_14, %swap3A_15] {strides = array<i32>} : memref<2x16xf32, #tpu.memory_space<vmem>>, vector<16xf32>,
    tpu.vector_store %arg12[%swap3A_14, %swap3A_15], %scan3A_8#1 {strides = array<i32>} : memref<2x16xf32, #tpu.memory_space<vmem>>, vector<16xf32>,
    %mul3A_17 = arith.constant 16 : i32
    %mul3A_18 = arith.muli %add3A, %mul3A_17 : i32
    %run_scoped3A = arith.constant 0 : i32
    "tpu.region"() ({
      %run_scoped3A_20 = tpu.sem_alloc : memref<!tpu.dma_semaphore, #tpu.memory_space<semaphore_mem>>
      %dma_start3A = arith.constant 0 : i32
      %dma_start3A_21 = tpu.memref_slice %arg12[%run_scoped3A, %dma_start3A] : memref<2x16xf32, #tpu.memory_space<vmem>> -> memref<1x16xf32, #tpu.memory_space<vmem>>
      %dma_start3A_22 = tpu.memref_squeeze %dma_start3A_21 : memref<1x16xf32, #tpu.memory_space<vmem>> -> memref<16xf32, #tpu.memory_space<vmem>>
      %dma_start3A_23 = tpu.memref_slice %arg6[%mul3A_18] : memref<512xf32, #tpu.memory_space<hbm>> -> memref<16xf32, #tpu.memory_space<hbm>>
      %dma_start3A_24 = tpu.memref_slice %arg6[%mul3A_18] : memref<512xf32, #tpu.memory_space<hbm>> -> memref<16xf32, #tpu.memory_space<hbm>>
      %dma_start3A_25 = arith.constant 0 : i32
      %dma_start3A_26 = tpu.memref_slice %arg12[%run_scoped3A, %dma_start3A_25] : memref<2x16xf32, #tpu.memory_space<vmem>> -> memref<1x16xf32, #tpu.memory_space<vmem>>
      %dma_start3A_27 = tpu.memref_squeeze %dma_start3A_26 : memref<1x16xf32, #tpu.memory_space<vmem>> -> memref<16xf32, #tpu.memory_space<vmem>>
      tpu.enqueue_dma source(%dma_start3A_27 : memref<16xf32, #tpu.memory_space<vmem>>) target(%dma_start3A_24 : memref<16xf32, #tpu.memory_space<hbm>>) target_semaphore(%run_scoped3A_20 : memref<!tpu.dma_semaphore, #tpu.memory_space<semaphore_mem>>)
      %dma_wait3A = arith.constant 0 : i32
      %dma_wait3A_28 = tpu.memref_slice %arg12[%run_scoped3A, %dma_wait3A] : memref<2x16xf32, #tpu.memory_space<vmem>> -> memref<1x16xf32, #tpu.memory_space<vmem>>
      %dma_wait3A_29 = tpu.memref_squeeze %dma_wait3A_28 : memref<1x16xf32, #tpu.memory_space<vmem>> -> memref<16xf32, #tpu.memory_space<vmem>>
      %dma_wait3A_30 = tpu.memref_slice %arg6[%mul3A_18] : memref<512xf32, #tpu.memory_space<hbm>> -> memref<16xf32, #tpu.memory_space<hbm>>
      %dma_wait3A_31 = tpu.memref_slice %arg6[%mul3A_18] : memref<512xf32, #tpu.memory_space<hbm>> -> memref<16xf32, #tpu.memory_space<hbm>>
      %dma_wait3A_32 = arith.constant 0 : i32
      %dma_wait3A_33 = tpu.memref_slice %arg12[%run_scoped3A, %dma_wait3A_32] : memref<2x16xf32, #tpu.memory_space<vmem>> -> memref<1x16xf32, #tpu.memory_space<vmem>>
      %dma_wait3A_34 = tpu.memref_squeeze %dma_wait3A_33 : memref<1x16xf32, #tpu.memory_space<vmem>> -> memref<16xf32, #tpu.memory_space<vmem>>
      tpu.wait_dma2 semaphore(%run_scoped3A_20 : memref<!tpu.dma_semaphore, #tpu.memory_space<semaphore_mem>>) src(%dma_wait3A_34 : memref<16xf32, #tpu.memory_space<vmem>>) dst(%dma_wait3A_31 : memref<16xf32, #tpu.memory_space<hbm>>)
      tpu.yield
    }) : () -> ()
    %run_scoped3A_19 = arith.constant 1 : i32
    "tpu.region"() ({
      %run_scoped3A_20 = tpu.sem_alloc : memref<!tpu.dma_semaphore, #tpu.memory_space<semaphore_mem>>
      %dma_start3A = arith.constant 0 : i32
      %dma_start3A_21 = tpu.memref_slice %arg12[%run_scoped3A_19, %dma_start3A] : memref<2x16xf32, #tpu.memory_space<vmem>> -> memref<1x16xf32, #tpu.memory_space<vmem>>
      %dma_start3A_22 = tpu.memref_squeeze %dma_start3A_21 : memref<1x16xf32, #tpu.memory_space<vmem>> -> memref<16xf32, #tpu.memory_space<vmem>>
      %dma_start3A_23 = tpu.memref_slice %arg7[%mul3A_18] : memref<512xf32, #tpu.memory_space<hbm>> -> memref<16xf32, #tpu.memory_space<hbm>>
      %dma_start3A_24 = tpu.memref_slice %arg7[%mul3A_18] : memref<512xf32, #tpu.memory_space<hbm>> -> memref<16xf32, #tpu.memory_space<hbm>>
      %dma_start3A_25 = arith.constant 0 : i32
      %dma_start3A_26 = tpu.memref_slice %arg12[%run_scoped3A_19, %dma_start3A_25] : memref<2x16xf32, #tpu.memory_space<vmem>> -> memref<1x16xf32, #tpu.memory_space<vmem>>
      %dma_start3A_27 = tpu.memref_squeeze %dma_start3A_26 : memref<1x16xf32, #tpu.memory_space<vmem>> -> memref<16xf32, #tpu.memory_space<vmem>>
      tpu.enqueue_dma source(%dma_start3A_27 : memref<16xf32, #tpu.memory_space<vmem>>) target(%dma_start3A_24 : memref<16xf32, #tpu.memory_space<hbm>>) target_semaphore(%run_scoped3A_20 : memref<!tpu.dma_semaphore, #tpu.memory_space<semaphore_mem>>)
      %dma_wait3A = arith.constant 0 : i32
      %dma_wait3A_28 = tpu.memref_slice %arg12[%run_scoped3A_19, %dma_wait3A] : memref<2x16xf32, #tpu.memory_space<vmem>> -> memref<1x16xf32, #tpu.memory_space<vmem>>
      %dma_wait3A_29 = tpu.memref_squeeze %dma_wait3A_28 : memref<1x16xf32, #tpu.memory_space<vmem>> -> memref<16xf32, #tpu.memory_space<vmem>>
      %dma_wait3A_30 = tpu.memref_slice %arg7[%mul3A_18] : memref<512xf32, #tpu.memory_space<hbm>> -> memref<16xf32, #tpu.memory_space<hbm>>
      %dma_wait3A_31 = tpu.memref_slice %arg7[%mul3A_18] : memref<512xf32, #tpu.memory_space<hbm>> -> memref<16xf32, #tpu.memory_space<hbm>>
      %dma_wait3A_32 = arith.constant 0 : i32
      %dma_wait3A_33 = tpu.memref_slice %arg12[%run_scoped3A_19, %dma_wait3A_32] : memref<2x16xf32, #tpu.memory_space<vmem>> -> memref<1x16xf32, #tpu.memory_space<vmem>>
      %dma_wait3A_34 = tpu.memref_squeeze %dma_wait3A_33 : memref<1x16xf32, #tpu.memory_space<vmem>> -> memref<16xf32, #tpu.memory_space<vmem>>
      tpu.wait_dma2 semaphore(%run_scoped3A_20 : memref<!tpu.dma_semaphore, #tpu.memory_space<semaphore_mem>>) src(%dma_wait3A_34 : memref<16xf32, #tpu.memory_space<vmem>>) dst(%dma_wait3A_31 : memref<16xf32, #tpu.memory_space<hbm>>)
      tpu.yield
    }) : () -> ()
    return
  }
}

#map = affine_map<(d0, d1) -> (0, 0)>
#map1 = affine_map<(d0, d1) -> (0)>
#map2 = affine_map<(d0, d1) -> (0, 0, 0)>
module attributes {stable_mosaic.version = 14 : i64} {
  func.func @_sc_scatter_body(%arg0: i32, %arg1: i32, %arg2: memref<16x320000xf32, #tpu.memory_space<hbm>>, %arg3: memref<320000xi32, #tpu.memory_space<hbm>>, %arg4: memref<320000xi32, #tpu.memory_space<hbm>>, %arg5: memref<320000xi32, #tpu.memory_space<hbm>>, %arg6: memref<640x16xf32, #tpu.memory_space<hbm>>, %arg7: memref<400x16xf32, #tpu.memory_space<hbm>>, %arg8: memref<2x10240x16xf32, #tpu.memory_space<hbm>>, %arg9: memref<2x10240x16xf32, #tpu.memory_space<hbm>>, %arg10: memref<2x10240x16xf32, #tpu.memory_space<hbm>>, %arg11: memref<2x10240x16xf32, #tpu.memory_space<hbm>>, %arg12: memref<16x400xf32, #tpu.memory_space<vmem>>, %arg13: memref<16x400xf32, #tpu.memory_space<vmem>>, %arg14: memref<400x16xf32, #tpu.memory_space<vmem>>, %arg15: memref<400x16xf32, #tpu.memory_space<vmem>>, %arg16: memref<400x16xf32, #tpu.memory_space<vmem>>, %arg17: memref<640x16xf32, #tpu.memory_space<vmem>>, %arg18: memref<400xi32, #tpu.memory_space<vmem>>, %arg19: memref<400xi32, #tpu.memory_space<vmem>>, %arg20: memref<400xi32, #tpu.memory_space<vmem>>, %arg21: memref<400xi32, #tpu.memory_space<vmem>>, %arg22: memref<400xi32, #tpu.memory_space<vmem>>, %arg23: memref<400xi32, #tpu.memory_space<vmem>>, %arg24: memref<400xi32, #tpu.memory_space<vmem>>, %arg25: memref<400xi32, #tpu.memory_space<vmem>>, %arg26: memref<10240x16xf32, #tpu.memory_space<vmem_shared>>, %arg27: memref<10240x16xf32, #tpu.memory_space<vmem_shared>>, %arg28: memref<10240x16xf32, #tpu.memory_space<vmem_shared>>, %arg29: memref<10240x16xf32, #tpu.memory_space<vmem_shared>>, %arg30: memref<320000xi32, #tpu.memory_space<vmem_shared>>, %arg31: memref<!tpu.dma_semaphore, #tpu.memory_space<semaphore_mem>>, %arg32: memref<!tpu.dma_semaphore, #tpu.memory_space<semaphore_mem>>, %arg33: memref<!tpu.dma_semaphore, #tpu.memory_space<semaphore_mem>>, %arg34: memref<!tpu.dma_semaphore, #tpu.memory_space<semaphore_mem>>, %arg35: memref<!tpu.dma_semaphore, #tpu.memory_space<semaphore_mem>>, %arg36: memref<!tpu.dma_semaphore, #tpu.memory_space<semaphore_mem>>) attributes {dimension_semantics = [#tpu.dimension_semantics<core_parallel>, #tpu.dimension_semantics<subcore_parallel>], iteration_bounds = array<i64: 2, 16>, scalar_prefetch = 0 : i64, scratch_operands = 25 : i64, tpu.core_type = #tpu.core_type<sc_vector_subcore>, window_params = [{transform_indices = #map}, {transform_indices = #map1}, {transform_indices = #map1}, {transform_indices = #map1}, {transform_indices = #map}, {transform_indices = #map}, {transform_indices = #map2}, {transform_indices = #map2}, {transform_indices = #map2}, {transform_indices = #map2}]} {
    %mul3A = arith.constant 16 : i32
    %mul3A_0 = arith.muli %arg0, %mul3A : i32
    %add3A = arith.addi %mul3A_0, %arg1 : i32
    "tpu.region"() ({
      %run_scoped3A = tpu.sem_alloc : memref<!tpu.dma_semaphore, #tpu.memory_space<semaphore_mem>>
      tpu.enqueue_dma source(%arg6 : memref<640x16xf32, #tpu.memory_space<hbm>>) target(%arg17 : memref<640x16xf32, #tpu.memory_space<vmem>>) target_semaphore(%run_scoped3A : memref<!tpu.dma_semaphore, #tpu.memory_space<semaphore_mem>>)
      tpu.wait_dma2 semaphore(%run_scoped3A : memref<!tpu.dma_semaphore, #tpu.memory_space<semaphore_mem>>) src(%arg6 : memref<640x16xf32, #tpu.memory_space<hbm>>) dst(%arg17 : memref<640x16xf32, #tpu.memory_space<vmem>>)
      tpu.yield
    }) : () -> ()
    "tpu.region"() ({
      %run_scoped3A = tpu.sem_alloc : memref<!tpu.dma_semaphore, #tpu.memory_space<semaphore_mem>>
      tpu.enqueue_dma source(%arg7 : memref<400x16xf32, #tpu.memory_space<hbm>>) target(%arg16 : memref<400x16xf32, #tpu.memory_space<vmem>>) target_semaphore(%run_scoped3A : memref<!tpu.dma_semaphore, #tpu.memory_space<semaphore_mem>>)
      tpu.wait_dma2 semaphore(%run_scoped3A : memref<!tpu.dma_semaphore, #tpu.memory_space<semaphore_mem>>) src(%arg7 : memref<400x16xf32, #tpu.memory_space<hbm>>) dst(%arg16 : memref<400x16xf32, #tpu.memory_space<vmem>>)
      tpu.yield
    }) : () -> ()
    %mul3A_1 = arith.constant 20000 : i32
    %mul3A_2 = arith.muli %arg1, %mul3A_1 : i32
    "tpu.region"() ({
      %run_scoped3A = tpu.sem_alloc : memref<!tpu.dma_semaphore, #tpu.memory_space<semaphore_mem>>
      %dma_start3A_35 = tpu.memref_slice %arg30[%mul3A_2] : memref<320000xi32, #tpu.memory_space<vmem_shared>> -> memref<20000xi32, #tpu.memory_space<vmem_shared>>
      %dma_start3A_36 = tpu.memref_slice %arg4[%mul3A_2] : memref<320000xi32, #tpu.memory_space<hbm>> -> memref<20000xi32, #tpu.memory_space<hbm>>
      tpu.enqueue_dma source(%dma_start3A_36 : memref<20000xi32, #tpu.memory_space<hbm>>) target(%dma_start3A_35 : memref<20000xi32, #tpu.memory_space<vmem_shared>>) target_semaphore(%run_scoped3A : memref<!tpu.dma_semaphore, #tpu.memory_space<semaphore_mem>>)
      %dma_wait3A_37 = tpu.memref_slice %arg30[%mul3A_2] : memref<320000xi32, #tpu.memory_space<vmem_shared>> -> memref<20000xi32, #tpu.memory_space<vmem_shared>>
      %dma_wait3A_38 = tpu.memref_slice %arg4[%mul3A_2] : memref<320000xi32, #tpu.memory_space<hbm>> -> memref<20000xi32, #tpu.memory_space<hbm>>
      tpu.wait_dma2 semaphore(%run_scoped3A : memref<!tpu.dma_semaphore, #tpu.memory_space<semaphore_mem>>) src(%dma_wait3A_38 : memref<20000xi32, #tpu.memory_space<hbm>>) dst(%dma_wait3A_37 : memref<20000xi32, #tpu.memory_space<vmem_shared>>)
      tpu.yield
    }) : () -> ()
    %mul3A_3 = arith.constant 640 : i32
    %mul3A_4 = arith.muli %arg1, %mul3A_3 : i32
    "tpu.region"() ({
      %run_scoped3A = tpu.sem_alloc : memref<!tpu.dma_semaphore, #tpu.memory_space<semaphore_mem>>
      %dma_start3A_35 = arith.constant 0 : i32
      %dma_start3A_36 = tpu.memref_slice %arg26[%mul3A_4, %dma_start3A_35] : memref<10240x16xf32, #tpu.memory_space<vmem_shared>> -> memref<640x16xf32, #tpu.memory_space<vmem_shared>>
      %dma_start3A_37 = arith.constant 0 : i32
      %dma_start3A_38 = tpu.memref_slice %arg26[%mul3A_4, %dma_start3A_37] : memref<10240x16xf32, #tpu.memory_space<vmem_shared>> -> memref<640x16xf32, #tpu.memory_space<vmem_shared>>
      tpu.enqueue_dma source(%arg17 : memref<640x16xf32, #tpu.memory_space<vmem>>) target(%dma_start3A_38 : memref<640x16xf32, #tpu.memory_space<vmem_shared>>) target_semaphore(%run_scoped3A : memref<!tpu.dma_semaphore, #tpu.memory_space<semaphore_mem>>)
      %dma_wait3A_39 = arith.constant 0 : i32
      %dma_wait3A_40 = tpu.memref_slice %arg26[%mul3A_4, %dma_wait3A_39] : memref<10240x16xf32, #tpu.memory_space<vmem_shared>> -> memref<640x16xf32, #tpu.memory_space<vmem_shared>>
      %dma_wait3A_41 = arith.constant 0 : i32
      %dma_wait3A_42 = tpu.memref_slice %arg26[%mul3A_4, %dma_wait3A_41] : memref<10240x16xf32, #tpu.memory_space<vmem_shared>> -> memref<640x16xf32, #tpu.memory_space<vmem_shared>>
      tpu.wait_dma2 semaphore(%run_scoped3A : memref<!tpu.dma_semaphore, #tpu.memory_space<semaphore_mem>>) src(%arg17 : memref<640x16xf32, #tpu.memory_space<vmem>>) dst(%dma_wait3A_42 : memref<640x16xf32, #tpu.memory_space<vmem_shared>>)
      tpu.yield
    }) : () -> ()
    "tpu.region"() ({
      %run_scoped3A = tpu.sem_alloc : memref<!tpu.dma_semaphore, #tpu.memory_space<semaphore_mem>>
      %dma_start3A_35 = arith.constant 0 : i32
      %dma_start3A_36 = tpu.memref_slice %arg27[%mul3A_4, %dma_start3A_35] : memref<10240x16xf32, #tpu.memory_space<vmem_shared>> -> memref<640x16xf32, #tpu.memory_space<vmem_shared>>
      %dma_start3A_37 = arith.constant 0 : i32
      %dma_start3A_38 = tpu.memref_slice %arg27[%mul3A_4, %dma_start3A_37] : memref<10240x16xf32, #tpu.memory_space<vmem_shared>> -> memref<640x16xf32, #tpu.memory_space<vmem_shared>>
      tpu.enqueue_dma source(%arg17 : memref<640x16xf32, #tpu.memory_space<vmem>>) target(%dma_start3A_38 : memref<640x16xf32, #tpu.memory_space<vmem_shared>>) target_semaphore(%run_scoped3A : memref<!tpu.dma_semaphore, #tpu.memory_space<semaphore_mem>>)
      %dma_wait3A_39 = arith.constant 0 : i32
      %dma_wait3A_40 = tpu.memref_slice %arg27[%mul3A_4, %dma_wait3A_39] : memref<10240x16xf32, #tpu.memory_space<vmem_shared>> -> memref<640x16xf32, #tpu.memory_space<vmem_shared>>
      %dma_wait3A_41 = arith.constant 0 : i32
      %dma_wait3A_42 = tpu.memref_slice %arg27[%mul3A_4, %dma_wait3A_41] : memref<10240x16xf32, #tpu.memory_space<vmem_shared>> -> memref<640x16xf32, #tpu.memory_space<vmem_shared>>
      tpu.wait_dma2 semaphore(%run_scoped3A : memref<!tpu.dma_semaphore, #tpu.memory_space<semaphore_mem>>) src(%arg17 : memref<640x16xf32, #tpu.memory_space<vmem>>) dst(%dma_wait3A_42 : memref<640x16xf32, #tpu.memory_space<vmem_shared>>)
      tpu.yield
    }) : () -> ()
    "tpu.region"() ({
      %run_scoped3A = tpu.sem_alloc : memref<!tpu.dma_semaphore, #tpu.memory_space<semaphore_mem>>
      %dma_start3A_35 = arith.constant 0 : i32
      %dma_start3A_36 = tpu.memref_slice %arg28[%mul3A_4, %dma_start3A_35] : memref<10240x16xf32, #tpu.memory_space<vmem_shared>> -> memref<640x16xf32, #tpu.memory_space<vmem_shared>>
      %dma_start3A_37 = arith.constant 0 : i32
      %dma_start3A_38 = tpu.memref_slice %arg28[%mul3A_4, %dma_start3A_37] : memref<10240x16xf32, #tpu.memory_space<vmem_shared>> -> memref<640x16xf32, #tpu.memory_space<vmem_shared>>
      tpu.enqueue_dma source(%arg17 : memref<640x16xf32, #tpu.memory_space<vmem>>) target(%dma_start3A_38 : memref<640x16xf32, #tpu.memory_space<vmem_shared>>) target_semaphore(%run_scoped3A : memref<!tpu.dma_semaphore, #tpu.memory_space<semaphore_mem>>)
      %dma_wait3A_39 = arith.constant 0 : i32
      %dma_wait3A_40 = tpu.memref_slice %arg28[%mul3A_4, %dma_wait3A_39] : memref<10240x16xf32, #tpu.memory_space<vmem_shared>> -> memref<640x16xf32, #tpu.memory_space<vmem_shared>>
      %dma_wait3A_41 = arith.constant 0 : i32
      %dma_wait3A_42 = tpu.memref_slice %arg28[%mul3A_4, %dma_wait3A_41] : memref<10240x16xf32, #tpu.memory_space<vmem_shared>> -> memref<640x16xf32, #tpu.memory_space<vmem_shared>>
      tpu.wait_dma2 semaphore(%run_scoped3A : memref<!tpu.dma_semaphore, #tpu.memory_space<semaphore_mem>>) src(%arg17 : memref<640x16xf32, #tpu.memory_space<vmem>>) dst(%dma_wait3A_42 : memref<640x16xf32, #tpu.memory_space<vmem_shared>>)
      tpu.yield
    }) : () -> ()
    "tpu.region"() ({
      %run_scoped3A = tpu.sem_alloc : memref<!tpu.dma_semaphore, #tpu.memory_space<semaphore_mem>>
      %dma_start3A_35 = arith.constant 0 : i32
      %dma_start3A_36 = tpu.memref_slice %arg29[%mul3A_4, %dma_start3A_35] : memref<10240x16xf32, #tpu.memory_space<vmem_shared>> -> memref<640x16xf32, #tpu.memory_space<vmem_shared>>
      %dma_start3A_37 = arith.constant 0 : i32
      %dma_start3A_38 = tpu.memref_slice %arg29[%mul3A_4, %dma_start3A_37] : memref<10240x16xf32, #tpu.memory_space<vmem_shared>> -> memref<640x16xf32, #tpu.memory_space<vmem_shared>>
      tpu.enqueue_dma source(%arg17 : memref<640x16xf32, #tpu.memory_space<vmem>>) target(%dma_start3A_38 : memref<640x16xf32, #tpu.memory_space<vmem_shared>>) target_semaphore(%run_scoped3A : memref<!tpu.dma_semaphore, #tpu.memory_space<semaphore_mem>>)
      %dma_wait3A_39 = arith.constant 0 : i32
      %dma_wait3A_40 = tpu.memref_slice %arg29[%mul3A_4, %dma_wait3A_39] : memref<10240x16xf32, #tpu.memory_space<vmem_shared>> -> memref<640x16xf32, #tpu.memory_space<vmem_shared>>
      %dma_wait3A_41 = arith.constant 0 : i32
      %dma_wait3A_42 = tpu.memref_slice %arg29[%mul3A_4, %dma_wait3A_41] : memref<10240x16xf32, #tpu.memory_space<vmem_shared>> -> memref<640x16xf32, #tpu.memory_space<vmem_shared>>
      tpu.wait_dma2 semaphore(%run_scoped3A : memref<!tpu.dma_semaphore, #tpu.memory_space<semaphore_mem>>) src(%arg17 : memref<640x16xf32, #tpu.memory_space<vmem>>) dst(%dma_wait3A_42 : memref<640x16xf32, #tpu.memory_space<vmem_shared>>)
      tpu.yield
    }) : () -> ()
    %barrier3A = arith.constant 0 : index
    tpu.barrier barrier_id(%barrier3A)
    %iota3A = tpu.iota {dimensions = array<i32: 0>} : vector<16xi32>
    %mul3A_5 = arith.constant 10000 : i32
    %mul3A_6 = arith.muli %add3A, %mul3A_5 : i32
    %add3A_7 = arith.constant 0 : i32
    %add3A_8 = arith.addi %mul3A_6, %add3A_7 : i32
    %dma_start3A = arith.constant 0 : i32
    %dma_start3A_9 = tpu.memref_slice %arg2[%dma_start3A, %add3A_8] : memref<16x320000xf32, #tpu.memory_space<hbm>> -> memref<16x400xf32, #tpu.memory_space<hbm>>
    %dma_start3A_10 = arith.constant 0 : i32
    %dma_start3A_11 = tpu.memref_slice %arg2[%dma_start3A_10, %add3A_8] : memref<16x320000xf32, #tpu.memory_space<hbm>> -> memref<16x400xf32, #tpu.memory_space<hbm>>
    tpu.enqueue_dma source(%dma_start3A_11 : memref<16x400xf32, #tpu.memory_space<hbm>>) target(%arg12 : memref<16x400xf32, #tpu.memory_space<vmem>>) target_semaphore(%arg31 : memref<!tpu.dma_semaphore, #tpu.memory_space<semaphore_mem>>)
    %dma_start3A_12 = tpu.memref_slice %arg3[%add3A_8] : memref<320000xi32, #tpu.memory_space<hbm>> -> memref<400xi32, #tpu.memory_space<hbm>>
    %dma_start3A_13 = tpu.memref_slice %arg3[%add3A_8] : memref<320000xi32, #tpu.memory_space<hbm>> -> memref<400xi32, #tpu.memory_space<hbm>>
    tpu.enqueue_dma source(%dma_start3A_13 : memref<400xi32, #tpu.memory_space<hbm>>) target(%arg18 : memref<400xi32, #tpu.memory_space<vmem>>) target_semaphore(%arg31 : memref<!tpu.dma_semaphore, #tpu.memory_space<semaphore_mem>>)
    %dma_start3A_14 = tpu.memref_slice %arg4[%add3A_8] : memref<320000xi32, #tpu.memory_space<hbm>> -> memref<400xi32, #tpu.memory_space<hbm>>
    %dma_start3A_15 = tpu.memref_slice %arg4[%add3A_8] : memref<320000xi32, #tpu.memory_space<hbm>> -> memref<400xi32, #tpu.memory_space<hbm>>
    tpu.enqueue_dma source(%dma_start3A_15 : memref<400xi32, #tpu.memory_space<hbm>>) target(%arg20 : memref<400xi32, #tpu.memory_space<vmem>>) target_semaphore(%arg31 : memref<!tpu.dma_semaphore, #tpu.memory_space<semaphore_mem>>)
    %dma_start3A_16 = tpu.memref_slice %arg5[%add3A_8] : memref<320000xi32, #tpu.memory_space<hbm>> -> memref<400xi32, #tpu.memory_space<hbm>>
    %dma_start3A_17 = tpu.memref_slice %arg5[%add3A_8] : memref<320000xi32, #tpu.memory_space<hbm>> -> memref<400xi32, #tpu.memory_space<hbm>>
    tpu.enqueue_dma source(%dma_start3A_17 : memref<400xi32, #tpu.memory_space<hbm>>) target(%arg22 : memref<400xi32, #tpu.memory_space<vmem>>) target_semaphore(%arg31 : memref<!tpu.dma_semaphore, #tpu.memory_space<semaphore_mem>>)
    %scan3A = arith.constant 0 : i32
    %scan3A_18 = arith.constant 0 : i32
    %scan3A_19 = arith.constant 13 : i32
    %scan3A_20 = arith.addi %scan3A_18, %scan3A_19 : i32
    %scan3A_21 = arith.constant 1 : i32
    scf.for %scan3A_35 = %scan3A_18 to %scan3A_20 step %scan3A_21  : i32 {
      %mul3A_36 = arith.constant 2 : i32
      %mul3A_37 = arith.muli %scan3A_35, %mul3A_36 : i32
      %mul3A_38 = arith.constant 10000 : i32
      %mul3A_39 = arith.muli %add3A, %mul3A_38 : i32
      %mul3A_40 = arith.constant 400 : i32
      %mul3A_41 = arith.muli %mul3A_37, %mul3A_40 : i32
      %add3A_42 = arith.addi %mul3A_39, %mul3A_41 : i32
      %dma_wait3A_43 = arith.constant 0 : i32
      %dma_wait3A_44 = tpu.memref_slice %arg2[%dma_wait3A_43, %add3A_42] : memref<16x320000xf32, #tpu.memory_space<hbm>> -> memref<16x400xf32, #tpu.memory_space<hbm>>
      %dma_wait3A_45 = arith.constant 0 : i32
      %dma_wait3A_46 = tpu.memref_slice %arg2[%dma_wait3A_45, %add3A_42] : memref<16x320000xf32, #tpu.memory_space<hbm>> -> memref<16x400xf32, #tpu.memory_space<hbm>>
      tpu.wait_dma2 semaphore(%arg31 : memref<!tpu.dma_semaphore, #tpu.memory_space<semaphore_mem>>) src(%dma_wait3A_46 : memref<16x400xf32, #tpu.memory_space<hbm>>) dst(%arg12 : memref<16x400xf32, #tpu.memory_space<vmem>>)
      %dma_wait3A_47 = tpu.memref_slice %arg3[%add3A_42] : memref<320000xi32, #tpu.memory_space<hbm>> -> memref<400xi32, #tpu.memory_space<hbm>>
      %dma_wait3A_48 = tpu.memref_slice %arg3[%add3A_42] : memref<320000xi32, #tpu.memory_space<hbm>> -> memref<400xi32, #tpu.memory_space<hbm>>
      tpu.wait_dma2 semaphore(%arg31 : memref<!tpu.dma_semaphore, #tpu.memory_space<semaphore_mem>>) src(%dma_wait3A_48 : memref<400xi32, #tpu.memory_space<hbm>>) dst(%arg18 : memref<400xi32, #tpu.memory_space<vmem>>)
      %dma_wait3A_49 = tpu.memref_slice %arg4[%add3A_42] : memref<320000xi32, #tpu.memory_space<hbm>> -> memref<400xi32, #tpu.memory_space<hbm>>
      %dma_wait3A_50 = tpu.memref_slice %arg4[%add3A_42] : memref<320000xi32, #tpu.memory_space<hbm>> -> memref<400xi32, #tpu.memory_space<hbm>>
      tpu.wait_dma2 semaphore(%arg31 : memref<!tpu.dma_semaphore, #tpu.memory_space<semaphore_mem>>) src(%dma_wait3A_50 : memref<400xi32, #tpu.memory_space<hbm>>) dst(%arg20 : memref<400xi32, #tpu.memory_space<vmem>>)
      %dma_wait3A_51 = tpu.memref_slice %arg5[%add3A_42] : memref<320000xi32, #tpu.memory_space<hbm>> -> memref<400xi32, #tpu.memory_space<hbm>>
      %dma_wait3A_52 = tpu.memref_slice %arg5[%add3A_42] : memref<320000xi32, #tpu.memory_space<hbm>> -> memref<400xi32, #tpu.memory_space<hbm>>
      tpu.wait_dma2 semaphore(%arg31 : memref<!tpu.dma_semaphore, #tpu.memory_space<semaphore_mem>>) src(%dma_wait3A_52 : memref<400xi32, #tpu.memory_space<hbm>>) dst(%arg22 : memref<400xi32, #tpu.memory_space<vmem>>)
      %dma_start3A_53 = arith.constant 0 : i32
      %dma_start3A_54 = tpu.memref_slice %arg30[%dma_start3A_53] : memref<320000xi32, #tpu.memory_space<vmem_shared>> -> memref<320000xi32, #tpu.memory_space<vmem_shared>>
      tpu.enqueue_indirect_dma source(%dma_start3A_54 : memref<320000xi32, #tpu.memory_space<vmem_shared>>) target(%arg24 : memref<400xi32, #tpu.memory_space<vmem>>) offsets(%arg22 : memref<400xi32, #tpu.memory_space<vmem>>) semaphore(%arg35 : memref<!tpu.dma_semaphore, #tpu.memory_space<semaphore_mem>>)
      %scan3A_55 = arith.constant 0 : i32
      %scan3A_56 = arith.constant 0 : i32
      %scan3A_57 = arith.constant 25 : i32
      %scan3A_58 = arith.addi %scan3A_56, %scan3A_57 : i32
      %scan3A_59 = arith.constant 1 : i32
      scf.for %scan3A_90 = %scan3A_56 to %scan3A_58 step %scan3A_59  : i32 {
        %mul3A_91 = arith.constant 16 : i32
        %mul3A_92 = arith.muli %scan3A_90, %mul3A_91 : i32
        %add3A_93 = vector.broadcast %mul3A_92 : i32 to vector<16xi32>
        %add3A_94 = arith.addi %iota3A, %add3A_93 : vector<16xi32>
        %mul3A_95 = arith.constant 16 : i32
        %mul3A_96 = arith.muli %scan3A_90, %mul3A_95 : i32
        %get3A = arith.constant 0 : i32
        %get3A_97 = arith.index_cast %get3A : i32 to index
        %get3A_98 = arith.index_cast %mul3A_96 : i32 to index
        %get3A_99 = tpu.vector_load %arg12[%get3A_97, %get3A_98] {strides = array<i32>} : memref<16x400xf32, #tpu.memory_space<vmem>>, vector<16xf32>,
        %broadcast_in_dim3A = arith.constant 0 : i32
        %broadcast_in_dim3A_100 = vector.broadcast %broadcast_in_dim3A : i32 to vector<16xi32>
        tpu.vector_store_idx %arg14[%add3A_94, %broadcast_in_dim3A_100], %get3A_99 : memref<400x16xf32, #tpu.memory_space<vmem>>[vector<16xi32>, vector<16xi32>], vector<16xf32>,
        %mul3A_101 = arith.constant 16 : i32
        %mul3A_102 = arith.muli %scan3A_90, %mul3A_101 : i32
        %get3A_103 = arith.constant 1 : i32
        %get3A_104 = arith.index_cast %get3A_103 : i32 to index
        %get3A_105 = arith.index_cast %mul3A_102 : i32 to index
        %get3A_106 = tpu.vector_load %arg12[%get3A_104, %get3A_105] {strides = array<i32>} : memref<16x400xf32, #tpu.memory_space<vmem>>, vector<16xf32>,
        %broadcast_in_dim3A_107 = arith.constant 1 : i32
        %broadcast_in_dim3A_108 = vector.broadcast %broadcast_in_dim3A_107 : i32 to vector<16xi32>
        tpu.vector_store_idx %arg14[%add3A_94, %broadcast_in_dim3A_108], %get3A_106 : memref<400x16xf32, #tpu.memory_space<vmem>>[vector<16xi32>, vector<16xi32>], vector<16xf32>,
        %mul3A_109 = arith.constant 16 : i32
        %mul3A_110 = arith.muli %scan3A_90, %mul3A_109 : i32
        %get3A_111 = arith.constant 2 : i32
        %get3A_112 = arith.index_cast %get3A_111 : i32 to index
        %get3A_113 = arith.index_cast %mul3A_110 : i32 to index
        %get3A_114 = tpu.vector_load %arg12[%get3A_112, %get3A_113] {strides = array<i32>} : memref<16x400xf32, #tpu.memory_space<vmem>>, vector<16xf32>,
        %broadcast_in_dim3A_115 = arith.constant 2 : i32
        %broadcast_in_dim3A_116 = vector.broadcast %broadcast_in_dim3A_115 : i32 to vector<16xi32>
        tpu.vector_store_idx %arg14[%add3A_94, %broadcast_in_dim3A_116], %get3A_114 : memref<400x16xf32, #tpu.memory_space<vmem>>[vector<16xi32>, vector<16xi32>], vector<16xf32>,
        %mul3A_117 = arith.constant 16 : i32
        %mul3A_118 = arith.muli %scan3A_90, %mul3A_117 : i32
        %get3A_119 = arith.constant 3 : i32
        %get3A_120 = arith.index_cast %get3A_119 : i32 to index
        %get3A_121 = arith.index_cast %mul3A_118 : i32 to index
        %get3A_122 = tpu.vector_load %arg12[%get3A_120, %get3A_121] {strides = array<i32>} : memref<16x400xf32, #tpu.memory_space<vmem>>, vector<16xf32>,
        %broadcast_in_dim3A_123 = arith.constant 3 : i32
        %broadcast_in_dim3A_124 = vector.broadcast %broadcast_in_dim3A_123 : i32 to vector<16xi32>
        tpu.vector_store_idx %arg14[%add3A_94, %broadcast_in_dim3A_124], %get3A_122 : memref<400x16xf32, #tpu.memory_space<vmem>>[vector<16xi32>, vector<16xi32>], vector<16xf32>,
        %mul3A_125 = arith.constant 16 : i32
        %mul3A_126 = arith.muli %scan3A_90, %mul3A_125 : i32
        %get3A_127 = arith.constant 4 : i32
        %get3A_128 = arith.index_cast %get3A_127 : i32 to index
        %get3A_129 = arith.index_cast %mul3A_126 : i32 to index
        %get3A_130 = tpu.vector_load %arg12[%get3A_128, %get3A_129] {strides = array<i32>} : memref<16x400xf32, #tpu.memory_space<vmem>>, vector<16xf32>,
        %broadcast_in_dim3A_131 = arith.constant 4 : i32
        %broadcast_in_dim3A_132 = vector.broadcast %broadcast_in_dim3A_131 : i32 to vector<16xi32>
        tpu.vector_store_idx %arg14[%add3A_94, %broadcast_in_dim3A_132], %get3A_130 : memref<400x16xf32, #tpu.memory_space<vmem>>[vector<16xi32>, vector<16xi32>], vector<16xf32>,
        %mul3A_133 = arith.constant 16 : i32
        %mul3A_134 = arith.muli %scan3A_90, %mul3A_133 : i32
        %get3A_135 = arith.constant 5 : i32
        %get3A_136 = arith.index_cast %get3A_135 : i32 to index
        %get3A_137 = arith.index_cast %mul3A_134 : i32 to index
        %get3A_138 = tpu.vector_load %arg12[%get3A_136, %get3A_137] {strides = array<i32>} : memref<16x400xf32, #tpu.memory_space<vmem>>, vector<16xf32>,
        %broadcast_in_dim3A_139 = arith.constant 5 : i32
        %broadcast_in_dim3A_140 = vector.broadcast %broadcast_in_dim3A_139 : i32 to vector<16xi32>
        tpu.vector_store_idx %arg14[%add3A_94, %broadcast_in_dim3A_140], %get3A_138 : memref<400x16xf32, #tpu.memory_space<vmem>>[vector<16xi32>, vector<16xi32>], vector<16xf32>,
        %mul3A_141 = arith.constant 16 : i32
        %mul3A_142 = arith.muli %scan3A_90, %mul3A_141 : i32
        %get3A_143 = arith.constant 6 : i32
        %get3A_144 = arith.index_cast %get3A_143 : i32 to index
        %get3A_145 = arith.index_cast %mul3A_142 : i32 to index
        %get3A_146 = tpu.vector_load %arg12[%get3A_144, %get3A_145] {strides = array<i32>} : memref<16x400xf32, #tpu.memory_space<vmem>>, vector<16xf32>,
        %broadcast_in_dim3A_147 = arith.constant 6 : i32
        %broadcast_in_dim3A_148 = vector.broadcast %broadcast_in_dim3A_147 : i32 to vector<16xi32>
        tpu.vector_store_idx %arg14[%add3A_94, %broadcast_in_dim3A_148], %get3A_146 : memref<400x16xf32, #tpu.memory_space<vmem>>[vector<16xi32>, vector<16xi32>], vector<16xf32>,
        %mul3A_149 = arith.constant 16 : i32
        %mul3A_150 = arith.muli %scan3A_90, %mul3A_149 : i32
        %get3A_151 = arith.constant 7 : i32
        %get3A_152 = arith.index_cast %get3A_151 : i32 to index
        %get3A_153 = arith.index_cast %mul3A_150 : i32 to index
        %get3A_154 = tpu.vector_load %arg12[%get3A_152, %get3A_153] {strides = array<i32>} : memref<16x400xf32, #tpu.memory_space<vmem>>, vector<16xf32>,
        %broadcast_in_dim3A_155 = arith.constant 7 : i32
        %broadcast_in_dim3A_156 = vector.broadcast %broadcast_in_dim3A_155 : i32 to vector<16xi32>
        tpu.vector_store_idx %arg14[%add3A_94, %broadcast_in_dim3A_156], %get3A_154 : memref<400x16xf32, #tpu.memory_space<vmem>>[vector<16xi32>, vector<16xi32>], vector<16xf32>,
        %mul3A_157 = arith.constant 16 : i32
        %mul3A_158 = arith.muli %scan3A_90, %mul3A_157 : i32
        %get3A_159 = arith.constant 8 : i32
        %get3A_160 = arith.index_cast %get3A_159 : i32 to index
        %get3A_161 = arith.index_cast %mul3A_158 : i32 to index
        %get3A_162 = tpu.vector_load %arg12[%get3A_160, %get3A_161] {strides = array<i32>} : memref<16x400xf32, #tpu.memory_space<vmem>>, vector<16xf32>,
        %broadcast_in_dim3A_163 = arith.constant 8 : i32
        %broadcast_in_dim3A_164 = vector.broadcast %broadcast_in_dim3A_163 : i32 to vector<16xi32>
        tpu.vector_store_idx %arg14[%add3A_94, %broadcast_in_dim3A_164], %get3A_162 : memref<400x16xf32, #tpu.memory_space<vmem>>[vector<16xi32>, vector<16xi32>], vector<16xf32>,
        %mul3A_165 = arith.constant 16 : i32
        %mul3A_166 = arith.muli %scan3A_90, %mul3A_165 : i32
        %get3A_167 = arith.constant 9 : i32
        %get3A_168 = arith.index_cast %get3A_167 : i32 to index
        %get3A_169 = arith.index_cast %mul3A_166 : i32 to index
        %get3A_170 = tpu.vector_load %arg12[%get3A_168, %get3A_169] {strides = array<i32>} : memref<16x400xf32, #tpu.memory_space<vmem>>, vector<16xf32>,
        %broadcast_in_dim3A_171 = arith.constant 9 : i32
        %broadcast_in_dim3A_172 = vector.broadcast %broadcast_in_dim3A_171 : i32 to vector<16xi32>
        tpu.vector_store_idx %arg14[%add3A_94, %broadcast_in_dim3A_172], %get3A_170 : memref<400x16xf32, #tpu.memory_space<vmem>>[vector<16xi32>, vector<16xi32>], vector<16xf32>,
        %mul3A_173 = arith.constant 16 : i32
        %mul3A_174 = arith.muli %scan3A_90, %mul3A_173 : i32
        %get3A_175 = arith.constant 10 : i32
        %get3A_176 = arith.index_cast %get3A_175 : i32 to index
        %get3A_177 = arith.index_cast %mul3A_174 : i32 to index
        %get3A_178 = tpu.vector_load %arg12[%get3A_176, %get3A_177] {strides = array<i32>} : memref<16x400xf32, #tpu.memory_space<vmem>>, vector<16xf32>,
        %broadcast_in_dim3A_179 = arith.constant 10 : i32
        %broadcast_in_dim3A_180 = vector.broadcast %broadcast_in_dim3A_179 : i32 to vector<16xi32>
        tpu.vector_store_idx %arg14[%add3A_94, %broadcast_in_dim3A_180], %get3A_178 : memref<400x16xf32, #tpu.memory_space<vmem>>[vector<16xi32>, vector<16xi32>], vector<16xf32>,
        %mul3A_181 = arith.constant 16 : i32
        %mul3A_182 = arith.muli %scan3A_90, %mul3A_181 : i32
        %get3A_183 = arith.constant 11 : i32
        %get3A_184 = arith.index_cast %get3A_183 : i32 to index
        %get3A_185 = arith.index_cast %mul3A_182 : i32 to index
        %get3A_186 = tpu.vector_load %arg12[%get3A_184, %get3A_185] {strides = array<i32>} : memref<16x400xf32, #tpu.memory_space<vmem>>, vector<16xf32>,
        %broadcast_in_dim3A_187 = arith.constant 11 : i32
        %broadcast_in_dim3A_188 = vector.broadcast %broadcast_in_dim3A_187 : i32 to vector<16xi32>
        tpu.vector_store_idx %arg14[%add3A_94, %broadcast_in_dim3A_188], %get3A_186 : memref<400x16xf32, #tpu.memory_space<vmem>>[vector<16xi32>, vector<16xi32>], vector<16xf32>,
        %mul3A_189 = arith.constant 16 : i32
        %mul3A_190 = arith.muli %scan3A_90, %mul3A_189 : i32
        %get3A_191 = arith.constant 12 : i32
        %get3A_192 = arith.index_cast %get3A_191 : i32 to index
        %get3A_193 = arith.index_cast %mul3A_190 : i32 to index
        %get3A_194 = tpu.vector_load %arg12[%get3A_192, %get3A_193] {strides = array<i32>} : memref<16x400xf32, #tpu.memory_space<vmem>>, vector<16xf32>,
        %broadcast_in_dim3A_195 = arith.constant 12 : i32
        %broadcast_in_dim3A_196 = vector.broadcast %broadcast_in_dim3A_195 : i32 to vector<16xi32>
        tpu.vector_store_idx %arg14[%add3A_94, %broadcast_in_dim3A_196], %get3A_194 : memref<400x16xf32, #tpu.memory_space<vmem>>[vector<16xi32>, vector<16xi32>], vector<16xf32>,
        %mul3A_197 = arith.constant 16 : i32
        %mul3A_198 = arith.muli %scan3A_90, %mul3A_197 : i32
        %get3A_199 = arith.constant 13 : i32
        %get3A_200 = arith.index_cast %get3A_199 : i32 to index
        %get3A_201 = arith.index_cast %mul3A_198 : i32 to index
        %get3A_202 = tpu.vector_load %arg12[%get3A_200, %get3A_201] {strides = array<i32>} : memref<16x400xf32, #tpu.memory_space<vmem>>, vector<16xf32>,
        %broadcast_in_dim3A_203 = arith.constant 13 : i32
        %broadcast_in_dim3A_204 = vector.broadcast %broadcast_in_dim3A_203 : i32 to vector<16xi32>
        tpu.vector_store_idx %arg14[%add3A_94, %broadcast_in_dim3A_204], %get3A_202 : memref<400x16xf32, #tpu.memory_space<vmem>>[vector<16xi32>, vector<16xi32>], vector<16xf32>,
        %mul3A_205 = arith.constant 16 : i32
        %mul3A_206 = arith.muli %scan3A_90, %mul3A_205 : i32
        %get3A_207 = arith.constant 14 : i32
        %get3A_208 = arith.index_cast %get3A_207 : i32 to index
        %get3A_209 = arith.index_cast %mul3A_206 : i32 to index
        %get3A_210 = tpu.vector_load %arg12[%get3A_208, %get3A_209] {strides = array<i32>} : memref<16x400xf32, #tpu.memory_space<vmem>>, vector<16xf32>,
        %broadcast_in_dim3A_211 = arith.constant 14 : i32
        %broadcast_in_dim3A_212 = vector.broadcast %broadcast_in_dim3A_211 : i32 to vector<16xi32>
        tpu.vector_store_idx %arg14[%add3A_94, %broadcast_in_dim3A_212], %get3A_210 : memref<400x16xf32, #tpu.memory_space<vmem>>[vector<16xi32>, vector<16xi32>], vector<16xf32>,
        %mul3A_213 = arith.constant 16 : i32
        %mul3A_214 = arith.muli %scan3A_90, %mul3A_213 : i32
        %get3A_215 = arith.constant 15 : i32
        %get3A_216 = arith.index_cast %get3A_215 : i32 to index
        %get3A_217 = arith.index_cast %mul3A_214 : i32 to index
        %get3A_218 = tpu.vector_load %arg12[%get3A_216, %get3A_217] {strides = array<i32>} : memref<16x400xf32, #tpu.memory_space<vmem>>, vector<16xf32>,
        %broadcast_in_dim3A_219 = arith.constant 15 : i32
        %broadcast_in_dim3A_220 = vector.broadcast %broadcast_in_dim3A_219 : i32 to vector<16xi32>
        tpu.vector_store_idx %arg14[%add3A_94, %broadcast_in_dim3A_220], %get3A_218 : memref<400x16xf32, #tpu.memory_space<vmem>>[vector<16xi32>, vector<16xi32>], vector<16xf32>,
      }
      %scan3A_60 = arith.constant 25 : i32
      %dma_start3A_61 = arith.constant 0 : i32
      %dma_start3A_62 = arith.constant 0 : i32
      %dma_start3A_63 = tpu.memref_slice %arg26[%dma_start3A_61, %dma_start3A_62] : memref<10240x16xf32, #tpu.memory_space<vmem_shared>> -> memref<10240x16xf32, #tpu.memory_space<vmem_shared>>
      tpu.enqueue_indirect_dma source(%arg14 : memref<400x16xf32, #tpu.memory_space<vmem>>) target(%dma_start3A_63 : memref<10240x16xf32, #tpu.memory_space<vmem_shared>>) offsets(%arg20 : memref<400xi32, #tpu.memory_space<vmem>>) semaphore(%arg33 : memref<!tpu.dma_semaphore, #tpu.memory_space<semaphore_mem>>) {add = true}
      %dma_start3A_64 = arith.constant 0 : i32
      %dma_start3A_65 = arith.constant 0 : i32
      %dma_start3A_66 = tpu.memref_slice %arg28[%dma_start3A_64, %dma_start3A_65] : memref<10240x16xf32, #tpu.memory_space<vmem_shared>> -> memref<10240x16xf32, #tpu.memory_space<vmem_shared>>
      tpu.enqueue_indirect_dma source(%arg16 : memref<400x16xf32, #tpu.memory_space<vmem>>) target(%dma_start3A_66 : memref<10240x16xf32, #tpu.memory_space<vmem_shared>>) offsets(%arg20 : memref<400xi32, #tpu.memory_space<vmem>>) semaphore(%arg33 : memref<!tpu.dma_semaphore, #tpu.memory_space<semaphore_mem>>) {add = true}
      %dma_start3A_67 = arith.constant 0 : i32
      %dma_start3A_68 = arith.constant 0 : i32
      %dma_start3A_69 = tpu.memref_slice %arg29[%dma_start3A_67, %dma_start3A_68] : memref<10240x16xf32, #tpu.memory_space<vmem_shared>> -> memref<10240x16xf32, #tpu.memory_space<vmem_shared>>
      tpu.enqueue_indirect_dma source(%arg16 : memref<400x16xf32, #tpu.memory_space<vmem>>) target(%dma_start3A_69 : memref<10240x16xf32, #tpu.memory_space<vmem_shared>>) offsets(%arg18 : memref<400xi32, #tpu.memory_space<vmem>>) semaphore(%arg33 : memref<!tpu.dma_semaphore, #tpu.memory_space<semaphore_mem>>) {add = true}
      %dma_wait3A_70 = arith.constant 0 : i32
      %dma_wait3A_71 = tpu.memref_slice %arg30[%dma_wait3A_70] : memref<320000xi32, #tpu.memory_space<vmem_shared>> -> memref<320000xi32, #tpu.memory_space<vmem_shared>>
      tpu.wait_indirect_dma semaphore(%arg35 : memref<!tpu.dma_semaphore, #tpu.memory_space<semaphore_mem>>) src(%dma_wait3A_71 : memref<320000xi32, #tpu.memory_space<vmem_shared>>) dst(%arg24 : memref<400xi32, #tpu.memory_space<vmem>>)
      %dma_start3A_72 = arith.constant 0 : i32
      %dma_start3A_73 = arith.constant 0 : i32
      %dma_start3A_74 = tpu.memref_slice %arg27[%dma_start3A_72, %dma_start3A_73] : memref<10240x16xf32, #tpu.memory_space<vmem_shared>> -> memref<10240x16xf32, #tpu.memory_space<vmem_shared>>
      tpu.enqueue_indirect_dma source(%arg14 : memref<400x16xf32, #tpu.memory_space<vmem>>) target(%dma_start3A_74 : memref<10240x16xf32, #tpu.memory_space<vmem_shared>>) offsets(%arg24 : memref<400xi32, #tpu.memory_space<vmem>>) semaphore(%arg33 : memref<!tpu.dma_semaphore, #tpu.memory_space<semaphore_mem>>) {add = true}
      %ge3A = arith.constant 1 : i32
      %ge3A_75 = arith.cmpi sge, %mul3A_37, %ge3A : i32
      %convert_element_type3A = arith.extui %ge3A_75 : i1 to i32
      %cond3A = arith.constant 0 : i32
      %cond3A_76 = arith.cmpi ne, %convert_element_type3A, %cond3A : i32
      scf.if %cond3A_76 {
        %dma_wait3A_90 = arith.constant 0 : i32
        %dma_wait3A_91 = arith.constant 0 : i32
        %dma_wait3A_92 = tpu.memref_slice %arg26[%dma_wait3A_90, %dma_wait3A_91] : memref<10240x16xf32, #tpu.memory_space<vmem_shared>> -> memref<10240x16xf32, #tpu.memory_space<vmem_shared>>
        tpu.wait_indirect_dma semaphore(%arg34 : memref<!tpu.dma_semaphore, #tpu.memory_space<semaphore_mem>>) src(%arg15 : memref<400x16xf32, #tpu.memory_space<vmem>>) dst(%dma_wait3A_92 : memref<10240x16xf32, #tpu.memory_space<vmem_shared>>)
        %dma_wait3A_93 = arith.constant 0 : i32
        %dma_wait3A_94 = arith.constant 0 : i32
        %dma_wait3A_95 = tpu.memref_slice %arg27[%dma_wait3A_93, %dma_wait3A_94] : memref<10240x16xf32, #tpu.memory_space<vmem_shared>> -> memref<10240x16xf32, #tpu.memory_space<vmem_shared>>
        tpu.wait_indirect_dma semaphore(%arg34 : memref<!tpu.dma_semaphore, #tpu.memory_space<semaphore_mem>>) src(%arg15 : memref<400x16xf32, #tpu.memory_space<vmem>>) dst(%dma_wait3A_95 : memref<10240x16xf32, #tpu.memory_space<vmem_shared>>)
        %dma_wait3A_96 = arith.constant 0 : i32
        %dma_wait3A_97 = arith.constant 0 : i32
        %dma_wait3A_98 = tpu.memref_slice %arg28[%dma_wait3A_96, %dma_wait3A_97] : memref<10240x16xf32, #tpu.memory_space<vmem_shared>> -> memref<10240x16xf32, #tpu.memory_space<vmem_shared>>
        tpu.wait_indirect_dma semaphore(%arg34 : memref<!tpu.dma_semaphore, #tpu.memory_space<semaphore_mem>>) src(%arg16 : memref<400x16xf32, #tpu.memory_space<vmem>>) dst(%dma_wait3A_98 : memref<10240x16xf32, #tpu.memory_space<vmem_shared>>)
        %dma_wait3A_99 = arith.constant 0 : i32
        %dma_wait3A_100 = arith.constant 0 : i32
        %dma_wait3A_101 = tpu.memref_slice %arg29[%dma_wait3A_99, %dma_wait3A_100] : memref<10240x16xf32, #tpu.memory_space<vmem_shared>> -> memref<10240x16xf32, #tpu.memory_space<vmem_shared>>
        tpu.wait_indirect_dma semaphore(%arg34 : memref<!tpu.dma_semaphore, #tpu.memory_space<semaphore_mem>>) src(%arg16 : memref<400x16xf32, #tpu.memory_space<vmem>>) dst(%dma_wait3A_101 : memref<10240x16xf32, #tpu.memory_space<vmem_shared>>)
      } else {
      }
      %add3A_77 = arith.constant 1 : i32
      %add3A_78 = arith.addi %mul3A_37, %add3A_77 : i32
      %lt3A = arith.constant 25 : i32
      %lt3A_79 = arith.cmpi slt, %add3A_78, %lt3A : i32
      %convert_element_type3A_80 = arith.extui %lt3A_79 : i1 to i32
      %cond3A_81 = arith.constant 0 : i32
      %cond3A_82 = arith.cmpi ne, %convert_element_type3A_80, %cond3A_81 : i32
      scf.if %cond3A_82 {
        %add3A_90 = arith.constant 1 : i32
        %add3A_91 = arith.addi %mul3A_37, %add3A_90 : i32
        %mul3A_92 = arith.constant 10000 : i32
        %mul3A_93 = arith.muli %add3A, %mul3A_92 : i32
        %mul3A_94 = arith.constant 400 : i32
        %mul3A_95 = arith.muli %add3A_91, %mul3A_94 : i32
        %add3A_96 = arith.addi %mul3A_93, %mul3A_95 : i32
        %dma_start3A_97 = arith.constant 0 : i32
        %dma_start3A_98 = tpu.memref_slice %arg2[%dma_start3A_97, %add3A_96] : memref<16x320000xf32, #tpu.memory_space<hbm>> -> memref<16x400xf32, #tpu.memory_space<hbm>>
        %dma_start3A_99 = arith.constant 0 : i32
        %dma_start3A_100 = tpu.memref_slice %arg2[%dma_start3A_99, %add3A_96] : memref<16x320000xf32, #tpu.memory_space<hbm>> -> memref<16x400xf32, #tpu.memory_space<hbm>>
        tpu.enqueue_dma source(%dma_start3A_100 : memref<16x400xf32, #tpu.memory_space<hbm>>) target(%arg13 : memref<16x400xf32, #tpu.memory_space<vmem>>) target_semaphore(%arg32 : memref<!tpu.dma_semaphore, #tpu.memory_space<semaphore_mem>>)
        %dma_start3A_101 = tpu.memref_slice %arg3[%add3A_96] : memref<320000xi32, #tpu.memory_space<hbm>> -> memref<400xi32, #tpu.memory_space<hbm>>
        %dma_start3A_102 = tpu.memref_slice %arg3[%add3A_96] : memref<320000xi32, #tpu.memory_space<hbm>> -> memref<400xi32, #tpu.memory_space<hbm>>
        tpu.enqueue_dma source(%dma_start3A_102 : memref<400xi32, #tpu.memory_space<hbm>>) target(%arg19 : memref<400xi32, #tpu.memory_space<vmem>>) target_semaphore(%arg32 : memref<!tpu.dma_semaphore, #tpu.memory_space<semaphore_mem>>)
        %dma_start3A_103 = tpu.memref_slice %arg4[%add3A_96] : memref<320000xi32, #tpu.memory_space<hbm>> -> memref<400xi32, #tpu.memory_space<hbm>>
        %dma_start3A_104 = tpu.memref_slice %arg4[%add3A_96] : memref<320000xi32, #tpu.memory_space<hbm>> -> memref<400xi32, #tpu.memory_space<hbm>>
        tpu.enqueue_dma source(%dma_start3A_104 : memref<400xi32, #tpu.memory_space<hbm>>) target(%arg21 : memref<400xi32, #tpu.memory_space<vmem>>) target_semaphore(%arg32 : memref<!tpu.dma_semaphore, #tpu.memory_space<semaphore_mem>>)
        %dma_start3A_105 = tpu.memref_slice %arg5[%add3A_96] : memref<320000xi32, #tpu.memory_space<hbm>> -> memref<400xi32, #tpu.memory_space<hbm>>
        %dma_start3A_106 = tpu.memref_slice %arg5[%add3A_96] : memref<320000xi32, #tpu.memory_space<hbm>> -> memref<400xi32, #tpu.memory_space<hbm>>
        tpu.enqueue_dma source(%dma_start3A_106 : memref<400xi32, #tpu.memory_space<hbm>>) target(%arg23 : memref<400xi32, #tpu.memory_space<vmem>>) target_semaphore(%arg32 : memref<!tpu.dma_semaphore, #tpu.memory_space<semaphore_mem>>)
      } else {
      }
      %add3A_83 = arith.constant 1 : i32
      %add3A_84 = arith.addi %mul3A_37, %add3A_83 : i32
      %lt3A_85 = arith.constant 25 : i32
      %lt3A_86 = arith.cmpi slt, %add3A_84, %lt3A_85 : i32
      %convert_element_type3A_87 = arith.extui %lt3A_86 : i1 to i32
      %cond3A_88 = arith.constant 0 : i32
      %cond3A_89 = arith.cmpi ne, %convert_element_type3A_87, %cond3A_88 : i32
      scf.if %cond3A_89 {
        %add3A_90 = arith.constant 1 : i32
        %add3A_91 = arith.addi %mul3A_37, %add3A_90 : i32
        %mul3A_92 = arith.constant 10000 : i32
        %mul3A_93 = arith.muli %add3A, %mul3A_92 : i32
        %mul3A_94 = arith.constant 400 : i32
        %mul3A_95 = arith.muli %add3A_91, %mul3A_94 : i32
        %add3A_96 = arith.addi %mul3A_93, %mul3A_95 : i32
        %dma_wait3A_97 = arith.constant 0 : i32
        %dma_wait3A_98 = tpu.memref_slice %arg2[%dma_wait3A_97, %add3A_96] : memref<16x320000xf32, #tpu.memory_space<hbm>> -> memref<16x400xf32, #tpu.memory_space<hbm>>
        %dma_wait3A_99 = arith.constant 0 : i32
        %dma_wait3A_100 = tpu.memref_slice %arg2[%dma_wait3A_99, %add3A_96] : memref<16x320000xf32, #tpu.memory_space<hbm>> -> memref<16x400xf32, #tpu.memory_space<hbm>>
        tpu.wait_dma2 semaphore(%arg32 : memref<!tpu.dma_semaphore, #tpu.memory_space<semaphore_mem>>) src(%dma_wait3A_100 : memref<16x400xf32, #tpu.memory_space<hbm>>) dst(%arg13 : memref<16x400xf32, #tpu.memory_space<vmem>>)
        %dma_wait3A_101 = tpu.memref_slice %arg3[%add3A_96] : memref<320000xi32, #tpu.memory_space<hbm>> -> memref<400xi32, #tpu.memory_space<hbm>>
        %dma_wait3A_102 = tpu.memref_slice %arg3[%add3A_96] : memref<320000xi32, #tpu.memory_space<hbm>> -> memref<400xi32, #tpu.memory_space<hbm>>
        tpu.wait_dma2 semaphore(%arg32 : memref<!tpu.dma_semaphore, #tpu.memory_space<semaphore_mem>>) src(%dma_wait3A_102 : memref<400xi32, #tpu.memory_space<hbm>>) dst(%arg19 : memref<400xi32, #tpu.memory_space<vmem>>)
        %dma_wait3A_103 = tpu.memref_slice %arg4[%add3A_96] : memref<320000xi32, #tpu.memory_space<hbm>> -> memref<400xi32, #tpu.memory_space<hbm>>
        %dma_wait3A_104 = tpu.memref_slice %arg4[%add3A_96] : memref<320000xi32, #tpu.memory_space<hbm>> -> memref<400xi32, #tpu.memory_space<hbm>>
        tpu.wait_dma2 semaphore(%arg32 : memref<!tpu.dma_semaphore, #tpu.memory_space<semaphore_mem>>) src(%dma_wait3A_104 : memref<400xi32, #tpu.memory_space<hbm>>) dst(%arg21 : memref<400xi32, #tpu.memory_space<vmem>>)
        %dma_wait3A_105 = tpu.memref_slice %arg5[%add3A_96] : memref<320000xi32, #tpu.memory_space<hbm>> -> memref<400xi32, #tpu.memory_space<hbm>>
        %dma_wait3A_106 = tpu.memref_slice %arg5[%add3A_96] : memref<320000xi32, #tpu.memory_space<hbm>> -> memref<400xi32, #tpu.memory_space<hbm>>
        tpu.wait_dma2 semaphore(%arg32 : memref<!tpu.dma_semaphore, #tpu.memory_space<semaphore_mem>>) src(%dma_wait3A_106 : memref<400xi32, #tpu.memory_space<hbm>>) dst(%arg23 : memref<400xi32, #tpu.memory_space<vmem>>)
        %dma_start3A_107 = arith.constant 0 : i32
        %dma_start3A_108 = tpu.memref_slice %arg30[%dma_start3A_107] : memref<320000xi32, #tpu.memory_space<vmem_shared>> -> memref<320000xi32, #tpu.memory_space<vmem_shared>>
        tpu.enqueue_indirect_dma source(%dma_start3A_108 : memref<320000xi32, #tpu.memory_space<vmem_shared>>) target(%arg25 : memref<400xi32, #tpu.memory_space<vmem>>) offsets(%arg23 : memref<400xi32, #tpu.memory_space<vmem>>) semaphore(%arg36 : memref<!tpu.dma_semaphore, #tpu.memory_space<semaphore_mem>>)
        %scan3A_109 = arith.constant 0 : i32
        %scan3A_110 = arith.constant 0 : i32
        %scan3A_111 = arith.constant 25 : i32
        %scan3A_112 = arith.addi %scan3A_110, %scan3A_111 : i32
        %scan3A_113 = arith.constant 1 : i32
        scf.for %scan3A_141 = %scan3A_110 to %scan3A_112 step %scan3A_113  : i32 {
          %mul3A_142 = arith.constant 16 : i32
          %mul3A_143 = arith.muli %scan3A_141, %mul3A_142 : i32
          %add3A_144 = vector.broadcast %mul3A_143 : i32 to vector<16xi32>
          %add3A_145 = arith.addi %iota3A, %add3A_144 : vector<16xi32>
          %mul3A_146 = arith.constant 16 : i32
          %mul3A_147 = arith.muli %scan3A_141, %mul3A_146 : i32
          %get3A = arith.constant 0 : i32
          %get3A_148 = arith.index_cast %get3A : i32 to index
          %get3A_149 = arith.index_cast %mul3A_147 : i32 to index
          %get3A_150 = tpu.vector_load %arg13[%get3A_148, %get3A_149] {strides = array<i32>} : memref<16x400xf32, #tpu.memory_space<vmem>>, vector<16xf32>,
          %broadcast_in_dim3A = arith.constant 0 : i32
          %broadcast_in_dim3A_151 = vector.broadcast %broadcast_in_dim3A : i32 to vector<16xi32>
          tpu.vector_store_idx %arg15[%add3A_145, %broadcast_in_dim3A_151], %get3A_150 : memref<400x16xf32, #tpu.memory_space<vmem>>[vector<16xi32>, vector<16xi32>], vector<16xf32>,
          %mul3A_152 = arith.constant 16 : i32
          %mul3A_153 = arith.muli %scan3A_141, %mul3A_152 : i32
          %get3A_154 = arith.constant 1 : i32
          %get3A_155 = arith.index_cast %get3A_154 : i32 to index
          %get3A_156 = arith.index_cast %mul3A_153 : i32 to index
          %get3A_157 = tpu.vector_load %arg13[%get3A_155, %get3A_156] {strides = array<i32>} : memref<16x400xf32, #tpu.memory_space<vmem>>, vector<16xf32>,
          %broadcast_in_dim3A_158 = arith.constant 1 : i32
          %broadcast_in_dim3A_159 = vector.broadcast %broadcast_in_dim3A_158 : i32 to vector<16xi32>
          tpu.vector_store_idx %arg15[%add3A_145, %broadcast_in_dim3A_159], %get3A_157 : memref<400x16xf32, #tpu.memory_space<vmem>>[vector<16xi32>, vector<16xi32>], vector<16xf32>,
          %mul3A_160 = arith.constant 16 : i32
          %mul3A_161 = arith.muli %scan3A_141, %mul3A_160 : i32
          %get3A_162 = arith.constant 2 : i32
          %get3A_163 = arith.index_cast %get3A_162 : i32 to index
          %get3A_164 = arith.index_cast %mul3A_161 : i32 to index
          %get3A_165 = tpu.vector_load %arg13[%get3A_163, %get3A_164] {strides = array<i32>} : memref<16x400xf32, #tpu.memory_space<vmem>>, vector<16xf32>,
          %broadcast_in_dim3A_166 = arith.constant 2 : i32
          %broadcast_in_dim3A_167 = vector.broadcast %broadcast_in_dim3A_166 : i32 to vector<16xi32>
          tpu.vector_store_idx %arg15[%add3A_145, %broadcast_in_dim3A_167], %get3A_165 : memref<400x16xf32, #tpu.memory_space<vmem>>[vector<16xi32>, vector<16xi32>], vector<16xf32>,
          %mul3A_168 = arith.constant 16 : i32
          %mul3A_169 = arith.muli %scan3A_141, %mul3A_168 : i32
          %get3A_170 = arith.constant 3 : i32
          %get3A_171 = arith.index_cast %get3A_170 : i32 to index
          %get3A_172 = arith.index_cast %mul3A_169 : i32 to index
          %get3A_173 = tpu.vector_load %arg13[%get3A_171, %get3A_172] {strides = array<i32>} : memref<16x400xf32, #tpu.memory_space<vmem>>, vector<16xf32>,
          %broadcast_in_dim3A_174 = arith.constant 3 : i32
          %broadcast_in_dim3A_175 = vector.broadcast %broadcast_in_dim3A_174 : i32 to vector<16xi32>
          tpu.vector_store_idx %arg15[%add3A_145, %broadcast_in_dim3A_175], %get3A_173 : memref<400x16xf32, #tpu.memory_space<vmem>>[vector<16xi32>, vector<16xi32>], vector<16xf32>,
          %mul3A_176 = arith.constant 16 : i32
          %mul3A_177 = arith.muli %scan3A_141, %mul3A_176 : i32
          %get3A_178 = arith.constant 4 : i32
          %get3A_179 = arith.index_cast %get3A_178 : i32 to index
          %get3A_180 = arith.index_cast %mul3A_177 : i32 to index
          %get3A_181 = tpu.vector_load %arg13[%get3A_179, %get3A_180] {strides = array<i32>} : memref<16x400xf32, #tpu.memory_space<vmem>>, vector<16xf32>,
          %broadcast_in_dim3A_182 = arith.constant 4 : i32
          %broadcast_in_dim3A_183 = vector.broadcast %broadcast_in_dim3A_182 : i32 to vector<16xi32>
          tpu.vector_store_idx %arg15[%add3A_145, %broadcast_in_dim3A_183], %get3A_181 : memref<400x16xf32, #tpu.memory_space<vmem>>[vector<16xi32>, vector<16xi32>], vector<16xf32>,
          %mul3A_184 = arith.constant 16 : i32
          %mul3A_185 = arith.muli %scan3A_141, %mul3A_184 : i32
          %get3A_186 = arith.constant 5 : i32
          %get3A_187 = arith.index_cast %get3A_186 : i32 to index
          %get3A_188 = arith.index_cast %mul3A_185 : i32 to index
          %get3A_189 = tpu.vector_load %arg13[%get3A_187, %get3A_188] {strides = array<i32>} : memref<16x400xf32, #tpu.memory_space<vmem>>, vector<16xf32>,
          %broadcast_in_dim3A_190 = arith.constant 5 : i32
          %broadcast_in_dim3A_191 = vector.broadcast %broadcast_in_dim3A_190 : i32 to vector<16xi32>
          tpu.vector_store_idx %arg15[%add3A_145, %broadcast_in_dim3A_191], %get3A_189 : memref<400x16xf32, #tpu.memory_space<vmem>>[vector<16xi32>, vector<16xi32>], vector<16xf32>,
          %mul3A_192 = arith.constant 16 : i32
          %mul3A_193 = arith.muli %scan3A_141, %mul3A_192 : i32
          %get3A_194 = arith.constant 6 : i32
          %get3A_195 = arith.index_cast %get3A_194 : i32 to index
          %get3A_196 = arith.index_cast %mul3A_193 : i32 to index
          %get3A_197 = tpu.vector_load %arg13[%get3A_195, %get3A_196] {strides = array<i32>} : memref<16x400xf32, #tpu.memory_space<vmem>>, vector<16xf32>,
          %broadcast_in_dim3A_198 = arith.constant 6 : i32
          %broadcast_in_dim3A_199 = vector.broadcast %broadcast_in_dim3A_198 : i32 to vector<16xi32>
          tpu.vector_store_idx %arg15[%add3A_145, %broadcast_in_dim3A_199], %get3A_197 : memref<400x16xf32, #tpu.memory_space<vmem>>[vector<16xi32>, vector<16xi32>], vector<16xf32>,
          %mul3A_200 = arith.constant 16 : i32
          %mul3A_201 = arith.muli %scan3A_141, %mul3A_200 : i32
          %get3A_202 = arith.constant 7 : i32
          %get3A_203 = arith.index_cast %get3A_202 : i32 to index
          %get3A_204 = arith.index_cast %mul3A_201 : i32 to index
          %get3A_205 = tpu.vector_load %arg13[%get3A_203, %get3A_204] {strides = array<i32>} : memref<16x400xf32, #tpu.memory_space<vmem>>, vector<16xf32>,
          %broadcast_in_dim3A_206 = arith.constant 7 : i32
          %broadcast_in_dim3A_207 = vector.broadcast %broadcast_in_dim3A_206 : i32 to vector<16xi32>
          tpu.vector_store_idx %arg15[%add3A_145, %broadcast_in_dim3A_207], %get3A_205 : memref<400x16xf32, #tpu.memory_space<vmem>>[vector<16xi32>, vector<16xi32>], vector<16xf32>,
          %mul3A_208 = arith.constant 16 : i32
          %mul3A_209 = arith.muli %scan3A_141, %mul3A_208 : i32
          %get3A_210 = arith.constant 8 : i32
          %get3A_211 = arith.index_cast %get3A_210 : i32 to index
          %get3A_212 = arith.index_cast %mul3A_209 : i32 to index
          %get3A_213 = tpu.vector_load %arg13[%get3A_211, %get3A_212] {strides = array<i32>} : memref<16x400xf32, #tpu.memory_space<vmem>>, vector<16xf32>,
          %broadcast_in_dim3A_214 = arith.constant 8 : i32
          %broadcast_in_dim3A_215 = vector.broadcast %broadcast_in_dim3A_214 : i32 to vector<16xi32>
          tpu.vector_store_idx %arg15[%add3A_145, %broadcast_in_dim3A_215], %get3A_213 : memref<400x16xf32, #tpu.memory_space<vmem>>[vector<16xi32>, vector<16xi32>], vector<16xf32>,
          %mul3A_216 = arith.constant 16 : i32
          %mul3A_217 = arith.muli %scan3A_141, %mul3A_216 : i32
          %get3A_218 = arith.constant 9 : i32
          %get3A_219 = arith.index_cast %get3A_218 : i32 to index
          %get3A_220 = arith.index_cast %mul3A_217 : i32 to index
          %get3A_221 = tpu.vector_load %arg13[%get3A_219, %get3A_220] {strides = array<i32>} : memref<16x400xf32, #tpu.memory_space<vmem>>, vector<16xf32>,
          %broadcast_in_dim3A_222 = arith.constant 9 : i32
          %broadcast_in_dim3A_223 = vector.broadcast %broadcast_in_dim3A_222 : i32 to vector<16xi32>
          tpu.vector_store_idx %arg15[%add3A_145, %broadcast_in_dim3A_223], %get3A_221 : memref<400x16xf32, #tpu.memory_space<vmem>>[vector<16xi32>, vector<16xi32>], vector<16xf32>,
          %mul3A_224 = arith.constant 16 : i32
          %mul3A_225 = arith.muli %scan3A_141, %mul3A_224 : i32
          %get3A_226 = arith.constant 10 : i32
          %get3A_227 = arith.index_cast %get3A_226 : i32 to index
          %get3A_228 = arith.index_cast %mul3A_225 : i32 to index
          %get3A_229 = tpu.vector_load %arg13[%get3A_227, %get3A_228] {strides = array<i32>} : memref<16x400xf32, #tpu.memory_space<vmem>>, vector<16xf32>,
          %broadcast_in_dim3A_230 = arith.constant 10 : i32
          %broadcast_in_dim3A_231 = vector.broadcast %broadcast_in_dim3A_230 : i32 to vector<16xi32>
          tpu.vector_store_idx %arg15[%add3A_145, %broadcast_in_dim3A_231], %get3A_229 : memref<400x16xf32, #tpu.memory_space<vmem>>[vector<16xi32>, vector<16xi32>], vector<16xf32>,
          %mul3A_232 = arith.constant 16 : i32
          %mul3A_233 = arith.muli %scan3A_141, %mul3A_232 : i32
          %get3A_234 = arith.constant 11 : i32
          %get3A_235 = arith.index_cast %get3A_234 : i32 to index
          %get3A_236 = arith.index_cast %mul3A_233 : i32 to index
          %get3A_237 = tpu.vector_load %arg13[%get3A_235, %get3A_236] {strides = array<i32>} : memref<16x400xf32, #tpu.memory_space<vmem>>, vector<16xf32>,
          %broadcast_in_dim3A_238 = arith.constant 11 : i32
          %broadcast_in_dim3A_239 = vector.broadcast %broadcast_in_dim3A_238 : i32 to vector<16xi32>
          tpu.vector_store_idx %arg15[%add3A_145, %broadcast_in_dim3A_239], %get3A_237 : memref<400x16xf32, #tpu.memory_space<vmem>>[vector<16xi32>, vector<16xi32>], vector<16xf32>,
          %mul3A_240 = arith.constant 16 : i32
          %mul3A_241 = arith.muli %scan3A_141, %mul3A_240 : i32
          %get3A_242 = arith.constant 12 : i32
          %get3A_243 = arith.index_cast %get3A_242 : i32 to index
          %get3A_244 = arith.index_cast %mul3A_241 : i32 to index
          %get3A_245 = tpu.vector_load %arg13[%get3A_243, %get3A_244] {strides = array<i32>} : memref<16x400xf32, #tpu.memory_space<vmem>>, vector<16xf32>,
          %broadcast_in_dim3A_246 = arith.constant 12 : i32
          %broadcast_in_dim3A_247 = vector.broadcast %broadcast_in_dim3A_246 : i32 to vector<16xi32>
          tpu.vector_store_idx %arg15[%add3A_145, %broadcast_in_dim3A_247], %get3A_245 : memref<400x16xf32, #tpu.memory_space<vmem>>[vector<16xi32>, vector<16xi32>], vector<16xf32>,
          %mul3A_248 = arith.constant 16 : i32
          %mul3A_249 = arith.muli %scan3A_141, %mul3A_248 : i32
          %get3A_250 = arith.constant 13 : i32
          %get3A_251 = arith.index_cast %get3A_250 : i32 to index
          %get3A_252 = arith.index_cast %mul3A_249 : i32 to index
          %get3A_253 = tpu.vector_load %arg13[%get3A_251, %get3A_252] {strides = array<i32>} : memref<16x400xf32, #tpu.memory_space<vmem>>, vector<16xf32>,
          %broadcast_in_dim3A_254 = arith.constant 13 : i32
          %broadcast_in_dim3A_255 = vector.broadcast %broadcast_in_dim3A_254 : i32 to vector<16xi32>
          tpu.vector_store_idx %arg15[%add3A_145, %broadcast_in_dim3A_255], %get3A_253 : memref<400x16xf32, #tpu.memory_space<vmem>>[vector<16xi32>, vector<16xi32>], vector<16xf32>,
          %mul3A_256 = arith.constant 16 : i32
          %mul3A_257 = arith.muli %scan3A_141, %mul3A_256 : i32
          %get3A_258 = arith.constant 14 : i32
          %get3A_259 = arith.index_cast %get3A_258 : i32 to index
          %get3A_260 = arith.index_cast %mul3A_257 : i32 to index
          %get3A_261 = tpu.vector_load %arg13[%get3A_259, %get3A_260] {strides = array<i32>} : memref<16x400xf32, #tpu.memory_space<vmem>>, vector<16xf32>,
          %broadcast_in_dim3A_262 = arith.constant 14 : i32
          %broadcast_in_dim3A_263 = vector.broadcast %broadcast_in_dim3A_262 : i32 to vector<16xi32>
          tpu.vector_store_idx %arg15[%add3A_145, %broadcast_in_dim3A_263], %get3A_261 : memref<400x16xf32, #tpu.memory_space<vmem>>[vector<16xi32>, vector<16xi32>], vector<16xf32>,
          %mul3A_264 = arith.constant 16 : i32
          %mul3A_265 = arith.muli %scan3A_141, %mul3A_264 : i32
          %get3A_266 = arith.constant 15 : i32
          %get3A_267 = arith.index_cast %get3A_266 : i32 to index
          %get3A_268 = arith.index_cast %mul3A_265 : i32 to index
          %get3A_269 = tpu.vector_load %arg13[%get3A_267, %get3A_268] {strides = array<i32>} : memref<16x400xf32, #tpu.memory_space<vmem>>, vector<16xf32>,
          %broadcast_in_dim3A_270 = arith.constant 15 : i32
          %broadcast_in_dim3A_271 = vector.broadcast %broadcast_in_dim3A_270 : i32 to vector<16xi32>
          tpu.vector_store_idx %arg15[%add3A_145, %broadcast_in_dim3A_271], %get3A_269 : memref<400x16xf32, #tpu.memory_space<vmem>>[vector<16xi32>, vector<16xi32>], vector<16xf32>,
        }
        %scan3A_114 = arith.constant 25 : i32
        %dma_start3A_115 = arith.constant 0 : i32
        %dma_start3A_116 = arith.constant 0 : i32
        %dma_start3A_117 = tpu.memref_slice %arg26[%dma_start3A_115, %dma_start3A_116] : memref<10240x16xf32, #tpu.memory_space<vmem_shared>> -> memref<10240x16xf32, #tpu.memory_space<vmem_shared>>
        tpu.enqueue_indirect_dma source(%arg15 : memref<400x16xf32, #tpu.memory_space<vmem>>) target(%dma_start3A_117 : memref<10240x16xf32, #tpu.memory_space<vmem_shared>>) offsets(%arg21 : memref<400xi32, #tpu.memory_space<vmem>>) semaphore(%arg34 : memref<!tpu.dma_semaphore, #tpu.memory_space<semaphore_mem>>) {add = true}
        %dma_start3A_118 = arith.constant 0 : i32
        %dma_start3A_119 = arith.constant 0 : i32
        %dma_start3A_120 = tpu.memref_slice %arg28[%dma_start3A_118, %dma_start3A_119] : memref<10240x16xf32, #tpu.memory_space<vmem_shared>> -> memref<10240x16xf32, #tpu.memory_space<vmem_shared>>
        tpu.enqueue_indirect_dma source(%arg16 : memref<400x16xf32, #tpu.memory_space<vmem>>) target(%dma_start3A_120 : memref<10240x16xf32, #tpu.memory_space<vmem_shared>>) offsets(%arg21 : memref<400xi32, #tpu.memory_space<vmem>>) semaphore(%arg34 : memref<!tpu.dma_semaphore, #tpu.memory_space<semaphore_mem>>) {add = true}
        %dma_start3A_121 = arith.constant 0 : i32
        %dma_start3A_122 = arith.constant 0 : i32
        %dma_start3A_123 = tpu.memref_slice %arg29[%dma_start3A_121, %dma_start3A_122] : memref<10240x16xf32, #tpu.memory_space<vmem_shared>> -> memref<10240x16xf32, #tpu.memory_space<vmem_shared>>
        tpu.enqueue_indirect_dma source(%arg16 : memref<400x16xf32, #tpu.memory_space<vmem>>) target(%dma_start3A_123 : memref<10240x16xf32, #tpu.memory_space<vmem_shared>>) offsets(%arg19 : memref<400xi32, #tpu.memory_space<vmem>>) semaphore(%arg34 : memref<!tpu.dma_semaphore, #tpu.memory_space<semaphore_mem>>) {add = true}
        %dma_wait3A_124 = arith.constant 0 : i32
        %dma_wait3A_125 = tpu.memref_slice %arg30[%dma_wait3A_124] : memref<320000xi32, #tpu.memory_space<vmem_shared>> -> memref<320000xi32, #tpu.memory_space<vmem_shared>>
        tpu.wait_indirect_dma semaphore(%arg36 : memref<!tpu.dma_semaphore, #tpu.memory_space<semaphore_mem>>) src(%dma_wait3A_125 : memref<320000xi32, #tpu.memory_space<vmem_shared>>) dst(%arg25 : memref<400xi32, #tpu.memory_space<vmem>>)
        %dma_start3A_126 = arith.constant 0 : i32
        %dma_start3A_127 = arith.constant 0 : i32
        %dma_start3A_128 = tpu.memref_slice %arg27[%dma_start3A_126, %dma_start3A_127] : memref<10240x16xf32, #tpu.memory_space<vmem_shared>> -> memref<10240x16xf32, #tpu.memory_space<vmem_shared>>
        tpu.enqueue_indirect_dma source(%arg15 : memref<400x16xf32, #tpu.memory_space<vmem>>) target(%dma_start3A_128 : memref<10240x16xf32, #tpu.memory_space<vmem_shared>>) offsets(%arg25 : memref<400xi32, #tpu.memory_space<vmem>>) semaphore(%arg34 : memref<!tpu.dma_semaphore, #tpu.memory_space<semaphore_mem>>) {add = true}
        %ge3A_129 = arith.constant 1 : i32
        %ge3A_130 = arith.cmpi sge, %add3A_91, %ge3A_129 : i32
        %convert_element_type3A_131 = arith.extui %ge3A_130 : i1 to i32
        %cond3A_132 = arith.constant 0 : i32
        %cond3A_133 = arith.cmpi ne, %convert_element_type3A_131, %cond3A_132 : i32
        scf.if %cond3A_133 {
          %dma_wait3A_141 = arith.constant 0 : i32
          %dma_wait3A_142 = arith.constant 0 : i32
          %dma_wait3A_143 = tpu.memref_slice %arg26[%dma_wait3A_141, %dma_wait3A_142] : memref<10240x16xf32, #tpu.memory_space<vmem_shared>> -> memref<10240x16xf32, #tpu.memory_space<vmem_shared>>
          tpu.wait_indirect_dma semaphore(%arg33 : memref<!tpu.dma_semaphore, #tpu.memory_space<semaphore_mem>>) src(%arg14 : memref<400x16xf32, #tpu.memory_space<vmem>>) dst(%dma_wait3A_143 : memref<10240x16xf32, #tpu.memory_space<vmem_shared>>)
          %dma_wait3A_144 = arith.constant 0 : i32
          %dma_wait3A_145 = arith.constant 0 : i32
          %dma_wait3A_146 = tpu.memref_slice %arg27[%dma_wait3A_144, %dma_wait3A_145] : memref<10240x16xf32, #tpu.memory_space<vmem_shared>> -> memref<10240x16xf32, #tpu.memory_space<vmem_shared>>
          tpu.wait_indirect_dma semaphore(%arg33 : memref<!tpu.dma_semaphore, #tpu.memory_space<semaphore_mem>>) src(%arg14 : memref<400x16xf32, #tpu.memory_space<vmem>>) dst(%dma_wait3A_146 : memref<10240x16xf32, #tpu.memory_space<vmem_shared>>)
          %dma_wait3A_147 = arith.constant 0 : i32
          %dma_wait3A_148 = arith.constant 0 : i32
          %dma_wait3A_149 = tpu.memref_slice %arg28[%dma_wait3A_147, %dma_wait3A_148] : memref<10240x16xf32, #tpu.memory_space<vmem_shared>> -> memref<10240x16xf32, #tpu.memory_space<vmem_shared>>
          tpu.wait_indirect_dma semaphore(%arg33 : memref<!tpu.dma_semaphore, #tpu.memory_space<semaphore_mem>>) src(%arg16 : memref<400x16xf32, #tpu.memory_space<vmem>>) dst(%dma_wait3A_149 : memref<10240x16xf32, #tpu.memory_space<vmem_shared>>)
          %dma_wait3A_150 = arith.constant 0 : i32
          %dma_wait3A_151 = arith.constant 0 : i32
          %dma_wait3A_152 = tpu.memref_slice %arg29[%dma_wait3A_150, %dma_wait3A_151] : memref<10240x16xf32, #tpu.memory_space<vmem_shared>> -> memref<10240x16xf32, #tpu.memory_space<vmem_shared>>
          tpu.wait_indirect_dma semaphore(%arg33 : memref<!tpu.dma_semaphore, #tpu.memory_space<semaphore_mem>>) src(%arg16 : memref<400x16xf32, #tpu.memory_space<vmem>>) dst(%dma_wait3A_152 : memref<10240x16xf32, #tpu.memory_space<vmem_shared>>)
        } else {
        }
        %add3A_134 = arith.constant 1 : i32
        %add3A_135 = arith.addi %add3A_91, %add3A_134 : i32
        %lt3A_136 = arith.constant 25 : i32
        %lt3A_137 = arith.cmpi slt, %add3A_135, %lt3A_136 : i32
        %convert_element_type3A_138 = arith.extui %lt3A_137 : i1 to i32
        %cond3A_139 = arith.constant 0 : i32
        %cond3A_140 = arith.cmpi ne, %convert_element_type3A_138, %cond3A_139 : i32
        scf.if %cond3A_140 {
          %add3A_141 = arith.constant 1 : i32
          %add3A_142 = arith.addi %add3A_91, %add3A_141 : i32
          %mul3A_143 = arith.constant 10000 : i32
          %mul3A_144 = arith.muli %add3A, %mul3A_143 : i32
          %mul3A_145 = arith.constant 400 : i32
          %mul3A_146 = arith.muli %add3A_142, %mul3A_145 : i32
          %add3A_147 = arith.addi %mul3A_144, %mul3A_146 : i32
          %dma_start3A_148 = arith.constant 0 : i32
          %dma_start3A_149 = tpu.memref_slice %arg2[%dma_start3A_148, %add3A_147] : memref<16x320000xf32, #tpu.memory_space<hbm>> -> memref<16x400xf32, #tpu.memory_space<hbm>>
          %dma_start3A_150 = arith.constant 0 : i32
          %dma_start3A_151 = tpu.memref_slice %arg2[%dma_start3A_150, %add3A_147] : memref<16x320000xf32, #tpu.memory_space<hbm>> -> memref<16x400xf32, #tpu.memory_space<hbm>>
          tpu.enqueue_dma source(%dma_start3A_151 : memref<16x400xf32, #tpu.memory_space<hbm>>) target(%arg12 : memref<16x400xf32, #tpu.memory_space<vmem>>) target_semaphore(%arg31 : memref<!tpu.dma_semaphore, #tpu.memory_space<semaphore_mem>>)
          %dma_start3A_152 = tpu.memref_slice %arg3[%add3A_147] : memref<320000xi32, #tpu.memory_space<hbm>> -> memref<400xi32, #tpu.memory_space<hbm>>
          %dma_start3A_153 = tpu.memref_slice %arg3[%add3A_147] : memref<320000xi32, #tpu.memory_space<hbm>> -> memref<400xi32, #tpu.memory_space<hbm>>
          tpu.enqueue_dma source(%dma_start3A_153 : memref<400xi32, #tpu.memory_space<hbm>>) target(%arg18 : memref<400xi32, #tpu.memory_space<vmem>>) target_semaphore(%arg31 : memref<!tpu.dma_semaphore, #tpu.memory_space<semaphore_mem>>)
          %dma_start3A_154 = tpu.memref_slice %arg4[%add3A_147] : memref<320000xi32, #tpu.memory_space<hbm>> -> memref<400xi32, #tpu.memory_space<hbm>>
          %dma_start3A_155 = tpu.memref_slice %arg4[%add3A_147] : memref<320000xi32, #tpu.memory_space<hbm>> -> memref<400xi32, #tpu.memory_space<hbm>>
          tpu.enqueue_dma source(%dma_start3A_155 : memref<400xi32, #tpu.memory_space<hbm>>) target(%arg20 : memref<400xi32, #tpu.memory_space<vmem>>) target_semaphore(%arg31 : memref<!tpu.dma_semaphore, #tpu.memory_space<semaphore_mem>>)
          %dma_start3A_156 = tpu.memref_slice %arg5[%add3A_147] : memref<320000xi32, #tpu.memory_space<hbm>> -> memref<400xi32, #tpu.memory_space<hbm>>
          %dma_start3A_157 = tpu.memref_slice %arg5[%add3A_147] : memref<320000xi32, #tpu.memory_space<hbm>> -> memref<400xi32, #tpu.memory_space<hbm>>
          tpu.enqueue_dma source(%dma_start3A_157 : memref<400xi32, #tpu.memory_space<hbm>>) target(%arg22 : memref<400xi32, #tpu.memory_space<vmem>>) target_semaphore(%arg31 : memref<!tpu.dma_semaphore, #tpu.memory_space<semaphore_mem>>)
        } else {
        }
      } else {
      }
    }
    %scan3A_22 = arith.constant 13 : i32
    %dma_wait3A = arith.constant 0 : i32
    %dma_wait3A_23 = arith.constant 0 : i32
    %dma_wait3A_24 = tpu.memref_slice %arg26[%dma_wait3A, %dma_wait3A_23] : memref<10240x16xf32, #tpu.memory_space<vmem_shared>> -> memref<10240x16xf32, #tpu.memory_space<vmem_shared>>
    tpu.wait_indirect_dma semaphore(%arg33 : memref<!tpu.dma_semaphore, #tpu.memory_space<semaphore_mem>>) src(%arg14 : memref<400x16xf32, #tpu.memory_space<vmem>>) dst(%dma_wait3A_24 : memref<10240x16xf32, #tpu.memory_space<vmem_shared>>)
    %dma_wait3A_25 = arith.constant 0 : i32
    %dma_wait3A_26 = arith.constant 0 : i32
    %dma_wait3A_27 = tpu.memref_slice %arg27[%dma_wait3A_25, %dma_wait3A_26] : memref<10240x16xf32, #tpu.memory_space<vmem_shared>> -> memref<10240x16xf32, #tpu.memory_space<vmem_shared>>
    tpu.wait_indirect_dma semaphore(%arg33 : memref<!tpu.dma_semaphore, #tpu.memory_space<semaphore_mem>>) src(%arg14 : memref<400x16xf32, #tpu.memory_space<vmem>>) dst(%dma_wait3A_27 : memref<10240x16xf32, #tpu.memory_space<vmem_shared>>)
    %dma_wait3A_28 = arith.constant 0 : i32
    %dma_wait3A_29 = arith.constant 0 : i32
    %dma_wait3A_30 = tpu.memref_slice %arg28[%dma_wait3A_28, %dma_wait3A_29] : memref<10240x16xf32, #tpu.memory_space<vmem_shared>> -> memref<10240x16xf32, #tpu.memory_space<vmem_shared>>
    tpu.wait_indirect_dma semaphore(%arg33 : memref<!tpu.dma_semaphore, #tpu.memory_space<semaphore_mem>>) src(%arg16 : memref<400x16xf32, #tpu.memory_space<vmem>>) dst(%dma_wait3A_30 : memref<10240x16xf32, #tpu.memory_space<vmem_shared>>)
    %dma_wait3A_31 = arith.constant 0 : i32
    %dma_wait3A_32 = arith.constant 0 : i32
    %dma_wait3A_33 = tpu.memref_slice %arg29[%dma_wait3A_31, %dma_wait3A_32] : memref<10240x16xf32, #tpu.memory_space<vmem_shared>> -> memref<10240x16xf32, #tpu.memory_space<vmem_shared>>
    tpu.wait_indirect_dma semaphore(%arg33 : memref<!tpu.dma_semaphore, #tpu.memory_space<semaphore_mem>>) src(%arg16 : memref<400x16xf32, #tpu.memory_space<vmem>>) dst(%dma_wait3A_33 : memref<10240x16xf32, #tpu.memory_space<vmem_shared>>)
    %barrier3A_34 = arith.constant 0 : index
    tpu.barrier barrier_id(%barrier3A_34)
    "tpu.region"() ({
      %run_scoped3A = tpu.sem_alloc : memref<!tpu.dma_semaphore, #tpu.memory_space<semaphore_mem>>
      %dma_start3A_35 = arith.constant 0 : i32
      %dma_start3A_36 = tpu.memref_slice %arg8[%arg0, %mul3A_4, %dma_start3A_35] : memref<2x10240x16xf32, #tpu.memory_space<hbm>> -> memref<1x640x16xf32, #tpu.memory_space<hbm>>
      %dma_start3A_37 = tpu.memref_squeeze %dma_start3A_36 : memref<1x640x16xf32, #tpu.memory_space<hbm>> -> memref<640x16xf32, #tpu.memory_space<hbm>>
      %dma_start3A_38 = arith.constant 0 : i32
      %dma_start3A_39 = tpu.memref_slice %arg26[%mul3A_4, %dma_start3A_38] : memref<10240x16xf32, #tpu.memory_space<vmem_shared>> -> memref<640x16xf32, #tpu.memory_space<vmem_shared>>
      tpu.enqueue_dma source(%dma_start3A_39 : memref<640x16xf32, #tpu.memory_space<vmem_shared>>) target(%dma_start3A_37 : memref<640x16xf32, #tpu.memory_space<hbm>>) target_semaphore(%run_scoped3A : memref<!tpu.dma_semaphore, #tpu.memory_space<semaphore_mem>>)
      %dma_wait3A_40 = arith.constant 0 : i32
      %dma_wait3A_41 = tpu.memref_slice %arg8[%arg0, %mul3A_4, %dma_wait3A_40] : memref<2x10240x16xf32, #tpu.memory_space<hbm>> -> memref<1x640x16xf32, #tpu.memory_space<hbm>>
      %dma_wait3A_42 = tpu.memref_squeeze %dma_wait3A_41 : memref<1x640x16xf32, #tpu.memory_space<hbm>> -> memref<640x16xf32, #tpu.memory_space<hbm>>
      %dma_wait3A_43 = arith.constant 0 : i32
      %dma_wait3A_44 = tpu.memref_slice %arg26[%mul3A_4, %dma_wait3A_43] : memref<10240x16xf32, #tpu.memory_space<vmem_shared>> -> memref<640x16xf32, #tpu.memory_space<vmem_shared>>
      tpu.wait_dma2 semaphore(%run_scoped3A : memref<!tpu.dma_semaphore, #tpu.memory_space<semaphore_mem>>) src(%dma_wait3A_44 : memref<640x16xf32, #tpu.memory_space<vmem_shared>>) dst(%dma_wait3A_42 : memref<640x16xf32, #tpu.memory_space<hbm>>)
      tpu.yield
    }) : () -> ()
    "tpu.region"() ({
      %run_scoped3A = tpu.sem_alloc : memref<!tpu.dma_semaphore, #tpu.memory_space<semaphore_mem>>
      %dma_start3A_35 = arith.constant 0 : i32
      %dma_start3A_36 = tpu.memref_slice %arg9[%arg0, %mul3A_4, %dma_start3A_35] : memref<2x10240x16xf32, #tpu.memory_space<hbm>> -> memref<1x640x16xf32, #tpu.memory_space<hbm>>
      %dma_start3A_37 = tpu.memref_squeeze %dma_start3A_36 : memref<1x640x16xf32, #tpu.memory_space<hbm>> -> memref<640x16xf32, #tpu.memory_space<hbm>>
      %dma_start3A_38 = arith.constant 0 : i32
      %dma_start3A_39 = tpu.memref_slice %arg27[%mul3A_4, %dma_start3A_38] : memref<10240x16xf32, #tpu.memory_space<vmem_shared>> -> memref<640x16xf32, #tpu.memory_space<vmem_shared>>
      tpu.enqueue_dma source(%dma_start3A_39 : memref<640x16xf32, #tpu.memory_space<vmem_shared>>) target(%dma_start3A_37 : memref<640x16xf32, #tpu.memory_space<hbm>>) target_semaphore(%run_scoped3A : memref<!tpu.dma_semaphore, #tpu.memory_space<semaphore_mem>>)
      %dma_wait3A_40 = arith.constant 0 : i32
      %dma_wait3A_41 = tpu.memref_slice %arg9[%arg0, %mul3A_4, %dma_wait3A_40] : memref<2x10240x16xf32, #tpu.memory_space<hbm>> -> memref<1x640x16xf32, #tpu.memory_space<hbm>>
      %dma_wait3A_42 = tpu.memref_squeeze %dma_wait3A_41 : memref<1x640x16xf32, #tpu.memory_space<hbm>> -> memref<640x16xf32, #tpu.memory_space<hbm>>
      %dma_wait3A_43 = arith.constant 0 : i32
      %dma_wait3A_44 = tpu.memref_slice %arg27[%mul3A_4, %dma_wait3A_43] : memref<10240x16xf32, #tpu.memory_space<vmem_shared>> -> memref<640x16xf32, #tpu.memory_space<vmem_shared>>
      tpu.wait_dma2 semaphore(%run_scoped3A : memref<!tpu.dma_semaphore, #tpu.memory_space<semaphore_mem>>) src(%dma_wait3A_44 : memref<640x16xf32, #tpu.memory_space<vmem_shared>>) dst(%dma_wait3A_42 : memref<640x16xf32, #tpu.memory_space<hbm>>)
      tpu.yield
    }) : () -> ()
    "tpu.region"() ({
      %run_scoped3A = tpu.sem_alloc : memref<!tpu.dma_semaphore, #tpu.memory_space<semaphore_mem>>
      %dma_start3A_35 = arith.constant 0 : i32
      %dma_start3A_36 = tpu.memref_slice %arg10[%arg0, %mul3A_4, %dma_start3A_35] : memref<2x10240x16xf32, #tpu.memory_space<hbm>> -> memref<1x640x16xf32, #tpu.memory_space<hbm>>
      %dma_start3A_37 = tpu.memref_squeeze %dma_start3A_36 : memref<1x640x16xf32, #tpu.memory_space<hbm>> -> memref<640x16xf32, #tpu.memory_space<hbm>>
      %dma_start3A_38 = arith.constant 0 : i32
      %dma_start3A_39 = tpu.memref_slice %arg28[%mul3A_4, %dma_start3A_38] : memref<10240x16xf32, #tpu.memory_space<vmem_shared>> -> memref<640x16xf32, #tpu.memory_space<vmem_shared>>
      tpu.enqueue_dma source(%dma_start3A_39 : memref<640x16xf32, #tpu.memory_space<vmem_shared>>) target(%dma_start3A_37 : memref<640x16xf32, #tpu.memory_space<hbm>>) target_semaphore(%run_scoped3A : memref<!tpu.dma_semaphore, #tpu.memory_space<semaphore_mem>>)
      %dma_wait3A_40 = arith.constant 0 : i32
      %dma_wait3A_41 = tpu.memref_slice %arg10[%arg0, %mul3A_4, %dma_wait3A_40] : memref<2x10240x16xf32, #tpu.memory_space<hbm>> -> memref<1x640x16xf32, #tpu.memory_space<hbm>>
      %dma_wait3A_42 = tpu.memref_squeeze %dma_wait3A_41 : memref<1x640x16xf32, #tpu.memory_space<hbm>> -> memref<640x16xf32, #tpu.memory_space<hbm>>
      %dma_wait3A_43 = arith.constant 0 : i32
      %dma_wait3A_44 = tpu.memref_slice %arg28[%mul3A_4, %dma_wait3A_43] : memref<10240x16xf32, #tpu.memory_space<vmem_shared>> -> memref<640x16xf32, #tpu.memory_space<vmem_shared>>
      tpu.wait_dma2 semaphore(%run_scoped3A : memref<!tpu.dma_semaphore, #tpu.memory_space<semaphore_mem>>) src(%dma_wait3A_44 : memref<640x16xf32, #tpu.memory_space<vmem_shared>>) dst(%dma_wait3A_42 : memref<640x16xf32, #tpu.memory_space<hbm>>)
      tpu.yield
    }) : () -> ()
    "tpu.region"() ({
      %run_scoped3A = tpu.sem_alloc : memref<!tpu.dma_semaphore, #tpu.memory_space<semaphore_mem>>
      %dma_start3A_35 = arith.constant 0 : i32
      %dma_start3A_36 = tpu.memref_slice %arg11[%arg0, %mul3A_4, %dma_start3A_35] : memref<2x10240x16xf32, #tpu.memory_space<hbm>> -> memref<1x640x16xf32, #tpu.memory_space<hbm>>
      %dma_start3A_37 = tpu.memref_squeeze %dma_start3A_36 : memref<1x640x16xf32, #tpu.memory_space<hbm>> -> memref<640x16xf32, #tpu.memory_space<hbm>>
      %dma_start3A_38 = arith.constant 0 : i32
      %dma_start3A_39 = tpu.memref_slice %arg29[%mul3A_4, %dma_start3A_38] : memref<10240x16xf32, #tpu.memory_space<vmem_shared>> -> memref<640x16xf32, #tpu.memory_space<vmem_shared>>
      tpu.enqueue_dma source(%dma_start3A_39 : memref<640x16xf32, #tpu.memory_space<vmem_shared>>) target(%dma_start3A_37 : memref<640x16xf32, #tpu.memory_space<hbm>>) target_semaphore(%run_scoped3A : memref<!tpu.dma_semaphore, #tpu.memory_space<semaphore_mem>>)
      %dma_wait3A_40 = arith.constant 0 : i32
      %dma_wait3A_41 = tpu.memref_slice %arg11[%arg0, %mul3A_4, %dma_wait3A_40] : memref<2x10240x16xf32, #tpu.memory_space<hbm>> -> memref<1x640x16xf32, #tpu.memory_space<hbm>>
      %dma_wait3A_42 = tpu.memref_squeeze %dma_wait3A_41 : memref<1x640x16xf32, #tpu.memory_space<hbm>> -> memref<640x16xf32, #tpu.memory_space<hbm>>
      %dma_wait3A_43 = arith.constant 0 : i32
      %dma_wait3A_44 = tpu.memref_slice %arg29[%mul3A_4, %dma_wait3A_43] : memref<10240x16xf32, #tpu.memory_space<vmem_shared>> -> memref<640x16xf32, #tpu.memory_space<vmem_shared>>
      tpu.wait_dma2 semaphore(%run_scoped3A : memref<!tpu.dma_semaphore, #tpu.memory_space<semaphore_mem>>) src(%dma_wait3A_44 : memref<640x16xf32, #tpu.memory_space<vmem_shared>>) dst(%dma_wait3A_42 : memref<640x16xf32, #tpu.memory_space<hbm>>)
      tpu.yield
    }) : () -> ()
    return
  }
}

module attributes {stable_mosaic.version = 14 : i64} {
  func.func @_b_body(%arg0: i32, %arg1: i32, %arg2: memref<640x128xf32, #tpu.memory_space<vmem>>, %arg3: memref<2x640x16xf32, #tpu.memory_space<vmem>>, %arg4: memref<2x640x16xf32, #tpu.memory_space<vmem>>, %arg5: memref<2x640x16xf32, #tpu.memory_space<vmem>>, %arg6: memref<2x640x16xf32, #tpu.memory_space<vmem>>, %arg7: memref<128x128xf32, #tpu.memory_space<vmem>>, %arg8: memref<16x128xf32, #tpu.memory_space<vmem>>, %arg9: memref<1x128xf32, #tpu.memory_space<vmem>>, %arg10: memref<256x256xf32, #tpu.memory_space<vmem>>, %arg11: memref<1x256xf32, #tpu.memory_space<vmem>>, %arg12: memref<256x256xf32, #tpu.memory_space<vmem>>, %arg13: memref<8x640xf32, #tpu.memory_space<vmem>>, %arg14: memref<1x1xf32, #tpu.memory_space<vmem>>, %arg15: memref<10240x128xf32, #tpu.memory_space<vmem>>, %arg16: memref<10240x128xf32, #tpu.memory_space<vmem>>, %arg17: memref<2x128xf32, #tpu.memory_space<vmem>>, %arg18: memref<2x128xf32, #tpu.memory_space<vmem>>) attributes {dimension_semantics = [#tpu.dimension_semantics<arbitrary>, #tpu.dimension_semantics<arbitrary>], iteration_bounds = array<i64: 2, 16>, scalar_prefetch = 0 : i64, scratch_operands = 4 : i64, tpu.core_type = #tpu.core_type<tc>, window_params = [{transform_indices = @transform_0, window_bounds = array<i64: 640, 128>}, {transform_indices = @transform_1, window_bounds = array<i64: 2, 640, 16>}, {transform_indices = @transform_2, window_bounds = array<i64: 2, 640, 16>}, {transform_indices = @transform_3, window_bounds = array<i64: 2, 640, 16>}, {transform_indices = @transform_4, window_bounds = array<i64: 2, 640, 16>}, {pipeline_mode = #tpu.pipeline_mode<synchronous>, transform_indices = @transform_5, window_bounds = array<i64: 128, 128>}, {pipeline_mode = #tpu.pipeline_mode<synchronous>, transform_indices = @transform_6, window_bounds = array<i64: 16, 128>}, {pipeline_mode = #tpu.pipeline_mode<synchronous>, transform_indices = @transform_7, window_bounds = array<i64: 1, 128>}, {pipeline_mode = #tpu.pipeline_mode<synchronous>, transform_indices = @transform_8, window_bounds = array<i64: 256, 256>}, {pipeline_mode = #tpu.pipeline_mode<synchronous>, transform_indices = @transform_9, window_bounds = array<i64: 1, 256>}, {pipeline_mode = #tpu.pipeline_mode<synchronous>, transform_indices = @transform_10, window_bounds = array<i64: 256, 256>}, {transform_indices = @transform_11, window_bounds = array<i64: 8, 640>}, {pipeline_mode = #tpu.pipeline_mode<synchronous>, transform_indices = @transform_12, window_bounds = array<i64: 1, 1>}]} {
    %mul3A = arith.constant 640 : i32
    %mul3A_0 = arith.muli %arg1, %mul3A : i32
    %multiple_of3A = tpu.assume_multiple %mul3A_0, 640 : i32
    %eq3A = arith.constant 0 : i32
    %eq3A_1 = arith.cmpi eq, %arg0, %eq3A : i32
    %convert_element_type3A = arith.extui %eq3A_1 : i1 to i32
    %cond3A = arith.constant 0 : i32
    %cond3A_2 = arith.cmpi ne, %convert_element_type3A, %cond3A : i32
    scf.if %cond3A_2 {
      %get3A = arith.constant 0 : index
      %get3A_8 = arith.constant 0 : index
      %get3A_9 = arith.constant 0 : index
      %get3A_10 = vector.load %arg5[%get3A, %get3A_8, %get3A_9] : memref<2x640x16xf32, #tpu.memory_space<vmem>>, vector<1x640x1xf32>
      %get3A_11 = vector.shape_cast %get3A_10 : vector<1x640x1xf32> to vector<640x1xf32>
      %get3A_12 = arith.constant 1 : index
      %get3A_13 = arith.constant 0 : index
      %get3A_14 = arith.constant 0 : index
      %get3A_15 = vector.load %arg5[%get3A_12, %get3A_13, %get3A_14] : memref<2x640x16xf32, #tpu.memory_space<vmem>>, vector<1x640x1xf32>
      %get3A_16 = vector.shape_cast %get3A_15 : vector<1x640x1xf32> to vector<640x1xf32>
      %add3A = arith.addf %get3A_11, %get3A_16 : vector<640x1xf32>
      %get3A_17 = arith.constant 0 : index
      %get3A_18 = arith.constant 0 : index
      %get3A_19 = arith.constant 0 : index
      %get3A_20 = vector.load %arg6[%get3A_17, %get3A_18, %get3A_19] : memref<2x640x16xf32, #tpu.memory_space<vmem>>, vector<1x640x1xf32>
      %get3A_21 = vector.shape_cast %get3A_20 : vector<1x640x1xf32> to vector<640x1xf32>
      %get3A_22 = arith.constant 1 : index
      %get3A_23 = arith.constant 0 : index
      %get3A_24 = arith.constant 0 : index
      %get3A_25 = vector.load %arg6[%get3A_22, %get3A_23, %get3A_24] : memref<2x640x16xf32, #tpu.memory_space<vmem>>, vector<1x640x1xf32>
      %get3A_26 = vector.shape_cast %get3A_25 : vector<1x640x1xf32> to vector<640x1xf32>
      %add3A_27 = arith.addf %get3A_21, %get3A_26 : vector<640x1xf32>
      %max3A = arith.constant 1.000000e+00 : f32
      %max3A_28 = vector.broadcast %max3A : f32 to vector<640x1xf32>
      %max3A_29 = arith.maximumf %add3A, %max3A_28 : vector<640x1xf32>
      %div3A = arith.constant 1.000000e+00 : f32
      %div3A_30 = vector.broadcast %div3A : f32 to vector<640x1xf32>
      %div3A_31 = arith.divf %div3A_30, %max3A_29 : vector<640x1xf32>
      %get3A_32 = arith.constant 0 : index
      %get3A_33 = arith.constant 0 : index
      %get3A_34 = arith.constant 0 : index
      %get3A_35 = vector.load %arg3[%get3A_32, %get3A_33, %get3A_34] : memref<2x640x16xf32, #tpu.memory_space<vmem>>, vector<1x640x16xf32>
      %get3A_36 = vector.shape_cast %get3A_35 : vector<1x640x16xf32> to vector<640x16xf32>
      %get3A_37 = arith.constant 1 : index
      %get3A_38 = arith.constant 0 : index
      %get3A_39 = arith.constant 0 : index
      %get3A_40 = vector.load %arg3[%get3A_37, %get3A_38, %get3A_39] : memref<2x640x16xf32, #tpu.memory_space<vmem>>, vector<1x640x16xf32>
      %get3A_41 = vector.shape_cast %get3A_40 : vector<1x640x16xf32> to vector<640x16xf32>
      %add3A_42 = arith.addf %get3A_36, %get3A_41 : vector<640x16xf32>
      %mul3A_43 = vector.broadcast %div3A_31 : vector<640x1xf32> to vector<640x16xf32>
      %mul3A_44 = arith.mulf %add3A_42, %mul3A_43 : vector<640x16xf32>
      %get3A_45 = arith.constant 0 : index
      %get3A_46 = arith.constant 0 : index
      %get3A_47 = arith.constant 0 : index
      %get3A_48 = vector.load %arg4[%get3A_45, %get3A_46, %get3A_47] : memref<2x640x16xf32, #tpu.memory_space<vmem>>, vector<1x640x16xf32>
      %get3A_49 = vector.shape_cast %get3A_48 : vector<1x640x16xf32> to vector<640x16xf32>
      %get3A_50 = arith.constant 1 : index
      %get3A_51 = arith.constant 0 : index
      %get3A_52 = arith.constant 0 : index
      %get3A_53 = vector.load %arg4[%get3A_50, %get3A_51, %get3A_52] : memref<2x640x16xf32, #tpu.memory_space<vmem>>, vector<1x640x16xf32>
      %get3A_54 = vector.shape_cast %get3A_53 : vector<1x640x16xf32> to vector<640x16xf32>
      %add3A_55 = arith.addf %get3A_49, %get3A_54 : vector<640x16xf32>
      %mul3A_56 = vector.broadcast %div3A_31 : vector<640x1xf32> to vector<640x16xf32>
      %mul3A_57 = arith.mulf %add3A_55, %mul3A_56 : vector<640x16xf32>
      %get3A_58 = arith.constant 0 : index
      %get3A_59 = arith.constant 0 : index
      %get3A_60 = vector.load %arg2[%get3A_58, %get3A_59] : memref<640x128xf32, #tpu.memory_space<vmem>>, vector<640x128xf32>
      %get3A_61 = arith.constant 0 : index
      %get3A_62 = arith.constant 0 : index
      %get3A_63 = vector.load %arg7[%get3A_61, %get3A_62] : memref<128x128xf32, #tpu.memory_space<vmem>>, vector<128x128xf32>
      %dot_general3A = arith.constant dense<0.000000e+00> : vector<640x128xf32>
      %dot_general3A_64 = tpu.matmul %get3A_60, %get3A_63, %dot_general3A {dimension_numbers = #tpu.dot_dimension_numbers<[1], [0], [0], [1], [0, 0, 1, 1], [], []>, transpose_lhs_hint = false} : vector<640x128xf32>, vector<128x128xf32>, vector<640x128xf32> -> vector<640x128xf32>
      %get3A_65 = arith.constant 0 : index
      %get3A_66 = arith.constant 0 : index
      %get3A_67 = vector.load %arg9[%get3A_65, %get3A_66] : memref<1x128xf32, #tpu.memory_space<vmem>>, vector<1x128xf32>
      %add3A_68 = vector.broadcast %get3A_67 : vector<1x128xf32> to vector<640x128xf32>
      %add3A_69 = arith.addf %dot_general3A_64, %add3A_68 : vector<640x128xf32>
      %get3A_70 = arith.constant 0 : index
      %get3A_71 = arith.constant 0 : index
      %get3A_72 = vector.load %arg8[%get3A_70, %get3A_71] : memref<16x128xf32, #tpu.memory_space<vmem>>, vector<16x128xf32>
      %dot_general3A_73 = arith.constant dense<0.000000e+00> : vector<640x128xf32>
      %dot_general3A_74 = tpu.matmul %mul3A_44, %get3A_72, %dot_general3A_73 {dimension_numbers = #tpu.dot_dimension_numbers<[1], [0], [0], [1], [0, 0, 1, 1], [], []>, transpose_lhs_hint = false} : vector<640x16xf32>, vector<16x128xf32>, vector<640x128xf32> -> vector<640x128xf32>
      %add3A_75 = arith.addf %add3A_69, %dot_general3A_74 : vector<640x128xf32>
      %max3A_76 = arith.constant 0.000000e+00 : f32
      %max3A_77 = vector.broadcast %max3A_76 : f32 to vector<640x128xf32>
      %max3A_78 = arith.maximumf %add3A_75, %max3A_77 : vector<640x128xf32>
      %dot_general3A_79 = arith.constant dense<0.000000e+00> : vector<640x128xf32>
      %dot_general3A_80 = tpu.matmul %mul3A_57, %get3A_72, %dot_general3A_79 {dimension_numbers = #tpu.dot_dimension_numbers<[1], [0], [0], [1], [0, 0, 1, 1], [], []>, transpose_lhs_hint = false} : vector<640x16xf32>, vector<16x128xf32>, vector<640x128xf32> -> vector<640x128xf32>
      %add3A_81 = arith.addf %add3A_69, %dot_general3A_80 : vector<640x128xf32>
      %max3A_82 = arith.constant 0.000000e+00 : f32
      %max3A_83 = vector.broadcast %max3A_82 : f32 to vector<640x128xf32>
      %max3A_84 = arith.maximumf %add3A_81, %max3A_83 : vector<640x128xf32>
      %swap3A = arith.index_cast %multiple_of3A : i32 to index
      %swap3A_85 = arith.constant 0 : index
      %swap3A_86 = vector.load %arg15[%swap3A, %swap3A_85] : memref<10240x128xf32, #tpu.memory_space<vmem>>, vector<640x128xf32>
      tpu.vector_store %arg15[%swap3A, %swap3A_85], %max3A_78 {strides = array<i32>} : memref<10240x128xf32, #tpu.memory_space<vmem>>, vector<640x128xf32>,
      %swap3A_87 = arith.index_cast %multiple_of3A : i32 to index
      %swap3A_88 = arith.constant 0 : index
      %swap3A_89 = vector.load %arg16[%swap3A_87, %swap3A_88] : memref<10240x128xf32, #tpu.memory_space<vmem>>, vector<640x128xf32>
      tpu.vector_store %arg16[%swap3A_87, %swap3A_88], %max3A_84 {strides = array<i32>} : memref<10240x128xf32, #tpu.memory_space<vmem>>, vector<640x128xf32>,
      %iota3A = tpu.iota {dimensions = array<i32: 0>} : vector<640x1xi32>
      %mul3A_90 = arith.constant 640 : i32
      %mul3A_91 = arith.muli %arg1, %mul3A_90 : i32
      %add3A_92 = vector.broadcast %mul3A_91 : i32 to vector<640x1xi32>
      %add3A_93 = arith.addi %iota3A, %add3A_92 : vector<640x1xi32>
      %lt3A = arith.constant 10000 : i32
      %lt3A_94 = vector.broadcast %lt3A : i32 to vector<640x1xi32>
      %lt3A_95 = arith.cmpi slt, %add3A_93, %lt3A_94 : vector<640x1xi32>
      %convert_element_type3A_96 = arith.extui %lt3A_95 : vector<640x1xi1> to vector<640x1xi32>
      %convert_element_type3A_97 = arith.sitofp %convert_element_type3A_96 : vector<640x1xi32> to vector<640x1xf32>
      %mul3A_98 = arith.mulf %add3A_27, %convert_element_type3A_97 : vector<640x1xf32>
      %mul3A_99 = vector.broadcast %mul3A_98 : vector<640x1xf32> to vector<640x128xf32>
      %mul3A_100 = arith.mulf %max3A_78, %mul3A_99 : vector<640x128xf32>
      %reduce_sum3A = arith.constant dense<0.000000e+00> : vector<128xf32>
      %reduce_sum3A_101 = vector.multi_reduction <add>, %mul3A_100, %reduce_sum3A [0] : vector<640x128xf32> to vector<128xf32>
      %broadcast_in_dim3A = vector.shape_cast %reduce_sum3A_101 : vector<128xf32> to vector<1x128xf32>
      %mul3A_102 = arith.mulf %add3A, %convert_element_type3A_97 : vector<640x1xf32>
      %mul3A_103 = vector.broadcast %mul3A_102 : vector<640x1xf32> to vector<640x128xf32>
      %mul3A_104 = arith.mulf %max3A_78, %mul3A_103 : vector<640x128xf32>
      %reduce_sum3A_105 = arith.constant dense<0.000000e+00> : vector<128xf32>
      %reduce_sum3A_106 = vector.multi_reduction <add>, %mul3A_104, %reduce_sum3A_105 [0] : vector<640x128xf32> to vector<128xf32>
      %broadcast_in_dim3A_107 = vector.shape_cast %reduce_sum3A_106 : vector<128xf32> to vector<1x128xf32>
      %eq3A_108 = arith.constant 0 : i32
      %eq3A_109 = arith.cmpi eq, %arg1, %eq3A_108 : i32
      %convert_element_type3A_110 = arith.extui %eq3A_109 : i1 to i32
      %cond3A_111 = arith.constant 0 : i32
      %cond3A_112 = arith.cmpi ne, %convert_element_type3A_110, %cond3A_111 : i32
      scf.if %cond3A_112 {
        %broadcast_in_dim3A_132 = arith.constant 0.000000e+00 : f32
        %broadcast_in_dim3A_133 = vector.broadcast %broadcast_in_dim3A_132 : f32 to vector<2x128xf32>
        %swap3A_134 = arith.constant 0 : index
        %swap3A_135 = arith.constant 0 : index
        %swap3A_136 = vector.load %arg17[%swap3A_134, %swap3A_135] : memref<2x128xf32, #tpu.memory_space<vmem>>, vector<2x128xf32>
        tpu.vector_store %arg17[%swap3A_134, %swap3A_135], %broadcast_in_dim3A_133 {strides = array<i32>} : memref<2x128xf32, #tpu.memory_space<vmem>>, vector<2x128xf32>,
      } else {
      }
      %get3A_113 = arith.constant 0 : index
      %get3A_114 = arith.constant 0 : index
      %get3A_115 = vector.load %arg17[%get3A_113, %get3A_114] : memref<2x128xf32, #tpu.memory_space<vmem>>, vector<1x128xf32>
      %add3A_116 = arith.addf %get3A_115, %broadcast_in_dim3A : vector<1x128xf32>
      %swap3A_117 = arith.constant 0 : index
      %swap3A_118 = arith.constant 0 : index
      %swap3A_119 = vector.load %arg17[%swap3A_117, %swap3A_118] : memref<2x128xf32, #tpu.memory_space<vmem>>, vector<1x128xf32>
      tpu.vector_store %arg17[%swap3A_117, %swap3A_118], %add3A_116 {strides = array<i32>} : memref<2x128xf32, #tpu.memory_space<vmem>>, vector<1x128xf32>,
      %get3A_120 = arith.constant 1 : index
      %get3A_121 = arith.constant 0 : index
      %get3A_122 = vector.load %arg17[%get3A_120, %get3A_121] : memref<2x128xf32, #tpu.memory_space<vmem>>, vector<1x128xf32>
      %add3A_123 = arith.addf %get3A_122, %broadcast_in_dim3A_107 : vector<1x128xf32>
      %swap3A_124 = arith.constant 1 : index
      %swap3A_125 = arith.constant 0 : index
      %swap3A_126 = vector.load %arg17[%swap3A_124, %swap3A_125] : memref<2x128xf32, #tpu.memory_space<vmem>>, vector<1x128xf32>
      tpu.vector_store %arg17[%swap3A_124, %swap3A_125], %add3A_123 {strides = array<i32>} : memref<2x128xf32, #tpu.memory_space<vmem>>, vector<1x128xf32>,
      %eq3A_127 = arith.constant 15 : i32
      %eq3A_128 = arith.cmpi eq, %arg1, %eq3A_127 : i32
      %convert_element_type3A_129 = arith.extui %eq3A_128 : i1 to i32
      %cond3A_130 = arith.constant 0 : i32
      %cond3A_131 = arith.cmpi ne, %convert_element_type3A_129, %cond3A_130 : i32
      scf.if %cond3A_131 {
        %get3A_132 = arith.constant 0 : index
        %get3A_133 = arith.constant 0 : index
        %get3A_134 = vector.load %arg17[%get3A_132, %get3A_133] : memref<2x128xf32, #tpu.memory_space<vmem>>, vector<1x128xf32>
        %get3A_135 = arith.constant 1 : index
        %get3A_136 = arith.constant 0 : index
        %get3A_137 = vector.load %arg17[%get3A_135, %get3A_136] : memref<2x128xf32, #tpu.memory_space<vmem>>, vector<1x128xf32>
        %get3A_138 = arith.constant 0 : index
        %get3A_139 = arith.constant 0 : index
        %get3A_140 = vector.load %arg10[%get3A_138, %get3A_139] : memref<256x256xf32, #tpu.memory_space<vmem>>, vector<256x256xf32>
        %slice3A = vector.extract_strided_slice %get3A_140 {offsets = [0, 0], sizes = [256, 128], strides = [1, 1]} : vector<256x256xf32> to vector<256x128xf32>
        %slice3A_141 = vector.extract_strided_slice %get3A_140 {offsets = [0, 128], sizes = [256, 128], strides = [1, 1]} : vector<256x256xf32> to vector<256x128xf32>
        %dot_general3A_142 = arith.constant dense<0.000000e+00> : vector<1x256xf32>
        %dot_general3A_143 = tpu.matmul %get3A_134, %slice3A, %dot_general3A_142 {dimension_numbers = #tpu.dot_dimension_numbers<[1], [1], [0], [0], [0, 0, 1, 0], [], []>, transpose_lhs_hint = false} : vector<1x128xf32>, vector<256x128xf32>, vector<1x256xf32> -> vector<1x256xf32>
        %dot_general3A_144 = arith.constant dense<0.000000e+00> : vector<1x256xf32>
        %dot_general3A_145 = tpu.matmul %get3A_137, %slice3A_141, %dot_general3A_144 {dimension_numbers = #tpu.dot_dimension_numbers<[1], [1], [0], [0], [0, 0, 1, 0], [], []>, transpose_lhs_hint = false} : vector<1x128xf32>, vector<256x128xf32>, vector<1x256xf32> -> vector<1x256xf32>
        %add3A_146 = arith.addf %dot_general3A_143, %dot_general3A_145 : vector<1x256xf32>
        %mul3A_147 = arith.constant 3.125000e-06 : f32
        %mul3A_148 = vector.broadcast %mul3A_147 : f32 to vector<1x256xf32>
        %mul3A_149 = arith.mulf %add3A_146, %mul3A_148 : vector<1x256xf32>
        %get3A_150 = arith.constant 0 : index
        %get3A_151 = arith.constant 0 : index
        %get3A_152 = vector.load %arg11[%get3A_150, %get3A_151] : memref<1x256xf32, #tpu.memory_space<vmem>>, vector<1x256xf32>
        %add3A_153 = arith.addf %mul3A_149, %get3A_152 : vector<1x256xf32>
        %logistic3A = arith.negf %add3A_153 : vector<1x256xf32>
        %logistic3A_154 = math.exp %logistic3A : vector<1x256xf32>
        %logistic3A_155 = arith.constant 1.000000e+00 : f32
        %logistic3A_156 = vector.broadcast %logistic3A_155 : f32 to vector<1x256xf32>
        %logistic3A_157 = arith.addf %logistic3A_156, %logistic3A_154 : vector<1x256xf32>
        %logistic3A_158 = arith.divf %logistic3A_156, %logistic3A_157 : vector<1x256xf32>
        %get3A_159 = arith.constant 0 : index
        %get3A_160 = arith.constant 0 : index
        %get3A_161 = vector.load %arg12[%get3A_159, %get3A_160] : memref<256x256xf32, #tpu.memory_space<vmem>>, vector<256x256xf32>
        %dot_general3A_162 = arith.constant dense<0.000000e+00> : vector<1x256xf32>
        %dot_general3A_163 = tpu.matmul %logistic3A_158, %get3A_161, %dot_general3A_162 {dimension_numbers = #tpu.dot_dimension_numbers<[1], [1], [0], [0], [0, 0, 1, 0], [], []>, transpose_lhs_hint = false} : vector<1x256xf32>, vector<256x256xf32>, vector<1x256xf32> -> vector<1x256xf32>
        %dot_general3A_164 = arith.constant dense<0.000000e+00> : vector<1x128xf32>
        %dot_general3A_165 = tpu.matmul %dot_general3A_163, %slice3A, %dot_general3A_164 {dimension_numbers = #tpu.dot_dimension_numbers<[1], [0], [0], [1], [0, 0, 1, 1], [], []>, transpose_lhs_hint = false} : vector<1x256xf32>, vector<256x128xf32>, vector<1x128xf32> -> vector<1x128xf32>
        %dot_general3A_166 = arith.constant dense<0.000000e+00> : vector<1x128xf32>
        %dot_general3A_167 = tpu.matmul %dot_general3A_163, %slice3A_141, %dot_general3A_166 {dimension_numbers = #tpu.dot_dimension_numbers<[1], [0], [0], [1], [0, 0, 1, 1], [], []>, transpose_lhs_hint = false} : vector<1x256xf32>, vector<256x128xf32>, vector<1x128xf32> -> vector<1x128xf32>
        %concatenate3A = tpu.concatenate %dot_general3A_165, %dot_general3A_167 in 0 : vector<1x128xf32>, vector<1x128xf32> -> vector<2x128xf32>
        %swap3A_168 = arith.constant 0 : index
        %swap3A_169 = arith.constant 0 : index
        %swap3A_170 = vector.load %arg18[%swap3A_168, %swap3A_169] : memref<2x128xf32, #tpu.memory_space<vmem>>, vector<2x128xf32>
        tpu.vector_store %arg18[%swap3A_168, %swap3A_169], %concatenate3A {strides = array<i32>} : memref<2x128xf32, #tpu.memory_space<vmem>>, vector<2x128xf32>,
        %get3A_171 = arith.constant 0 : index
        %get3A_172 = arith.constant 0 : index
        %get3A_173 = vector.load %arg11[%get3A_171, %get3A_172] : memref<1x256xf32, #tpu.memory_space<vmem>>, vector<1x256xf32>
        %mul3A_174 = arith.mulf %get3A_173, %dot_general3A_163 : vector<1x256xf32>
        %reduce_sum3A_175 = vector.shape_cast %mul3A_174 : vector<1x256xf32> to vector<1x1x256xf32>
        %reduce_sum3A_176 = arith.constant dense<0.000000e+00> : vector<1xf32>
        %reduce_sum3A_177 = vector.multi_reduction <add>, %reduce_sum3A_175, %reduce_sum3A_176 [1, 2] : vector<1x1x256xf32> to vector<1xf32>
        %reduce_sum3A_178 = vector.shape_cast %reduce_sum3A_177 : vector<1xf32> to vector<1x1x1xf32>
        %reduce_sum3A_179 = vector.extract %reduce_sum3A_178[0, 0, 0] : f32 from vector<1x1x1xf32>
        %reshape3A = vector.broadcast %reduce_sum3A_179 : f32 to vector<1x1xf32>
        %swap3A_180 = arith.constant 0 : index
        %swap3A_181 = arith.constant 0 : index
        %swap3A_182 = vector.load %arg14[%swap3A_180, %swap3A_181] : memref<1x1xf32, #tpu.memory_space<vmem>>, vector<1x1xf32>
        tpu.vector_store %arg14[%swap3A_180, %swap3A_181], %reshape3A {strides = array<i32>} : memref<1x1xf32, #tpu.memory_space<vmem>>, vector<1x1xf32>,
      } else {
      }
    } else {
    }
    %eq3A_3 = arith.constant 1 : i32
    %eq3A_4 = arith.cmpi eq, %arg0, %eq3A_3 : i32
    %convert_element_type3A_5 = arith.extui %eq3A_4 : i1 to i32
    %cond3A_6 = arith.constant 0 : i32
    %cond3A_7 = arith.cmpi ne, %convert_element_type3A_5, %cond3A_6 : i32
    scf.if %cond3A_7 {
      %get3A = arith.constant 0 : index
      %get3A_8 = arith.constant 0 : index
      %get3A_9 = vector.load %arg18[%get3A, %get3A_8] : memref<2x128xf32, #tpu.memory_space<vmem>>, vector<2x128xf32>
      %get3A_10 = arith.index_cast %multiple_of3A : i32 to index
      %get3A_11 = arith.constant 0 : index
      %get3A_12 = vector.load %arg15[%get3A_10, %get3A_11] : memref<10240x128xf32, #tpu.memory_space<vmem>>, vector<640x128xf32>
      %get3A_13 = arith.index_cast %multiple_of3A : i32 to index
      %get3A_14 = arith.constant 0 : index
      %get3A_15 = vector.load %arg16[%get3A_13, %get3A_14] : memref<10240x128xf32, #tpu.memory_space<vmem>>, vector<640x128xf32>
      %dot_general3A = arith.constant dense<0.000000e+00> : vector<2x640xf32>
      %dot_general3A_16 = tpu.matmul %get3A_9, %get3A_12, %dot_general3A {dimension_numbers = #tpu.dot_dimension_numbers<[1], [1], [0], [0], [0, 0, 1, 0], [], []>, transpose_lhs_hint = false} : vector<2x128xf32>, vector<640x128xf32>, vector<2x640xf32> -> vector<2x640xf32>
      %dot_general3A_17 = arith.constant dense<0.000000e+00> : vector<2x640xf32>
      %dot_general3A_18 = tpu.matmul %get3A_9, %get3A_15, %dot_general3A_17 {dimension_numbers = #tpu.dot_dimension_numbers<[1], [1], [0], [0], [0, 0, 1, 0], [], []>, transpose_lhs_hint = false} : vector<2x128xf32>, vector<640x128xf32>, vector<2x640xf32> -> vector<2x640xf32>
      %broadcast_in_dim3A = arith.constant 0.000000e+00 : f32
      %broadcast_in_dim3A_19 = vector.broadcast %broadcast_in_dim3A : f32 to vector<4x640xf32>
      %concatenate3A = tpu.concatenate %dot_general3A_16, %dot_general3A_18, %broadcast_in_dim3A_19 in 0 : vector<2x640xf32>, vector<2x640xf32>, vector<4x640xf32> -> vector<8x640xf32>
      %swap3A = arith.constant 0 : index
      %swap3A_20 = arith.constant 0 : index
      %swap3A_21 = vector.load %arg13[%swap3A, %swap3A_20] : memref<8x640xf32, #tpu.memory_space<vmem>>, vector<8x640xf32>
      tpu.vector_store %arg13[%swap3A, %swap3A_20], %concatenate3A {strides = array<i32>} : memref<8x640xf32, #tpu.memory_space<vmem>>, vector<8x640xf32>,
    } else {
    }
    return
  }
  func.func @transform_0(%arg0: i32, %arg1: i32) -> (i32, i32) {
    %eq3A = arith.constant 0 : i32
    %eq3A_0 = arith.cmpi eq, %arg0, %eq3A : i32
    %jit3A = arith.constant 0 : i32
    %select_n3A = arith.select %eq3A_0, %arg1, %jit3A : i32
    %c0_i32 = arith.constant 0 : i32
    %c0_i32_1 = arith.constant 0 : i32
    return %select_n3A, %c0_i32 : i32, i32
  }
  func.func @transform_1(%arg0: i32, %arg1: i32) -> (i32, i32, i32) {
    %eq3A = arith.constant 0 : i32
    %eq3A_0 = arith.cmpi eq, %arg0, %eq3A : i32
    %jit3A = arith.constant 0 : i32
    %select_n3A = arith.select %eq3A_0, %arg1, %jit3A : i32
    %c0_i32 = arith.constant 0 : i32
    %c0_i32_1 = arith.constant 0 : i32
    %c0_i32_2 = arith.constant 0 : i32
    return %c0_i32, %select_n3A, %c0_i32_1 : i32, i32, i32
  }
  func.func @transform_2(%arg0: i32, %arg1: i32) -> (i32, i32, i32) {
    %eq3A = arith.constant 0 : i32
    %eq3A_0 = arith.cmpi eq, %arg0, %eq3A : i32
    %jit3A = arith.constant 0 : i32
    %select_n3A = arith.select %eq3A_0, %arg1, %jit3A : i32
    %c0_i32 = arith.constant 0 : i32
    %c0_i32_1 = arith.constant 0 : i32
    %c0_i32_2 = arith.constant 0 : i32
    return %c0_i32, %select_n3A, %c0_i32_1 : i32, i32, i32
  }
  func.func @transform_3(%arg0: i32, %arg1: i32) -> (i32, i32, i32) {
    %eq3A = arith.constant 0 : i32
    %eq3A_0 = arith.cmpi eq, %arg0, %eq3A : i32
    %jit3A = arith.constant 0 : i32
    %select_n3A = arith.select %eq3A_0, %arg1, %jit3A : i32
    %c0_i32 = arith.constant 0 : i32
    %c0_i32_1 = arith.constant 0 : i32
    %c0_i32_2 = arith.constant 0 : i32
    return %c0_i32, %select_n3A, %c0_i32_1 : i32, i32, i32
  }
  func.func @transform_4(%arg0: i32, %arg1: i32) -> (i32, i32, i32) {
    %eq3A = arith.constant 0 : i32
    %eq3A_0 = arith.cmpi eq, %arg0, %eq3A : i32
    %jit3A = arith.constant 0 : i32
    %select_n3A = arith.select %eq3A_0, %arg1, %jit3A : i32
    %c0_i32 = arith.constant 0 : i32
    %c0_i32_1 = arith.constant 0 : i32
    %c0_i32_2 = arith.constant 0 : i32
    return %c0_i32, %select_n3A, %c0_i32_1 : i32, i32, i32
  }
  func.func @transform_5(%arg0: i32, %arg1: i32) -> (i32, i32) {
    %c0_i32 = arith.constant 0 : i32
    %c0_i32_0 = arith.constant 0 : i32
    %c0_i32_1 = arith.constant 0 : i32
    return %c0_i32, %c0_i32_0 : i32, i32
  }
  func.func @transform_6(%arg0: i32, %arg1: i32) -> (i32, i32) {
    %c0_i32 = arith.constant 0 : i32
    %c0_i32_0 = arith.constant 0 : i32
    %c0_i32_1 = arith.constant 0 : i32
    return %c0_i32, %c0_i32_0 : i32, i32
  }
  func.func @transform_7(%arg0: i32, %arg1: i32) -> (i32, i32) {
    %c0_i32 = arith.constant 0 : i32
    %c0_i32_0 = arith.constant 0 : i32
    %c0_i32_1 = arith.constant 0 : i32
    return %c0_i32, %c0_i32_0 : i32, i32
  }
  func.func @transform_8(%arg0: i32, %arg1: i32) -> (i32, i32) {
    %c0_i32 = arith.constant 0 : i32
    %c0_i32_0 = arith.constant 0 : i32
    %c0_i32_1 = arith.constant 0 : i32
    return %c0_i32, %c0_i32_0 : i32, i32
  }
  func.func @transform_9(%arg0: i32, %arg1: i32) -> (i32, i32) {
    %c0_i32 = arith.constant 0 : i32
    %c0_i32_0 = arith.constant 0 : i32
    %c0_i32_1 = arith.constant 0 : i32
    return %c0_i32, %c0_i32_0 : i32, i32
  }
  func.func @transform_10(%arg0: i32, %arg1: i32) -> (i32, i32) {
    %c0_i32 = arith.constant 0 : i32
    %c0_i32_0 = arith.constant 0 : i32
    %c0_i32_1 = arith.constant 0 : i32
    return %c0_i32, %c0_i32_0 : i32, i32
  }
  func.func @transform_11(%arg0: i32, %arg1: i32) -> (i32, i32) {
    %c0_i32 = arith.constant 0 : i32
    return %arg0, %arg1 : i32, i32
  }
  func.func @transform_12(%arg0: i32, %arg1: i32) -> (i32, i32) {
    %c0_i32 = arith.constant 0 : i32
    %c0_i32_0 = arith.constant 0 : i32
    %c0_i32_1 = arith.constant 0 : i32
    return %c0_i32, %c0_i32_0 : i32, i32
  }
}

</mosaic_0001>

<sc_bundles>
// kernel: kernel.5.cloned.1.call-start
scs
__scs_entry_jumppad:
0x0: {  	(pc) =	sbr.rel $0x88, $3  }
0x1: {  	(tag) =	ssettag $0x0;
	lr =	simm.s32 $0x1  }
0x2: {  	[smem:$0x3F99] =	sst lr;
	_ =	strace $0xD0000000  }
0x3: {  	_ = 	snop  }
0x4: {  	_ = 	snop  }
0x5: {  	_ = 	snop  }
0x6: {  	_ = 	snop  }
0x7: {  	_ = 	snop  }
__scs_overlays_trampoline_lowered:
0x8: {  	[smem:$0x3FA8] =	sst s0  }
0x9: {  	[smem:$0x3FA9] =	sst s1  }
0xa: {  	[smem:$0x3FAA] =	sst s2  }
0xb: {  	[smem:$0x3FAB] =	sst s3  }
0xc: {  	[smem:$0x3FAC] =	sst s4  }
0xd: {  	[smem:$0x3FAD] =	sst s5  }
0xe: {  	[smem:$0x3FAE] =	sst s6  }
0xf: {  	[smem:$0x3FAF] =	sst s7  }
0x10: {  	[smem:$0x3FB0] =	sst s8  }
0x11: {  	[smem:$0x3FB1] =	sst s9;
	s0 =	simm.s32 @!p0 $0x0  }
0x12: {  	s1 =	sld [smem:$0x3F97];
	s0 =	simm.s32 @p0 $0x1  }
0x13: {  	[smem:$0x3FB2] =	sst s0;
	s0 =	simm.s32 @!p1 $0x0  }
0x14: {  	s2 =	sld [smem:$0x3F96];
	s0 =	simm.s32 @p1 $0x1  }
0x15: {  	[smem:$0x3FB3] =	sst s0;
	s0 =	simm.s32 @!p2 $0x0  }
0x16: {  	s3 =	sld [smem:$0x3FDB];
	s0 =	simm.s32 @p2 $0x1  }
0x17: {  	s4 =	simm.s32 $0x1BF5;
	[smem:$0x3FB5] =	sst s0  }
0x18: {  	s0 =	sld [smem:$0x3F98];
	_ =	swait.ge [sflag:s4], $0x0  }
0x19: {  	s7 =	sld [smem:$0x3F99]  }
0x1a: {  	s8 =	sadd.s32 $0xFFFFE003, lr  }
0x1b: {  	s9 =	sadd.s32 $0xFFFFFEF7, lr;
	s5 =	simm.s32 $0xFFFFFFFF;
	p2 =	slt.u32 s8, $0xFFFFF086  }
0x1c: {  	p1 =	slt.u32 s9, $0xF7A;
	s5 =	simm.s32 @!p2 $0x0  }
0x1d: {  	s5 =	simm.s32 @p1 $0x1;
	p0 =	seq.s32 s7, s2  }
0x1e: {  	s7 =	smul.u32 @!p0 $0xF7A, s2;
	p2 =	seq.s32 @!p0 s5, $0x0  }
0x1f: {  	s9 =	smul.u32 $0xF7A, s1;
	s8 =	simm.s32 @!p0 $0x1BF5;
	p2 =	por !p2, p0  }
0x20: {  	[sflag:s8] =	ssyncset.s32 @!p0 $0xFFFFF086;
	s6 =	sadd.s32 @!p0 s3, s7;
	s7 =	simm.s32 @!p0 $0x108  }
0x21: {  	s3 =	sadd.s32 s3, s9;
	s6 =	sadd.s32 @!p0 $0x88, s6;
	s7 =	simm.s32 @p2 $0x1082  }
0x22: {  	[simem:s7], [sflag:s8] =	dma.local @!p0 [hbm:s6], $0xF7A  }
0x23: {  	s9 =	sor.u32 $0xD0000000, s2;
	s6 =	simm.s32 $0x108;
	_ =	swait.ge @!p0 [sflag:s8], $0x0  }
0x24: {  	s3 =	sadd.s32 $0x88, s3;
	s6 =	simm.s32 @!p1 $0x1082;
	[sflag:s4] =	ssyncset.s32 $0xFFFFF086  }
0x25: {  	[simem:s6], [sflag:s4] =	dma.local [hbm:s3], $0xF7A  }
0x26: {  	[smem:$0x3F99] =	sst s1;
	(tag) =	ssettag s2;
	_ =	strace s9  }
0x27: {  	s1 =	sld [smem:$0x3FA9]  }
0x28: {  	s2 =	sld [smem:$0x3FAA]  }
0x29: {  	s4 =	sld [smem:$0x3FAC]  }
0x2a: {  	p0 =	seq.s32 s5, $0x0;
	s5 =	sld [smem:$0x3FAD]  }
0x2b: {  	s6 =	sld [smem:$0x3FAE]  }
0x2c: {  	s7 =	sld [smem:$0x3FAF]  }
0x2d: {  	s3 =	simm.s32 $0x108;
	s8 =	sld [smem:$0x3FB0]  }
0x2e: {  	s3 =	simm.s32 @!p0 $0x1082;
	s9 =	sld [smem:$0x3FB1]  }
0x2f: {  	lr =	sadd.s32 s0, s3;
	s0 =	sld [smem:$0x3FA8]  }
0x30: {  	s3 =	sld [smem:$0x3FAB]  }
0x31: {  	[smem:$0x3FB4] =	sst s10  }
0x32: {  	s10 =	sld [smem:$0x3FB2];
	_ =	sdelay $0x3  }
0x33: {  	p0 =	seq.s32 s10, $0x1;
	s10 =	sld [smem:$0x3FB4];
	_ =	sdelay $0x3  }
0x34: {  	[smem:$0x3FB4] =	sst s10  }
0x35: {  	s10 =	sld [smem:$0x3FB3];
	_ =	sdelay $0x3  }
0x36: {  	p1 =	seq.s32 s10, $0x1;
	s10 =	sld [smem:$0x3FB4];
	_ =	sdelay $0x3  }
0x37: {  	[smem:$0x3FB4] =	sst s10  }
0x38: {  	s10 =	sld [smem:$0x3FB5]  }
0x39: {  	_ = 	snop;
	(pc) =	sbr.ind lr, $3  }
0x3a: {  	_ = 	snop  }
0x3b: {  	_ = 	snop  }
0x3c: {  	p2 =	seq.s32 s10, $0x1;
	s10 =	sld [smem:$0x3FB4]  }
0x3d: {  	_ =	shalt  }
0x3e: {  	_ =	shalt  }
0x3f: {  	_ =	shalt  }
0x40: {  	_ =	shalt  }
0x41: {  	_ =	shalt  }
0x42: {  	_ =	shalt  }
0x43: {  	_ =	shalt  }
0x44: {  	_ =	shalt  }
0x45: {  	_ =	shalt  }
0x46: {  	_ =	shalt  }
0x47: {  	_ =	shalt  }
0x48: {  	_ =	shalt  }
0x49: {  	_ =	shalt  }
0x4a: {  	_ =	shalt  }
0x4b: {  	_ =	shalt  }
0x4c: {  	_ =	shalt  }
0x4d: {  	_ =	shalt  }
0x4e: {  	_ =	shalt  }
0x4f: {  	_ =	shalt  }
0x50: {  	_ =	shalt  }
0x51: {  	_ =	shalt  }
0x52: {  	_ =	shalt  }
0x53: {  	_ =	shalt  }
0x54: {  	_ =	shalt  }
0x55: {  	_ =	shalt  }
0x56: {  	_ =	shalt  }
0x57: {  	_ =	shalt  }
0x58: {  	_ =	shalt  }
0x59: {  	_ =	shalt  }
0x5a: {  	_ =	shalt  }
0x5b: {  	_ =	shalt  }
0x5c: {  	_ =	shalt  }
0x5d: {  	_ =	shalt  }
0x5e: {  	_ =	shalt  }
0x5f: {  	_ =	shalt  }
0x60: {  	_ =	shalt  }
0x61: {  	_ =	shalt  }
0x62: {  	_ =	shalt  }
0x63: {  	_ =	shalt  }
0x64: {  	_ =	shalt  }
0x65: {  	_ =	shalt  }
0x66: {  	_ =	shalt  }
0x67: {  	_ =	shalt  }
0x68: {  	_ =	shalt  }
0x69: {  	_ =	shalt  }
0x6a: {  	_ =	shalt  }
0x6b: {  	_ =	shalt  }
0x6c: {  	_ =	shalt  }
0x6d: {  	_ =	shalt  }
0x6e: {  	_ =	shalt  }
0x6f: {  	_ =	shalt  }
0x70: {  	_ =	shalt  }
0x71: {  	_ =	shalt  }
0x72: {  	_ =	shalt  }
0x73: {  	_ =	shalt  }
0x74: {  	_ =	shalt  }
0x75: {  	_ =	shalt  }
0x76: {  	_ =	shalt  }
0x77: {  	_ =	shalt  }
0x78: {  	_ =	shalt  }
0x79: {  	_ =	shalt  }
0x7a: {  	_ =	shalt  }
0x7b: {  	_ =	shalt  }
0x7c: {  	_ =	shalt  }
0x7d: {  	_ =	shalt  }
0x7e: {  	_ =	shalt  }
0x7f: {  	_ =	shalt  }
0x80: {  	_ =	shalt  }
0x81: {  	_ =	shalt  }
0x82: {  	_ =	shalt  }
0x83: {  	_ =	shalt  }
0x84: {  	_ =	shalt  }
0x85: {  	_ =	shalt  }
0x86: {  	_ =	shalt  }
0x87: {  	_ =	shalt  }
.Lfunc_end0:
.L_simem_size_0:
called_computation_lowered:
.L_overlay_start_0:
0x88: {  	s2 =	sld [smem:$0x3FD9]  }
0x89: {  	s3 =	sld [smem:$0x3FFE];
	_ =	sdelay $0x1  }
0x8a: {  	s1 =	srdreg.scid  }
0x8b: {  	s0 =	sand.u32 $0x1, s1  }
0x8c: {  	s16 =	sshll.u32 s0, $0xA;
	s2 =	sadd.s32 s3, s2  }
0x8d: {  	s2 =	sadd.s32 s2, s16  }
0x8e: {  	[smem:$0x3FC0] =	sst s2  }
0x8f: {  	_ = 	snop  }
0x90: {  	(tm) =	ssettm $0x1  }
0x91: {  	s17 =	sld [smem:$0x3FFB];
	_ =	sdelay $0x3  }
0x92: {  	_ =	strace s17  }
0x93: {  	s2 =	sld [smem:$0x3FFC];
	_ =	sdelay $0x3  }
0x94: {  	_ =	strace s2  }
0x95: {  	s2 =	sld [smem:$0x3FFD];
	_ =	sdelay $0x3  }
0x96: {  	_ =	strace s2  }
0x97: {  	_ =	strace $0x8FFFFFFF  }
0x98: {  	s18 =	sld [smem:$0x3FDB];
	_ =	sdelay $0x1  }
0x99: {  	s19 =	simm.s32 $_scs_section_size  }
0x9a: {  	s4 =	simm.s32 $_size__tile_overlayer_lowered;
	s5 =	simm.s32 $_tile_overlayer_lowered  }
0x9b: {  	s22 =	simm.s32 $0x1BFF;
	s21 =	sshll.u32 s5, $0x1;
	s2 =	sadd.s32 s19, s18  }
0x9c: {  	s6 =	simm.s32 $0x0;
	s20 =	sshll.u32 s4, $0x1;
	s4 =	sadd.s32 s21, s2  }
0x9d: {  	[timem:s6], [sflag:s22] =	dma.local [hbm:s4], s20  }
0x9e: {  	_ =	swait.ge [sflag:s22], s20  }
0x9f: {  	s3 =	ssub.s32 $0x0, s20;
	[sflag:s22] =	ssyncset.done $0x0  }
0xa0: {  	[sflag:s22] =	ssyncadd.s32 s3;
	_ =	sdelay $0x1  }
0xa1: {  	s23 =	simm.s32 $0x1B8B  }
0xa2: {  	_ =	swait.ge [sflag:s23], $0x1  }
0xa3: {  	[sflag:s23] =	ssyncset.done $0x0  }
0xa4: {  	s25 =	simm.s32 $0x1B8E;
	s24 =	sld [smem:$0x3FFE];
	[sflag:s23] =	ssyncadd.s32 $0xFFFFFFFF  }
0xa5: {  	s26 =	simm.s32 $execute0_lowered;
	[smem:$0x3FD2] =	sst s25  }
0xa6: {  	s4 =	sshll.u32 s26, $0x1;
	_ =	strace $0x80000046;
	[dreg:$0x1] =	wrdreg $0xFFFFFFFF  }
0xa7: {  	s28 =	simm.s32 $_size_execute0_lowered;
	s2 =	sadd.s32 s2, s4;
	[dreg:$0x0] =	wrdreg $0x0  }
0xa8: {  	s4 =	sshll.u32 s28, $0x1;
	[dreg:$0x2] =	wrdreg s2  }
0xa9: {  	[dreg:$0x3] =	wrdreg s4  }
0xaa: {  	[dreg:$0x4] =	wrdreg $0xC0  }
0xab: {  	_ =	task [dreg:s6], $0x5FFFF  }
0xac: {  	[dreg:$0x1] =	wrdreg $0xFFFFFFFF  }
0xad: {  	[dreg:$0x0] =	wrdreg $0x60  }
0xae: {  	[dreg:$0x2] =	wrdreg s24  }
0xaf: {  	[dreg:$0x3] =	wrdreg $0x151800  }
0xb0: {  	[dreg:$0x4] =	wrdreg $0xB1800  }
0xb1: {  	[dreg:$0x5] =	wrdreg $0xD9800  }
0xb2: {  	[dreg:$0x6] =	wrdreg $0x101800  }
0xb3: {  	[dreg:$0x7] =	wrdreg $0x129800  }
0xb4: {  	[dreg:$0x8] =	wrdreg $0x9  }
0xb5: {  	_ =	task.clear_ibuf [dreg:s6], $0x9FFFF;
	_ =	strace $0x90000046  }
0xb6: {  	s29 =	simm.s32 $0x9;
	_ =	strace $0x80000048  }
0xb7: {  	_ =	swait.ge [sflag:s29], $0x1  }
0xb8: {  	[sflag:s29] =	ssyncadd.s32 $0xFFFFFFFF  }
0xb9: {  	_ =	strace $0x90000048  }
0xba: {  	_ =	sfence  }
0xbb: {  	s30 =	sld [smem:$0x0];
	_ =	sdelay $0x2  }
0xbc: {  	s31 =	sshll.u32 s1, $0xD;
	s1 =	sshrl.u32 s1, $0x2  }
0xbd: {  	s3 =	sand.u32 $0x4000, s31;
	s1 =	sadd.s32 s1, s30  }
0xbe: {  	s0 =	sor.u32 s3, s0;
	s1 =	sshll.u32 s1, $0x11  }
0xbf: {  	s0 =	sor.u32 s1, s0  }
0xc0: {  	s0 =	sadd.s32 $0x8F2B, s0  }
0xc1: {  	[sflag:s0] =	ssyncadd.remote.s32 $0x1  }
0xc2: {  	_ =	sfence.sel $0xFFFF  }
0xc3: {  	[dreg:$0x0] =	wrdreg $0xFFFFFFFF;
	(pc) =	sbr.abs _section_cstart, $3  }
0xc4: {  	[dreg:$0x1] =	wrdreg $0xFFFFFFFF  }
0xc5: {  	_ =	task.clear_ibuf [dreg:s6], $0x2FFFF;
	_ =	strace $0x9FFFFFFF  }
0xc6: {  	(tm) =	ssettm $0x7FFFFFFF  }
0xc7: {  	_ =	shalt  }
tec
execute0_lowered:
.L_overlay_start_1:
0x0: {  	(tag) =	ssettag $0x1  }
0x1: {  	s0 =	rddreg [dreg:$0x0]  }
0x2: {  	s1 =	rddreg [dreg:$0x1]  }
0x3: {  	s2 =	rddreg [dreg:$0x2]  }
0x4: {  	s3 =	rddreg [dreg:$0x3]  }
0x5: {  	s4 =	rddreg [dreg:$0x4]  }
0x6: {  	s6 =	rddreg [dreg:$0x5];
	s7 =	simm.s32 $0x0  }
0x7: {  	s5 =	srdreg.scid;
	s17 =	stileid.u32;
	s28 =	simm.s32 $0x3  }
0x8: {  	[smem:$0x7FF] =	sst s7;
	s5 =	sand.u32 $0x1, s5;
	s12 =	smul.u32 $0x2800, s17  }
0x9: {  	s8 =	sadd.s32 $0x14400, s0;
	s9 =	sadd.s32 $0xA600, s0;
	s10 =	sadd.s32 $0x800, s0  }
0xa: {  	s14 =	sadd.s32 $0xB0800, s0;
	s23 =	sadd.s32 $0xB0E00, s0;
	s16 =	smul.u32 $0x4E20, s17  }
0xb: {  	_ =	strace $0x80000047;
	s13 =	smul.u32 $0x28000, s5;
	[dreg:$0x7] =	wrdreg s14  }
0xc: {  	[dreg:$0x8] =	wrdreg s23;
	s24 =	ssub.s32 $0x2, s5;
	s5 =	sshll.u32 s5, $0x4  }
0xd: {  	s15 =	sshrl.u32 s24, $0x1;
	s5 =	sor.u32 s17, s5;
	s29 =	sadd.s32 s12, s2  }
0xe: {  	s14 =	sadd.s32 s16, s1;
	s31 =	sadd.s32 s12, s3;
	[dreg:$0xb] =	wrdreg s29  }
0xf: {  	s26 =	sshrl.u32 s16, $0x3;
	s18 =	sadd.s32 s12, s6;
	[dreg:$0xc] =	wrdreg s31  }
0x10: {  	s25 =	ssub.s32 s24, s15;
	s15 =	sadd.s32 s10, s26;
	[dreg:$0xd] =	wrdreg s18  }
0x11: {  	s13 =	sadd.s32 s12, s13;
	s26 =	sshrl.u32 s14, $0x3;
	[dreg:$0xa] =	wrdreg s15  }
0x12: {  	s30 =	smul.u32 $0x2710, s5;
	s25 =	smax.u32 s25, $0x1;
	[dreg:$0x17] =	wrdreg s26  }
0x13: {  	s11 =	sadd.s32 $0xB1200, s0;
	s13 =	sshrl.u32 s13, $0x3;
	[dreg:$0x16] =	wrdreg s25  }
0x14: {  	s17 =	sshrl.u32 s30, $0x3;
	[dreg:$0x9] =	wrdreg s30;
	s30 =	sadd.s32 $0x320, s30  }
0x15: {  	s15 =	sadd.s32 s12, s4;
	s19 =	sadd.s32 s8, s17;
	[dreg:$0x18] =	wrdreg s30  }
0x16: {  	s12 =	simm.s32 $0x6400;
	s20 =	sadd.s32 s9, s17;
	[dreg:$0xe] =	wrdreg s19  }
0x17: {  	s26 =	simm.s32 $0x5;
	s21 =	sadd.s32 s10, s17;
	[dreg:$0xf] =	wrdreg s20  }
0x18: {  	s0 =	sadd.s32 s13, s0;
	s5 =	sadd.s32 s11, s17;
	[dreg:$0x10] =	wrdreg s21  }
0x19: {  	s16 =	smov.u32 s15;
	s22 =	sadd.s32 $0xD9000, s0;
	[dreg:$0x11] =	wrdreg s5  }
0x1a: {  	s13 =	simm.s32 $0x190;
	s23 =	sadd.s32 $0xCF000, s0;
	[dreg:$0x12] =	wrdreg s22  }
.Ltmp0:
0x1b: {  	s24 =	sadd.s32 $0xC5000, s0;
	[dreg:$0x13] =	wrdreg s23;
	(pc) =	sbr.rel .LBB2_1-.Ltmp0, $4  }
0x1c: {  	s25 =	simm.s32 $0x3200;
	s0 =	sadd.s32 $0xBB000, s0;
	[dreg:$0x14] =	wrdreg s24  }
0x1d: {  	s15 =	simm.s32 $0x0;
	s17 =	simm.s32 $0x2;
	[dreg:$0x15] =	wrdreg s0  }
0x1e: {  	v0 =	vlaneseq.u32;
	s21 =	simm.s32 $0xA820;
	s22 =	simm.s32 $0xAB40;
	s23 =	simm.s32 $0x1  }
0x1f: {  	v0 =	vmul.u32 $0x10, v0;
	s24 =	simm.s32 $0xAE60;
	s5 =	simm.s32 $0xA9B0;
	s19 =	simm.s32 $0x4B00  }
.LBB2_10:
0x20: {  	_ =	swait.ge [sflag:s28], $0x1900  }
0x21: {  	[sflag:s28] =	ssyncset.done $0x0  }
0x22: {  	[sflag:s28] =	ssyncadd.s32 $0xFFFFE700  }
0x23: {  	_ =	swait.ge [sflag:s28], $0x1900  }
0x24: {  	[sflag:s28] =	ssyncset.done $0x0  }
0x25: {  	[sflag:s28] =	ssyncadd.s32 $0xFFFFE700  }
0x26: {  	_ =	swait.ge [sflag:s28], $0x1900  }
0x27: {  	[sflag:s28] =	ssyncset.done $0x0  }
0x28: {  	[sflag:s28] =	ssyncadd.s32 $0xFFFFE700  }
0x29: {  	_ =	swait.ge [sflag:s28], $0x1900  }
0x2a: {  	[sflag:s28] =	ssyncset.done $0x0  }
0x2b: {  	[sflag:s28] =	ssyncadd.s32 $0xFFFFE700  }
0x2c: {  	[bflag:$0x0] =	sbarrier.arrive $0xFFFF  }
0x2d: {  	s29 =	rddreg [dreg:$0xb]  }
0x2e: {  	s18 =	rddreg [dreg:$0x12]  }
0x2f: {  	s20 =	simm.s32 $0x7;
	s0 =	rddreg [dreg:$0x1a];
	s14 =	sshrl.u32 s29, $0x3  }
0x30: {  	[hbm:s18], [sflag:s0] =	dma.local [spmem:s14], $0x500  }
0x31: {  	_ =	swait.ge [sflag:s20], $0x500  }
0x32: {  	[sflag:s20] =	ssyncset.done $0x0;
	s31 =	rddreg [dreg:$0xc]  }
0x33: {  	s15 =	rddreg [dreg:$0x13];
	[sflag:s20] =	ssyncadd.s32 $0xFFFFFB00;
	s30 =	sshrl.u32 s31, $0x3  }
0x34: {  	[hbm:s15], [sflag:s0] =	dma.local [spmem:s30], $0x500  }
0x35: {  	_ =	swait.ge [sflag:s20], $0x500  }
0x36: {  	[sflag:s20] =	ssyncset.done $0x0  }
0x37: {  	s30 =	sshrl.u32 s16, $0x3;
	s15 =	rddreg [dreg:$0x14];
	[sflag:s20] =	ssyncadd.s32 $0xFFFFFB00  }
0x38: {  	[hbm:s15], [sflag:s0] =	dma.local [spmem:s30], $0x500  }
0x39: {  	_ =	swait.ge [sflag:s20], $0x500  }
0x3a: {  	[sflag:s20] =	ssyncset.done $0x0;
	s18 =	rddreg [dreg:$0xd]  }
0x3b: {  	s15 =	rddreg [dreg:$0x15];
	[sflag:s20] =	ssyncadd.s32 $0xFFFFFB00;
	s30 =	sshrl.u32 s18, $0x3  }
0x3c: {  	[hbm:s15], [sflag:s0] =	dma.local [spmem:s30], $0x500  }
0x3d: {  	_ =	swait.ge [sflag:s20], $0x500  }
0x3e: {  	s14 =	rddreg [dreg:$0x19]  }
0x3f: {  	[sflag:s20] =	ssyncset.done $0x0;
	s20 =	rddreg [dreg:$0x16];
	s15 =	sadd.s32 $0x1, s14  }
0x40: {  	p0 =	sne.s32 s15, s20  }
.Ltmp1:
0x41: {  	_ = 	snop;
	(pc) =	sbr.rel @!p0 .LBB2_11-.Ltmp1, $3  }
0x42: {  	_ =	sdelay $0x1  }
0x43: {  	s30 =	simm.s32 $0x7  }
0x44: {  	[sflag:s30] =	ssyncadd.s32 $0xFFFFFB00  }
.LBB2_1:
0x45: {  	[dreg:$0x19] =	wrdreg s15  }
0x46: {  	s20 =	simm.s32 $0x7;
	s14 =	rddreg [dreg:$0x7]  }
0x47: {  	s30 =	smov.u32 s6;
	s6 =	smov.u32 s4;
	s4 =	smov.u32 s3  }
0x48: {  	s3 =	smov.u32 s2;
	s2 =	smov.u32 s1;
	s1 =	simm.s32 $0x7D00  }
0x49: {  	[tilespmem:s1], [sflag:$0x7] =	stream.linear.gather [hbm4b:s14+s7], $0x2800, $0x38;
	[tilespmem:$0x19FA0] =	vst v63  }
0x4a: {  	_ =	swait.ge [sflag:s20], $0x2800  }
0x4b: {  	s15 =	stileid.u32;
	[sflag:s20] =	ssyncset.done $0x0  }
0x4c: {  	s14 =	sshll.u32 s15, $0x6;
	s0 =	rddreg [dreg:$0x8];
	[sflag:s20] =	ssyncadd.s32 $0xFFFFD800  }
0x4d: {  	[tilespmem:s12], [sflag:$0x7] =	stream.linear.gather [hbm4b:s0+s7], $0x1900, $0x38;
	[tilespmem:$0x19FA0] =	vst v63  }
0x4e: {  	s0 =	sor.u32 $0x1C07, s14  }
0x4f: {  	_ =	swait.ge [sflag:s20], $0x1900;
	[dreg:$0x1a] =	wrdreg s0  }
0x50: {  	[sflag:s20] =	ssyncset.done $0x0;
	s14 =	rddreg [dreg:$0xa]  }
0x51: {  	s15 =	rddreg [dreg:$0x17];
	[sflag:s20] =	ssyncadd.s32 $0xFFFFE700  }
0x52: {  	[spmem:s15], [sflag:s0] =	dma.local [hbm:s14], $0x9C4  }
0x53: {  	_ =	swait.ge [sflag:s20], $0x9C4  }
0x54: {  	[sflag:s20] =	ssyncset.done $0x0  }
0x55: {  	[sflag:s20] =	ssyncadd.s32 $0xFFFFF63C  }
0x56: {  	[spmem:s29] =	stream.linear.scatter [tilespmem:s1], [sflag:$0x7], $0x2800, $0x38;
	[tilespmem:$0x19FA0] =	vst v63  }
0x57: {  	_ =	swait.ge [sflag:s20], $0x2800  }
0x58: {  	[sflag:s20] =	ssyncset.done $0x0  }
0x59: {  	[sflag:s20] =	ssyncadd.s32 $0xFFFFD800  }
0x5a: {  	[spmem:s31] =	stream.linear.scatter [tilespmem:s1], [sflag:$0x7], $0x2800, $0x38;
	[tilespmem:$0x19FA0] =	vst v63  }
0x5b: {  	_ =	swait.ge [sflag:s20], $0x2800  }
0x5c: {  	[sflag:s20] =	ssyncset.done $0x0  }
0x5d: {  	[sflag:s20] =	ssyncadd.s32 $0xFFFFD800  }
0x5e: {  	[spmem:s16] =	stream.linear.scatter [tilespmem:s1], [sflag:$0x7], $0x2800, $0x38;
	[tilespmem:$0x19FA0] =	vst v63  }
0x5f: {  	_ =	swait.ge [sflag:s20], $0x2800  }
0x60: {  	[sflag:s20] =	ssyncset.done $0x0  }
0x61: {  	[sflag:s20] =	ssyncadd.s32 $0xFFFFD800  }
0x62: {  	[spmem:s18] =	stream.linear.scatter [tilespmem:s1], [sflag:$0x7], $0x2800, $0x38;
	[tilespmem:$0x19FA0] =	vst v63  }
0x63: {  	_ =	swait.ge [sflag:s20], $0x2800  }
0x64: {  	[sflag:s20] =	ssyncset.done $0x0  }
0x65: {  	s1 =	smov.u32 s2;
	s2 =	smov.u32 s3;
	[sflag:s20] =	ssyncadd.s32 $0xFFFFD800  }
0x66: {  	s3 =	smov.u32 s4;
	s4 =	smov.u32 s6;
	[bflag:$0x0] =	sbarrier.arrive $0xFFFF  }
0x67: {  	s6 =	smov.u32 s30;
	s30 =	simm.s32 $0x4E200;
	s0 =	rddreg [dreg:$0xe]  }
0x68: {  	[tilespmem:s7], [sflag:$0x1] =	stream.strided.gather [hbm4b:s0+s13], $0x1900, s30, s13, $0x38;
	[tilespmem:$0x19FA0] =	vst v63  }
0x69: {  	s20 =	simm.s32 $0xA500;
	s15 =	rddreg [dreg:$0xf]  }
0x6a: {  	[tilespmem:s20], [sflag:$0x1] =	stream.linear.gather [hbm4b:s15+s7], $0x190, $0x38;
	[tilespmem:$0x19FA0] =	vst v63  }
.Ltmp2:
0x6b: {  	s18 =	rddreg [dreg:$0x10];
	(pc) =	sbr.rel .LBB2_2-.Ltmp2, $4  }
0x6c: {  	s29 =	rddreg [dreg:$0x11]  }
0x6d: {  	[tilespmem:s21], [sflag:$0x1] =	stream.linear.gather [hbm4b:s18+s7], $0x190, $0x38;
	[tilespmem:$0x19FA0] =	vst v63  }
0x6e: {  	s31 =	simm.s32 $0x0;
	s0 =	simm.s32 $0x6;
	s15 =	rddreg [dreg:$0x18]  }
0x6f: {  	[tilespmem:s22], [sflag:$0x1] =	stream.linear.gather [hbm4b:s29+s7], $0x190, $0x38;
	[tilespmem:$0x19FA0] =	vst v63  }
.LBB2_9:
0x70: {  	s31 =	sadd.s32 $0x1, s31  }
0x71: {  	p0 =	sne.s32 s31, $0xD  }
.Ltmp3:
0x72: {  	_ = 	snop;
	(pc) =	sbr.rel @!p0 .LBB2_10-.Ltmp3, $1  }
0x73: {  	_ =	sdelay $0x3  }
.LBB2_2:
0x74: {  	_ =	swait.ge [sflag:s23], $0x1900  }
0x75: {  	[sflag:s23] =	ssyncset.done $0x0  }
0x76: {  	[sflag:s23] =	ssyncadd.s32 $0xFFFFE700  }
0x77: {  	_ =	swait.ge [sflag:s23], $0x190  }
0x78: {  	[sflag:s23] =	ssyncset.done $0x0  }
0x79: {  	[sflag:s23] =	ssyncadd.s32 $0xFFFFFE70  }
0x7a: {  	_ =	swait.ge [sflag:s23], $0x190  }
0x7b: {  	[sflag:s23] =	ssyncset.done $0x0  }
0x7c: {  	[sflag:s23] =	ssyncadd.s32 $0xFFFFFE70  }
0x7d: {  	_ =	swait.ge [sflag:s23], $0x190  }
0x7e: {  	s14 =	simm.s32 $0x0;
	[sflag:s23] =	ssyncset.done $0x0  }
0x7f: {  	v1 =	vmov s14;
	s14 =	simm.s32 $0xC80;
	[sflag:s23] =	ssyncadd.s32 $0xFFFFFE70  }
0x80: {  	v1 =	vshll.u32 v1, $0x4;
	[tilespmem:s24], [sflag:$0x5] =	stream.indirect.gather [spmem:s1], $0x1, s22, s13, $0xb8;
	[tilespmem:$0x19FA0] =	vst v63  }
0x81: {  	v1 =	vor.u32 v0, v1;
	v2 =	vld [tilespmem:s14+$0xFFFFF380];
	_ =	sdelay $0x4  }
0x82: {  	[tilespmem:v1+s25+$0x0] =	vst.idx.msk $0xffff, v2  }
0x83: {  	v3 =	vor.u32 $0x1, v1;
	v2 =	vld [tilespmem:s14+$0xFFFFF510];
	_ =	sdelay $0x4  }
0x84: {  	[tilespmem:v3+s25+$0x0] =	vst.idx.msk $0xffff, v2  }
0x85: {  	v3 =	vor.u32 $0x2, v1;
	v2 =	vld [tilespmem:s14+$0xFFFFF6A0];
	_ =	sdelay $0x4  }
0x86: {  	[tilespmem:v3+s25+$0x0] =	vst.idx.msk $0xffff, v2  }
0x87: {  	v3 =	vor.u32 $0x3, v1;
	v2 =	vld [tilespmem:s14+$0xFFFFF830];
	_ =	sdelay $0x4  }
0x88: {  	[tilespmem:v3+s25+$0x0] =	vst.idx.msk $0xffff, v2  }
0x89: {  	v3 =	vor.u32 $0x4, v1;
	v2 =	vld [tilespmem:s14+$0xFFFFF9C0];
	_ =	sdelay $0x4  }
0x8a: {  	[tilespmem:v3+s25+$0x0] =	vst.idx.msk $0xffff, v2  }
0x8b: {  	v3 =	vor.u32 $0x5, v1;
	v2 =	vld [tilespmem:s14+$0xFFFFFB50];
	_ =	sdelay $0x4  }
0x8c: {  	[tilespmem:v3+s25+$0x0] =	vst.idx.msk $0xffff, v2  }
0x8d: {  	v3 =	vor.u32 $0x6, v1;
	v2 =	vld [tilespmem:s14+$0xFFFFFCE0];
	_ =	sdelay $0x4  }
0x8e: {  	[tilespmem:v3+s25+$0x0] =	vst.idx.msk $0xffff, v2  }
0x8f: {  	v3 =	vor.u32 $0x7, v1;
	v2 =	vld [tilespmem:s14+$0xFFFFFE70];
	_ =	sdelay $0x4  }
0x90: {  	[tilespmem:v3+s25+$0x0] =	vst.idx.msk $0xffff, v2  }
0x91: {  	v3 =	vor.u32 $0x8, v1;
	v2 =	vld [tilespmem:s14+$0x0];
	_ =	sdelay $0x4  }
0x92: {  	[tilespmem:v3+s25+$0x0] =	vst.idx.msk $0xffff, v2  }
0x93: {  	v3 =	vor.u32 $0x9, v1;
	v2 =	vld [tilespmem:s14+$0x190];
	_ =	sdelay $0x4  }
0x94: {  	[tilespmem:v3+s25+$0x0] =	vst.idx.msk $0xffff, v2  }
0x95: {  	v3 =	vor.u32 $0xA, v1;
	v2 =	vld [tilespmem:s14+$0x320];
	_ =	sdelay $0x4  }
0x96: {  	[tilespmem:v3+s25+$0x0] =	vst.idx.msk $0xffff, v2  }
0x97: {  	v3 =	vor.u32 $0xB, v1;
	v2 =	vld [tilespmem:s14+$0x4B0];
	_ =	sdelay $0x4  }
0x98: {  	[tilespmem:v3+s25+$0x0] =	vst.idx.msk $0xffff, v2  }
0x99: {  	v3 =	vor.u32 $0xC, v1;
	v2 =	vld [tilespmem:s14+$0x640];
	_ =	sdelay $0x4  }
0x9a: {  	[tilespmem:v3+s25+$0x0] =	vst.idx.msk $0xffff, v2  }
0x9b: {  	v3 =	vor.u32 $0xD, v1;
	v2 =	vld [tilespmem:s14+$0x7D0];
	_ =	sdelay $0x4  }
0x9c: {  	[tilespmem:v3+s25+$0x0] =	vst.idx.msk $0xffff, v2  }
0x9d: {  	v3 =	vor.u32 $0xE, v1;
	v2 =	vld [tilespmem:s14+$0x960];
	_ =	sdelay $0x4  }
0x9e: {  	[tilespmem:v3+s25+$0x0] =	vst.idx.msk $0xffff, v2  }
0x9f: {  	v1 =	vor.u32 $0xF, v1;
	v2 =	vld [tilespmem:s14+$0xAF0];
	_ =	sdelay $0x2  }
0xa0: {  	s29 =	simm.s32 $0x10  }
0xa1: {  	v3 =	vmov s29;
	s29 =	simm.s32 $0x20  }
.LBB2_3:
0xa2: {  	p0 =	sne.s32 s29, $0x180;
	v3 =	vshll.u32 v3, $0x4;
	[tilespmem:v1+s25+$0x0] =	vst.idx.msk $0xffff, v2;
	s14 =	sadd.s32 $0x10, s14  }
0xa3: {  	v2 =	vld [tilespmem:s14+$0xFFFFF380];
	v1 =	vor.u32 v0, v3;
	_ =	sdelay $0x4  }
0xa4: {  	[tilespmem:v1+s25+$0x0] =	vst.idx.msk $0xffff, v2  }
0xa5: {  	v3 =	vor.u32 $0x1, v1;
	v2 =	vld [tilespmem:s14+$0xFFFFF510];
	_ =	sdelay $0x4  }
0xa6: {  	[tilespmem:v3+s25+$0x0] =	vst.idx.msk $0xffff, v2  }
0xa7: {  	v3 =	vor.u32 $0x2, v1;
	v2 =	vld [tilespmem:s14+$0xFFFFF6A0];
	_ =	sdelay $0x4  }
0xa8: {  	[tilespmem:v3+s25+$0x0] =	vst.idx.msk $0xffff, v2  }
0xa9: {  	v3 =	vor.u32 $0x3, v1;
	v2 =	vld [tilespmem:s14+$0xFFFFF830];
	_ =	sdelay $0x4  }
0xaa: {  	[tilespmem:v3+s25+$0x0] =	vst.idx.msk $0xffff, v2  }
0xab: {  	v3 =	vor.u32 $0x4, v1;
	v2 =	vld [tilespmem:s14+$0xFFFFF9C0];
	_ =	sdelay $0x4  }
0xac: {  	[tilespmem:v3+s25+$0x0] =	vst.idx.msk $0xffff, v2  }
0xad: {  	v3 =	vor.u32 $0x5, v1;
	v2 =	vld [tilespmem:s14+$0xFFFFFB50];
	_ =	sdelay $0x4  }
0xae: {  	[tilespmem:v3+s25+$0x0] =	vst.idx.msk $0xffff, v2  }
0xaf: {  	v3 =	vor.u32 $0x6, v1;
	v2 =	vld [tilespmem:s14+$0xFFFFFCE0];
	_ =	sdelay $0x4  }
0xb0: {  	[tilespmem:v3+s25+$0x0] =	vst.idx.msk $0xffff, v2  }
0xb1: {  	v3 =	vor.u32 $0x7, v1;
	v2 =	vld [tilespmem:s14+$0xFFFFFE70];
	_ =	sdelay $0x4  }
0xb2: {  	[tilespmem:v3+s25+$0x0] =	vst.idx.msk $0xffff, v2  }
0xb3: {  	v3 =	vor.u32 $0x8, v1;
	v2 =	vld [tilespmem:s14+$0x0];
	_ =	sdelay $0x4  }
0xb4: {  	[tilespmem:v3+s25+$0x0] =	vst.idx.msk $0xffff, v2  }
0xb5: {  	v3 =	vor.u32 $0x9, v1;
	v2 =	vld [tilespmem:s14+$0x190];
	_ =	sdelay $0x4  }
0xb6: {  	[tilespmem:v3+s25+$0x0] =	vst.idx.msk $0xffff, v2  }
0xb7: {  	v3 =	vor.u32 $0xA, v1;
	v2 =	vld [tilespmem:s14+$0x320];
	_ =	sdelay $0x4  }
0xb8: {  	[tilespmem:v3+s25+$0x0] =	vst.idx.msk $0xffff, v2  }
0xb9: {  	v3 =	vor.u32 $0xB, v1;
	v2 =	vld [tilespmem:s14+$0x4B0];
	_ =	sdelay $0x4  }
0xba: {  	[tilespmem:v3+s25+$0x0] =	vst.idx.msk $0xffff, v2  }
0xbb: {  	v3 =	vor.u32 $0xC, v1;
	v2 =	vld [tilespmem:s14+$0x640];
	_ =	sdelay $0x4  }
0xbc: {  	[tilespmem:v3+s25+$0x0] =	vst.idx.msk $0xffff, v2  }
0xbd: {  	v3 =	vor.u32 $0xD, v1;
	v2 =	vld [tilespmem:s14+$0x7D0];
	_ =	sdelay $0x4  }
0xbe: {  	[tilespmem:v3+s25+$0x0] =	vst.idx.msk $0xffff, v2  }
0xbf: {  	v3 =	vor.u32 $0xE, v1;
	v2 =	vld [tilespmem:s14+$0x960];
	_ =	sdelay $0x4  }
0xc0: {  	[tilespmem:v3+s25+$0x0] =	vst.idx.msk $0xffff, v2  }
.Ltmp4:
0xc1: {  	v1 =	vor.u32 $0xF, v1;
	v2 =	vld [tilespmem:s14+$0xAF0];
	(pc) =	sbr.rel @p0 .LBB2_3-.Ltmp4, $2  }
0xc2: {  	_ =	sdelay $0x2  }
0xc3: {  	v3 =	vmov s29;
	s29 =	sadd.s32 $0x10, s29  }
0xc4: {  	_ =	sdelay $0x3  }
0xc5: {  	v3 =	vshll.u32 v3, $0x4;
	[tilespmem:v1+s25+$0x0] =	vst.idx.msk $0xffff, v2;
	s14 =	sadd.s32 $0x10, s14  }
0xc6: {  	v1 =	vld [tilespmem:s14+$0xFFFFF380];
	v2 =	vor.u32 v0, v3;
	_ =	sdelay $0x4  }
0xc7: {  	[tilespmem:v2+s25+$0x0] =	vst.idx.msk $0xffff, v1  }
0xc8: {  	v3 =	vor.u32 $0x1, v2;
	v1 =	vld [tilespmem:s14+$0xFFFFF510];
	_ =	sdelay $0x4  }
0xc9: {  	[tilespmem:v3+s25+$0x0] =	vst.idx.msk $0xffff, v1  }
0xca: {  	v3 =	vor.u32 $0x2, v2;
	v1 =	vld [tilespmem:s14+$0xFFFFF6A0];
	_ =	sdelay $0x4  }
0xcb: {  	[tilespmem:v3+s25+$0x0] =	vst.idx.msk $0xffff, v1  }
0xcc: {  	v3 =	vor.u32 $0x3, v2;
	v1 =	vld [tilespmem:s14+$0xFFFFF830];
	_ =	sdelay $0x4  }
0xcd: {  	[tilespmem:v3+s25+$0x0] =	vst.idx.msk $0xffff, v1  }
0xce: {  	v3 =	vor.u32 $0x4, v2;
	v1 =	vld [tilespmem:s14+$0xFFFFF9C0];
	_ =	sdelay $0x4  }
0xcf: {  	[tilespmem:v3+s25+$0x0] =	vst.idx.msk $0xffff, v1  }
0xd0: {  	v3 =	vor.u32 $0x5, v2;
	v1 =	vld [tilespmem:s14+$0xFFFFFB50];
	_ =	sdelay $0x4  }
0xd1: {  	[tilespmem:v3+s25+$0x0] =	vst.idx.msk $0xffff, v1  }
0xd2: {  	v3 =	vor.u32 $0x6, v2;
	v1 =	vld [tilespmem:s14+$0xFFFFFCE0];
	_ =	sdelay $0x4  }
0xd3: {  	[tilespmem:v3+s25+$0x0] =	vst.idx.msk $0xffff, v1  }
0xd4: {  	v3 =	vor.u32 $0x7, v2;
	v1 =	vld [tilespmem:s14+$0xFFFFFE70];
	_ =	sdelay $0x4  }
0xd5: {  	[tilespmem:v3+s25+$0x0] =	vst.idx.msk $0xffff, v1  }
0xd6: {  	v3 =	vor.u32 $0x8, v2;
	v1 =	vld [tilespmem:s14+$0x0];
	_ =	sdelay $0x4  }
0xd7: {  	[tilespmem:v3+s25+$0x0] =	vst.idx.msk $0xffff, v1  }
0xd8: {  	v3 =	vor.u32 $0x9, v2;
	v1 =	vld [tilespmem:s14+$0x190];
	_ =	sdelay $0x4  }
0xd9: {  	[tilespmem:v3+s25+$0x0] =	vst.idx.msk $0xffff, v1  }
0xda: {  	v3 =	vor.u32 $0xA, v2;
	v1 =	vld [tilespmem:s14+$0x320];
	_ =	sdelay $0x4  }
0xdb: {  	[tilespmem:v3+s25+$0x0] =	vst.idx.msk $0xffff, v1  }
0xdc: {  	v3 =	vor.u32 $0xB, v2;
	v1 =	vld [tilespmem:s14+$0x4B0];
	_ =	sdelay $0x4  }
0xdd: {  	[tilespmem:v3+s25+$0x0] =	vst.idx.msk $0xffff, v1  }
0xde: {  	v3 =	vor.u32 $0xC, v2;
	v1 =	vld [tilespmem:s14+$0x640];
	_ =	sdelay $0x4  }
0xdf: {  	[tilespmem:v3+s25+$0x0] =	vst.idx.msk $0xffff, v1  }
0xe0: {  	v3 =	vor.u32 $0xD, v2;
	v1 =	vld [tilespmem:s14+$0x7D0];
	_ =	sdelay $0x4  }
0xe1: {  	[tilespmem:v3+s25+$0x0] =	vst.idx.msk $0xffff, v1  }
0xe2: {  	v3 =	vor.u32 $0xE, v2;
	v1 =	vld [tilespmem:s14+$0x960];
	_ =	sdelay $0x4  }
0xe3: {  	[tilespmem:v3+s25+$0x0] =	vst.idx.msk $0xffff, v1  }
0xe4: {  	v2 =	vor.u32 $0xF, v2;
	v1 =	vld [tilespmem:s14+$0xAF0];
	_ =	sdelay $0x4  }
0xe5: {  	[tilespmem:v2+s25+$0x0] =	vst.idx.msk $0xffff, v1  }
0xe6: {  	[spmem:s2] =	stream.indirect.scatter.add.f32 [tilespmem:s25], [sflag:$0x3], $0x10, s21, s13, $0xb8;
	[tilespmem:$0x19FA0] =	vst v63  }
0xe7: {  	_ = 	snop  }
0xe8: {  	[spmem:s4] =	stream.indirect.scatter.add.f32 [tilespmem:s12], [sflag:$0x3], $0x10, s21, s13, $0xb8;
	[tilespmem:$0x19FA0] =	vst v63  }
0xe9: {  	_ = 	snop  }
0xea: {  	[spmem:s6] =	stream.indirect.scatter.add.f32 [tilespmem:s12], [sflag:$0x3], $0x10, s20, s13, $0xb8;
	[tilespmem:$0x19FA0] =	vst v63  }
0xeb: {  	_ =	swait.ge [sflag:s26], $0x190  }
0xec: {  	p0 =	seq.s32 s31, $0x0;
	[sflag:s26] =	ssyncset.done $0x0  }
0xed: {  	s29 =	simm.s32 @!p0 $0x4;
	[sflag:s26] =	ssyncadd.s32 $0xFFFFFE70  }
0xee: {  	[spmem:s3] =	stream.indirect.scatter.add.f32 [tilespmem:s25], [sflag:$0x3], $0x10, s24, s13, $0xb8;
	[tilespmem:$0x19FA0] =	vst v63  }
0xef: {  	_ =	swait.ge @!p0 [sflag:s29], $0x1900  }
0xf0: {  	[sflag:s29] =	ssyncset.done @!p0 $0x0  }
0xf1: {  	[sflag:s29] =	ssyncadd.s32 @!p0 $0xFFFFE700  }
0xf2: {  	_ =	swait.ge @!p0 [sflag:s29], $0x1900  }
0xf3: {  	s14 =	sshllo.u32 @!p0 s31, $0x1;
	[sflag:s29] =	ssyncset.done @!p0 $0x0  }
0xf4: {  	p1 =	sgt.u32 @!p0 s14, $0x18;
	[sflag:s29] =	ssyncadd.s32 @!p0 $0xFFFFE700  }
0xf5: {  	p1 =	por p0, !p1;
	_ =	swait.ge @!p0 [sflag:s29], $0x1900  }
.Ltmp5:
0xf6: {  	[sflag:s29] =	ssyncset.done @!p0 $0x0;
	(pc) =	sbr.rel @!p1 .LBB2_9-.Ltmp5, $4  }
0xf7: {  	[sflag:s29] =	ssyncadd.s32 @!p0 $0xFFFFE700  }
0xf8: {  	_ =	swait.ge @!p0 [sflag:s29], $0x1900  }
0xf9: {  	[sflag:s29] =	ssyncset.done @!p0 $0x0  }
0xfa: {  	[sflag:s29] =	ssyncadd.s32 @!p0 $0xFFFFE700  }
0xfb: {  	s14 =	simm.s32 @p0 $0x1  }
0xfc: {  	s14 =	smul.u32 $0x190, s14  }
0xfd: {  	s18 =	smov.u32 s16;
	s16 =	rddreg [dreg:$0x9]  }
0xfe: {  	s14 =	sadd.s32 s16, s14  }
0xff: {  	s14 =	sshrl.u32 s14, $0x3  }
0x100: {  	s16 =	simm.s32 $0x1900;
	s29 =	sadd.s32 s8, s14  }
0x101: {  	[tilespmem:s16], [sflag:$0x2] =	stream.strided.gather [hbm4b:s29+s13], $0x1900, s30, s13, $0x38;
	[tilespmem:$0x19FA0] =	vst v63  }
0x102: {  	s29 =	sadd.s32 s9, s14;
	s16 =	simm.s32 $0x0;
	s30 =	simm.s32 $0xA690  }
0x103: {  	[tilespmem:s30], [sflag:$0x2] =	stream.linear.gather [hbm4b:s29+s16], $0x190, $0x38;
	[tilespmem:$0x19FA0] =	vst v63  }
0x104: {  	s29 =	sadd.s32 s10, s14  }
0x105: {  	[tilespmem:s5], [sflag:$0x2] =	stream.linear.gather [hbm4b:s29+s16], $0x190, $0x38;
	[tilespmem:$0x19FA0] =	vst v63  }
0x106: {  	s14 =	sadd.s32 s11, s14;
	s5 =	simm.s32 $0xACD0  }
0x107: {  	[tilespmem:s5], [sflag:$0x2] =	stream.linear.gather [hbm4b:s14+s16], $0x190, $0x38;
	[tilespmem:$0x19FA0] =	vst v63  }
0x108: {  	_ =	swait.ge [sflag:s17], $0x1900  }
0x109: {  	[sflag:s17] =	ssyncset.done $0x0  }
0x10a: {  	[sflag:s17] =	ssyncadd.s32 $0xFFFFE700  }
0x10b: {  	_ =	swait.ge [sflag:s17], $0x190  }
0x10c: {  	[sflag:s17] =	ssyncset.done $0x0  }
0x10d: {  	[sflag:s17] =	ssyncadd.s32 $0xFFFFFE70  }
0x10e: {  	_ =	swait.ge [sflag:s17], $0x190  }
0x10f: {  	[sflag:s17] =	ssyncset.done $0x0  }
0x110: {  	[sflag:s17] =	ssyncadd.s32 $0xFFFFFE70  }
0x111: {  	_ =	swait.ge [sflag:s17], $0x190  }
0x112: {  	[sflag:s17] =	ssyncset.done $0x0  }
0x113: {  	v1 =	vmov s16;
	s30 =	simm.s32 $0xAFF0;
	s14 =	simm.s32 $0x2580;
	[sflag:s17] =	ssyncadd.s32 $0xFFFFFE70  }
0x114: {  	v1 =	vshll.u32 v1, $0x4;
	[tilespmem:s30], [sflag:$0x6] =	stream.indirect.gather [spmem:s1], $0x1, s5, s13, $0xb8;
	[tilespmem:$0x19FA0] =	vst v63  }
0x115: {  	v1 =	vor.u32 v0, v1;
	v2 =	vld [tilespmem:s14+$0xFFFFF380];
	_ =	sdelay $0x4  }
0x116: {  	[tilespmem:v1+s19+$0x0] =	vst.idx.msk $0xffff, v2  }
0x117: {  	v3 =	vor.u32 $0x1, v1;
	v2 =	vld [tilespmem:s14+$0xFFFFF510];
	_ =	sdelay $0x4  }
0x118: {  	[tilespmem:v3+s19+$0x0] =	vst.idx.msk $0xffff, v2  }
0x119: {  	v3 =	vor.u32 $0x2, v1;
	v2 =	vld [tilespmem:s14+$0xFFFFF6A0];
	_ =	sdelay $0x4  }
0x11a: {  	[tilespmem:v3+s19+$0x0] =	vst.idx.msk $0xffff, v2  }
0x11b: {  	v3 =	vor.u32 $0x3, v1;
	v2 =	vld [tilespmem:s14+$0xFFFFF830];
	_ =	sdelay $0x4  }
0x11c: {  	[tilespmem:v3+s19+$0x0] =	vst.idx.msk $0xffff, v2  }
0x11d: {  	v3 =	vor.u32 $0x4, v1;
	v2 =	vld [tilespmem:s14+$0xFFFFF9C0];
	_ =	sdelay $0x4  }
0x11e: {  	[tilespmem:v3+s19+$0x0] =	vst.idx.msk $0xffff, v2  }
0x11f: {  	v3 =	vor.u32 $0x5, v1;
	v2 =	vld [tilespmem:s14+$0xFFFFFB50];
	_ =	sdelay $0x4  }
0x120: {  	[tilespmem:v3+s19+$0x0] =	vst.idx.msk $0xffff, v2  }
0x121: {  	v3 =	vor.u32 $0x6, v1;
	v2 =	vld [tilespmem:s14+$0xFFFFFCE0];
	_ =	sdelay $0x4  }
0x122: {  	[tilespmem:v3+s19+$0x0] =	vst.idx.msk $0xffff, v2  }
0x123: {  	v3 =	vor.u32 $0x7, v1;
	v2 =	vld [tilespmem:s14+$0xFFFFFE70];
	_ =	sdelay $0x4  }
0x124: {  	[tilespmem:v3+s19+$0x0] =	vst.idx.msk $0xffff, v2  }
0x125: {  	v3 =	vor.u32 $0x8, v1;
	v2 =	vld [tilespmem:s14+$0x0];
	_ =	sdelay $0x4  }
0x126: {  	[tilespmem:v3+s19+$0x0] =	vst.idx.msk $0xffff, v2  }
0x127: {  	v3 =	vor.u32 $0x9, v1;
	v2 =	vld [tilespmem:s14+$0x190];
	_ =	sdelay $0x4  }
0x128: {  	[tilespmem:v3+s19+$0x0] =	vst.idx.msk $0xffff, v2  }
0x129: {  	v3 =	vor.u32 $0xA, v1;
	v2 =	vld [tilespmem:s14+$0x320];
	_ =	sdelay $0x4  }
0x12a: {  	[tilespmem:v3+s19+$0x0] =	vst.idx.msk $0xffff, v2  }
0x12b: {  	v3 =	vor.u32 $0xB, v1;
	v2 =	vld [tilespmem:s14+$0x4B0];
	_ =	sdelay $0x4  }
0x12c: {  	[tilespmem:v3+s19+$0x0] =	vst.idx.msk $0xffff, v2  }
0x12d: {  	v3 =	vor.u32 $0xC, v1;
	v2 =	vld [tilespmem:s14+$0x640];
	_ =	sdelay $0x4  }
0x12e: {  	[tilespmem:v3+s19+$0x0] =	vst.idx.msk $0xffff, v2  }
0x12f: {  	v3 =	vor.u32 $0xD, v1;
	v2 =	vld [tilespmem:s14+$0x7D0];
	_ =	sdelay $0x4  }
0x130: {  	[tilespmem:v3+s19+$0x0] =	vst.idx.msk $0xffff, v2  }
0x131: {  	v3 =	vor.u32 $0xE, v1;
	v2 =	vld [tilespmem:s14+$0x960];
	_ =	sdelay $0x4  }
0x132: {  	[tilespmem:v3+s19+$0x0] =	vst.idx.msk $0xffff, v2  }
0x133: {  	v1 =	vor.u32 $0xF, v1;
	v2 =	vld [tilespmem:s14+$0xAF0];
	_ =	sdelay $0x2  }
0x134: {  	s30 =	simm.s32 $0x10  }
0x135: {  	s29 =	simm.s32 $0x20;
	v3 =	vmov s30  }
.LBB2_6:
0x136: {  	p0 =	sne.s32 s29, $0x180;
	v3 =	vshll.u32 v3, $0x4;
	[tilespmem:v1+s19+$0x0] =	vst.idx.msk $0xffff, v2;
	s14 =	sadd.s32 $0x10, s14  }
0x137: {  	v2 =	vld [tilespmem:s14+$0xFFFFF380];
	v1 =	vor.u32 v0, v3;
	_ =	sdelay $0x4  }
0x138: {  	[tilespmem:v1+s19+$0x0] =	vst.idx.msk $0xffff, v2  }
0x139: {  	v3 =	vor.u32 $0x1, v1;
	v2 =	vld [tilespmem:s14+$0xFFFFF510];
	_ =	sdelay $0x4  }
0x13a: {  	[tilespmem:v3+s19+$0x0] =	vst.idx.msk $0xffff, v2  }
0x13b: {  	v3 =	vor.u32 $0x2, v1;
	v2 =	vld [tilespmem:s14+$0xFFFFF6A0];
	_ =	sdelay $0x4  }
0x13c: {  	[tilespmem:v3+s19+$0x0] =	vst.idx.msk $0xffff, v2  }
0x13d: {  	v3 =	vor.u32 $0x3, v1;
	v2 =	vld [tilespmem:s14+$0xFFFFF830];
	_ =	sdelay $0x4  }
0x13e: {  	[tilespmem:v3+s19+$0x0] =	vst.idx.msk $0xffff, v2  }
0x13f: {  	v3 =	vor.u32 $0x4, v1;
	v2 =	vld [tilespmem:s14+$0xFFFFF9C0];
	_ =	sdelay $0x4  }
0x140: {  	[tilespmem:v3+s19+$0x0] =	vst.idx.msk $0xffff, v2  }
0x141: {  	v3 =	vor.u32 $0x5, v1;
	v2 =	vld [tilespmem:s14+$0xFFFFFB50];
	_ =	sdelay $0x4  }
0x142: {  	[tilespmem:v3+s19+$0x0] =	vst.idx.msk $0xffff, v2  }
0x143: {  	v3 =	vor.u32 $0x6, v1;
	v2 =	vld [tilespmem:s14+$0xFFFFFCE0];
	_ =	sdelay $0x4  }
0x144: {  	[tilespmem:v3+s19+$0x0] =	vst.idx.msk $0xffff, v2  }
0x145: {  	v3 =	vor.u32 $0x7, v1;
	v2 =	vld [tilespmem:s14+$0xFFFFFE70];
	_ =	sdelay $0x4  }
0x146: {  	[tilespmem:v3+s19+$0x0] =	vst.idx.msk $0xffff, v2  }
0x147: {  	v3 =	vor.u32 $0x8, v1;
	v2 =	vld [tilespmem:s14+$0x0];
	_ =	sdelay $0x4  }
0x148: {  	[tilespmem:v3+s19+$0x0] =	vst.idx.msk $0xffff, v2  }
0x149: {  	v3 =	vor.u32 $0x9, v1;
	v2 =	vld [tilespmem:s14+$0x190];
	_ =	sdelay $0x4  }
0x14a: {  	[tilespmem:v3+s19+$0x0] =	vst.idx.msk $0xffff, v2  }
0x14b: {  	v3 =	vor.u32 $0xA, v1;
	v2 =	vld [tilespmem:s14+$0x320];
	_ =	sdelay $0x4  }
0x14c: {  	[tilespmem:v3+s19+$0x0] =	vst.idx.msk $0xffff, v2  }
0x14d: {  	v3 =	vor.u32 $0xB, v1;
	v2 =	vld [tilespmem:s14+$0x4B0];
	_ =	sdelay $0x4  }
0x14e: {  	[tilespmem:v3+s19+$0x0] =	vst.idx.msk $0xffff, v2  }
0x14f: {  	v3 =	vor.u32 $0xC, v1;
	v2 =	vld [tilespmem:s14+$0x640];
	_ =	sdelay $0x4  }
0x150: {  	[tilespmem:v3+s19+$0x0] =	vst.idx.msk $0xffff, v2  }
0x151: {  	v3 =	vor.u32 $0xD, v1;
	v2 =	vld [tilespmem:s14+$0x7D0];
	_ =	sdelay $0x4  }
0x152: {  	[tilespmem:v3+s19+$0x0] =	vst.idx.msk $0xffff, v2  }
0x153: {  	v3 =	vor.u32 $0xE, v1;
	v2 =	vld [tilespmem:s14+$0x960];
	_ =	sdelay $0x4  }
0x154: {  	[tilespmem:v3+s19+$0x0] =	vst.idx.msk $0xffff, v2  }
.Ltmp6:
0x155: {  	v1 =	vor.u32 $0xF, v1;
	v2 =	vld [tilespmem:s14+$0xAF0];
	(pc) =	sbr.rel @p0 .LBB2_6-.Ltmp6, $2  }
0x156: {  	_ =	sdelay $0x2  }
0x157: {  	v3 =	vmov s29;
	s29 =	sadd.s32 $0x10, s29  }
0x158: {  	_ =	sdelay $0x3  }
0x159: {  	v3 =	vshll.u32 v3, $0x4;
	[tilespmem:v1+s19+$0x0] =	vst.idx.msk $0xffff, v2;
	s14 =	sadd.s32 $0x10, s14  }
0x15a: {  	v1 =	vld [tilespmem:s14+$0xFFFFF380];
	v2 =	vor.u32 v0, v3;
	_ =	sdelay $0x4  }
0x15b: {  	[tilespmem:v2+s19+$0x0] =	vst.idx.msk $0xffff, v1  }
0x15c: {  	v3 =	vor.u32 $0x1, v2;
	v1 =	vld [tilespmem:s14+$0xFFFFF510];
	_ =	sdelay $0x4  }
0x15d: {  	[tilespmem:v3+s19+$0x0] =	vst.idx.msk $0xffff, v1  }
0x15e: {  	v3 =	vor.u32 $0x2, v2;
	v1 =	vld [tilespmem:s14+$0xFFFFF6A0];
	_ =	sdelay $0x4  }
0x15f: {  	[tilespmem:v3+s19+$0x0] =	vst.idx.msk $0xffff, v1  }
0x160: {  	v3 =	vor.u32 $0x3, v2;
	v1 =	vld [tilespmem:s14+$0xFFFFF830];
	_ =	sdelay $0x4  }
0x161: {  	[tilespmem:v3+s19+$0x0] =	vst.idx.msk $0xffff, v1  }
0x162: {  	v3 =	vor.u32 $0x4, v2;
	v1 =	vld [tilespmem:s14+$0xFFFFF9C0];
	_ =	sdelay $0x4  }
0x163: {  	[tilespmem:v3+s19+$0x0] =	vst.idx.msk $0xffff, v1  }
0x164: {  	v3 =	vor.u32 $0x5, v2;
	v1 =	vld [tilespmem:s14+$0xFFFFFB50];
	_ =	sdelay $0x4  }
0x165: {  	[tilespmem:v3+s19+$0x0] =	vst.idx.msk $0xffff, v1  }
0x166: {  	v3 =	vor.u32 $0x6, v2;
	v1 =	vld [tilespmem:s14+$0xFFFFFCE0];
	_ =	sdelay $0x4  }
0x167: {  	[tilespmem:v3+s19+$0x0] =	vst.idx.msk $0xffff, v1  }
0x168: {  	v3 =	vor.u32 $0x7, v2;
	v1 =	vld [tilespmem:s14+$0xFFFFFE70];
	_ =	sdelay $0x4  }
0x169: {  	[tilespmem:v3+s19+$0x0] =	vst.idx.msk $0xffff, v1  }
0x16a: {  	v3 =	vor.u32 $0x8, v2;
	v1 =	vld [tilespmem:s14+$0x0];
	_ =	sdelay $0x4  }
0x16b: {  	[tilespmem:v3+s19+$0x0] =	vst.idx.msk $0xffff, v1  }
0x16c: {  	v3 =	vor.u32 $0x9, v2;
	v1 =	vld [tilespmem:s14+$0x190];
	_ =	sdelay $0x4  }
0x16d: {  	[tilespmem:v3+s19+$0x0] =	vst.idx.msk $0xffff, v1  }
0x16e: {  	v3 =	vor.u32 $0xA, v2;
	v1 =	vld [tilespmem:s14+$0x320];
	_ =	sdelay $0x4  }
0x16f: {  	[tilespmem:v3+s19+$0x0] =	vst.idx.msk $0xffff, v1  }
0x170: {  	v3 =	vor.u32 $0xB, v2;
	v1 =	vld [tilespmem:s14+$0x4B0];
	_ =	sdelay $0x4  }
0x171: {  	[tilespmem:v3+s19+$0x0] =	vst.idx.msk $0xffff, v1  }
0x172: {  	v3 =	vor.u32 $0xC, v2;
	v1 =	vld [tilespmem:s14+$0x640];
	_ =	sdelay $0x4  }
0x173: {  	[tilespmem:v3+s19+$0x0] =	vst.idx.msk $0xffff, v1  }
0x174: {  	v3 =	vor.u32 $0xD, v2;
	v1 =	vld [tilespmem:s14+$0x7D0];
	_ =	sdelay $0x4  }
0x175: {  	[tilespmem:v3+s19+$0x0] =	vst.idx.msk $0xffff, v1  }
0x176: {  	v3 =	vor.u32 $0xE, v2;
	v1 =	vld [tilespmem:s14+$0x960];
	_ =	sdelay $0x4  }
0x177: {  	[tilespmem:v3+s19+$0x0] =	vst.idx.msk $0xffff, v1  }
0x178: {  	v2 =	vor.u32 $0xF, v2;
	v1 =	vld [tilespmem:s14+$0xAF0];
	_ =	sdelay $0x4  }
0x179: {  	s29 =	simm.s32 $0xA9B0;
	[tilespmem:v2+s19+$0x0] =	vst.idx.msk $0xffff, v1  }
0x17a: {  	[spmem:s2] =	stream.indirect.scatter.add.f32 [tilespmem:s19], [sflag:$0x4], $0x10, s29, s13, $0xb8;
	[tilespmem:$0x19FA0] =	vst v63  }
0x17b: {  	_ = 	snop  }
0x17c: {  	[spmem:s4] =	stream.indirect.scatter.add.f32 [tilespmem:s12], [sflag:$0x4], $0x10, s29, s13, $0xb8;
	[tilespmem:$0x19FA0] =	vst v63  }
0x17d: {  	s16 =	simm.s32 $0xA690  }
0x17e: {  	[spmem:s6] =	stream.indirect.scatter.add.f32 [tilespmem:s12], [sflag:$0x4], $0x10, s16, s13, $0xb8;
	[tilespmem:$0x19FA0] =	vst v63  }
0x17f: {  	_ =	swait.ge [sflag:s0], $0x190  }
0x180: {  	[sflag:s0] =	ssyncset.done $0x0  }
0x181: {  	s29 =	simm.s32 $0xAFF0;
	[sflag:s0] =	ssyncadd.s32 $0xFFFFFE70  }
0x182: {  	[spmem:s3] =	stream.indirect.scatter.add.f32 [tilespmem:s19], [sflag:$0x4], $0x10, s29, s13, $0xb8;
	[tilespmem:$0x19FA0] =	vst v63  }
0x183: {  	_ =	swait.ge [sflag:s28], $0x1900  }
0x184: {  	[sflag:s28] =	ssyncset.done $0x0  }
0x185: {  	[sflag:s28] =	ssyncadd.s32 $0xFFFFE700  }
0x186: {  	_ =	swait.ge [sflag:s28], $0x1900  }
0x187: {  	[sflag:s28] =	ssyncset.done $0x0  }
0x188: {  	[sflag:s28] =	ssyncadd.s32 $0xFFFFE700  }
0x189: {  	p0 =	seq.s32 s31, $0xC;
	_ =	swait.ge [sflag:s28], $0x1900  }
.Ltmp7:
0x18a: {  	[sflag:s28] =	ssyncset.done $0x0;
	(pc) =	sbr.rel @p0 .LBB2_10-.Ltmp7, $4  }
0x18b: {  	[sflag:s28] =	ssyncadd.s32 $0xFFFFE700  }
0x18c: {  	_ =	swait.ge [sflag:s28], $0x1900  }
0x18d: {  	s5 =	simm.s32 $0xA9B0;
	[sflag:s28] =	ssyncset.done $0x0  }
0x18e: {  	s30 =	simm.s32 $0x4E200;
	s16 =	smov.u32 s18;
	[sflag:s28] =	ssyncadd.s32 $0xFFFFE700  }
0x18f: {  	s14 =	smul.u32 $0x320, s31;
	_ =	sdelay $0x1  }
0x190: {  	s14 =	sadd.s32 s14, s15  }
0x191: {  	s14 =	sshrl.u32 s14, $0x3  }
0x192: {  	s16 =	sadd.s32 s8, s14  }
0x193: {  	[tilespmem:s7], [sflag:$0x1] =	stream.strided.gather [hbm4b:s16+s13], $0x1900, s30, s13, $0x38;
	[tilespmem:$0x19FA0] =	vst v63  }
0x194: {  	s29 =	sadd.s32 s9, s14  }
0x195: {  	[tilespmem:s20], [sflag:$0x1] =	stream.linear.gather [hbm4b:s29+s7], $0x190, $0x38;
	[tilespmem:$0x19FA0] =	vst v63  }
.Ltmp8:
0x196: {  	_ = 	snop;
	(pc) =	sbr.rel .LBB2_9-.Ltmp8, $4  }
0x197: {  	s29 =	sadd.s32 s10, s14  }
0x198: {  	[tilespmem:s21], [sflag:$0x1] =	stream.linear.gather [hbm4b:s29+s7], $0x190, $0x38;
	[tilespmem:$0x19FA0] =	vst v63  }
0x199: {  	s16 =	smov.u32 s18;
	s14 =	sadd.s32 s11, s14  }
0x19a: {  	[tilespmem:s22], [sflag:$0x1] =	stream.linear.gather [hbm4b:s14+s7], $0x190, $0x38;
	[tilespmem:$0x19FA0] =	vst v63  }
.LBB2_11:
0x19b: {  	_ =	sfence.sel $0x180000  }
0x19c: {  	[bflag:$0x0] =	sbarrier.arrive $0xFFFF  }
0x19d: {  	_ =	strace $0x90000047  }
0x19e: {  	s0 =	stileid.u32;
	[bflag:$0x2] =	sbarrier.arrive $0xFFFF  }
0x19f: {  	p0 =	sne.s32 s0, $0x0;
	s0 =	rddreg [dreg:$0x6]  }
0x1a0: {  	s0 =	sadd.s32 @!p0 $0x100000, s0  }
0x1a1: {  	[sflag:s0] =	ssyncadd.tile.s32 @!p0 $0x1;
	_ =	shalt  }
.Lfunc_end2:
_tile_overlayer_lowered:
.L_overlay_start_2:
0x1a2: {  	(tag) =	ssettag $0x2  }
0x1a3: {  	s0 =	rddreg [dreg:$0x0];
	s2 =	stileid.u32  }
0x1a4: {  	s1 =	rddreg [dreg:$0x1];
	p0 =	sne.s32 s2, $0x0  }
0x1a5: {  	s3 =	rddreg [dreg:$0x2];
	[bflag:$0x3] =	sbarrier.arrive $0xFFFF;
	s2 =	simm.s32 @!p0 $0x1C07  }
0x1a6: {  	[timem:s3], [sflag:s2] =	dma.local @!p0 [hbm:s0], s1  }
0x1a7: {  	s0 =	simm.s32 @!p0 $0x7  }
0x1a8: {  	_ =	swait.ge @!p0 [sflag:s0], s1  }
0x1a9: {  	s1 =	ssub.s32 @!p0 $0x0, s1;
	[sflag:s0] =	ssyncset.done @!p0 $0x0  }
0x1aa: {  	[sflag:s0] =	ssyncadd.s32 @!p0 s1  }
0x1ab: {  	[bflag:$0x3] =	sbarrier.arrive $0xFFFF  }
0x1ac: {  	_ =	shalt  }

// kernel: kernel.8.cloned.1.call-start
scs
__scs_entry_jumppad:
0x0: {  	(pc) =	sbr.rel $0x88, $3  }
0x1: {  	(tag) =	ssettag $0x0;
	lr =	simm.s32 $0x1  }
0x2: {  	[smem:$0x3F99] =	sst lr;
	_ =	strace $0xD0000000  }
0x3: {  	_ = 	snop  }
0x4: {  	_ = 	snop  }
0x5: {  	_ = 	snop  }
0x6: {  	_ = 	snop  }
0x7: {  	_ = 	snop  }
__scs_overlays_trampoline_lowered:
0x8: {  	[smem:$0x3FA8] =	sst s0  }
0x9: {  	[smem:$0x3FA9] =	sst s1  }
0xa: {  	[smem:$0x3FAA] =	sst s2  }
0xb: {  	[smem:$0x3FAB] =	sst s3  }
0xc: {  	[smem:$0x3FAC] =	sst s4  }
0xd: {  	[smem:$0x3FAD] =	sst s5  }
0xe: {  	[smem:$0x3FAE] =	sst s6  }
0xf: {  	[smem:$0x3FAF] =	sst s7  }
0x10: {  	[smem:$0x3FB0] =	sst s8  }
0x11: {  	[smem:$0x3FB1] =	sst s9;
	s0 =	simm.s32 @!p0 $0x0  }
0x12: {  	s1 =	sld [smem:$0x3F97];
	s0 =	simm.s32 @p0 $0x1  }
0x13: {  	[smem:$0x3FB2] =	sst s0;
	s0 =	simm.s32 @!p1 $0x0  }
0x14: {  	s2 =	sld [smem:$0x3F96];
	s0 =	simm.s32 @p1 $0x1  }
0x15: {  	[smem:$0x3FB3] =	sst s0;
	s0 =	simm.s32 @!p2 $0x0  }
0x16: {  	s3 =	sld [smem:$0x3FDB];
	s0 =	simm.s32 @p2 $0x1  }
0x17: {  	s4 =	simm.s32 $0x1BF5;
	[smem:$0x3FB5] =	sst s0  }
0x18: {  	s0 =	sld [smem:$0x3F98];
	_ =	swait.ge [sflag:s4], $0x0  }
0x19: {  	s7 =	sld [smem:$0x3F99]  }
0x1a: {  	s8 =	sadd.s32 $0xFFFFE003, lr  }
0x1b: {  	s9 =	sadd.s32 $0xFFFFFEF7, lr;
	s5 =	simm.s32 $0xFFFFFFFF;
	p2 =	slt.u32 s8, $0xFFFFF086  }
0x1c: {  	p1 =	slt.u32 s9, $0xF7A;
	s5 =	simm.s32 @!p2 $0x0  }
0x1d: {  	s5 =	simm.s32 @p1 $0x1;
	p0 =	seq.s32 s7, s2  }
0x1e: {  	s7 =	smul.u32 @!p0 $0xF7A, s2;
	p2 =	seq.s32 @!p0 s5, $0x0  }
0x1f: {  	s9 =	smul.u32 $0xF7A, s1;
	s8 =	simm.s32 @!p0 $0x1BF5;
	p2 =	por !p2, p0  }
0x20: {  	[sflag:s8] =	ssyncset.s32 @!p0 $0xFFFFF086;
	s6 =	sadd.s32 @!p0 s3, s7;
	s7 =	simm.s32 @!p0 $0x108  }
0x21: {  	s3 =	sadd.s32 s3, s9;
	s6 =	sadd.s32 @!p0 $0x88, s6;
	s7 =	simm.s32 @p2 $0x1082  }
0x22: {  	[simem:s7], [sflag:s8] =	dma.local @!p0 [hbm:s6], $0xF7A  }
0x23: {  	s9 =	sor.u32 $0xD0000000, s2;
	s6 =	simm.s32 $0x108;
	_ =	swait.ge @!p0 [sflag:s8], $0x0  }
0x24: {  	s3 =	sadd.s32 $0x88, s3;
	s6 =	simm.s32 @!p1 $0x1082;
	[sflag:s4] =	ssyncset.s32 $0xFFFFF086  }
0x25: {  	[simem:s6], [sflag:s4] =	dma.local [hbm:s3], $0xF7A  }
0x26: {  	[smem:$0x3F99] =	sst s1;
	(tag) =	ssettag s2;
	_ =	strace s9  }
0x27: {  	s1 =	sld [smem:$0x3FA9]  }
0x28: {  	s2 =	sld [smem:$0x3FAA]  }
0x29: {  	s4 =	sld [smem:$0x3FAC]  }
0x2a: {  	p0 =	seq.s32 s5, $0x0;
	s5 =	sld [smem:$0x3FAD]  }
0x2b: {  	s6 =	sld [smem:$0x3FAE]  }
0x2c: {  	s7 =	sld [smem:$0x3FAF]  }
0x2d: {  	s3 =	simm.s32 $0x108;
	s8 =	sld [smem:$0x3FB0]  }
0x2e: {  	s3 =	simm.s32 @!p0 $0x1082;
	s9 =	sld [smem:$0x3FB1]  }
0x2f: {  	lr =	sadd.s32 s0, s3;
	s0 =	sld [smem:$0x3FA8]  }
0x30: {  	s3 =	sld [smem:$0x3FAB]  }
0x31: {  	[smem:$0x3FB4] =	sst s10  }
0x32: {  	s10 =	sld [smem:$0x3FB2];
	_ =	sdelay $0x3  }
0x33: {  	p0 =	seq.s32 s10, $0x1;
	s10 =	sld [smem:$0x3FB4];
	_ =	sdelay $0x3  }
0x34: {  	[smem:$0x3FB4] =	sst s10  }
0x35: {  	s10 =	sld [smem:$0x3FB3];
	_ =	sdelay $0x3  }
0x36: {  	p1 =	seq.s32 s10, $0x1;
	s10 =	sld [smem:$0x3FB4];
	_ =	sdelay $0x3  }
0x37: {  	[smem:$0x3FB4] =	sst s10  }
0x38: {  	s10 =	sld [smem:$0x3FB5]  }
0x39: {  	_ = 	snop;
	(pc) =	sbr.ind lr, $3  }
0x3a: {  	_ = 	snop  }
0x3b: {  	_ = 	snop  }
0x3c: {  	p2 =	seq.s32 s10, $0x1;
	s10 =	sld [smem:$0x3FB4]  }
0x3d: {  	_ =	shalt  }
0x3e: {  	_ =	shalt  }
0x3f: {  	_ =	shalt  }
0x40: {  	_ =	shalt  }
0x41: {  	_ =	shalt  }
0x42: {  	_ =	shalt  }
0x43: {  	_ =	shalt  }
0x44: {  	_ =	shalt  }
0x45: {  	_ =	shalt  }
0x46: {  	_ =	shalt  }
0x47: {  	_ =	shalt  }
0x48: {  	_ =	shalt  }
0x49: {  	_ =	shalt  }
0x4a: {  	_ =	shalt  }
0x4b: {  	_ =	shalt  }
0x4c: {  	_ =	shalt  }
0x4d: {  	_ =	shalt  }
0x4e: {  	_ =	shalt  }
0x4f: {  	_ =	shalt  }
0x50: {  	_ =	shalt  }
0x51: {  	_ =	shalt  }
0x52: {  	_ =	shalt  }
0x53: {  	_ =	shalt  }
0x54: {  	_ =	shalt  }
0x55: {  	_ =	shalt  }
0x56: {  	_ =	shalt  }
0x57: {  	_ =	shalt  }
0x58: {  	_ =	shalt  }
0x59: {  	_ =	shalt  }
0x5a: {  	_ =	shalt  }
0x5b: {  	_ =	shalt  }
0x5c: {  	_ =	shalt  }
0x5d: {  	_ =	shalt  }
0x5e: {  	_ =	shalt  }
0x5f: {  	_ =	shalt  }
0x60: {  	_ =	shalt  }
0x61: {  	_ =	shalt  }
0x62: {  	_ =	shalt  }
0x63: {  	_ =	shalt  }
0x64: {  	_ =	shalt  }
0x65: {  	_ =	shalt  }
0x66: {  	_ =	shalt  }
0x67: {  	_ =	shalt  }
0x68: {  	_ =	shalt  }
0x69: {  	_ =	shalt  }
0x6a: {  	_ =	shalt  }
0x6b: {  	_ =	shalt  }
0x6c: {  	_ =	shalt  }
0x6d: {  	_ =	shalt  }
0x6e: {  	_ =	shalt  }
0x6f: {  	_ =	shalt  }
0x70: {  	_ =	shalt  }
0x71: {  	_ =	shalt  }
0x72: {  	_ =	shalt  }
0x73: {  	_ =	shalt  }
0x74: {  	_ =	shalt  }
0x75: {  	_ =	shalt  }
0x76: {  	_ =	shalt  }
0x77: {  	_ =	shalt  }
0x78: {  	_ =	shalt  }
0x79: {  	_ =	shalt  }
0x7a: {  	_ =	shalt  }
0x7b: {  	_ =	shalt  }
0x7c: {  	_ =	shalt  }
0x7d: {  	_ =	shalt  }
0x7e: {  	_ =	shalt  }
0x7f: {  	_ =	shalt  }
0x80: {  	_ =	shalt  }
0x81: {  	_ =	shalt  }
0x82: {  	_ =	shalt  }
0x83: {  	_ =	shalt  }
0x84: {  	_ =	shalt  }
0x85: {  	_ =	shalt  }
0x86: {  	_ =	shalt  }
0x87: {  	_ =	shalt  }
.Lfunc_end0:
.L_simem_size_0:
called_computation.1_lowered:
.L_overlay_start_0:
0x88: {  	s2 =	sld [smem:$0x3FD9]  }
0x89: {  	s3 =	sld [smem:$0x3FFE];
	_ =	sdelay $0x1  }
0x8a: {  	s1 =	srdreg.scid  }
0x8b: {  	s0 =	sand.u32 $0x1, s1  }
0x8c: {  	s16 =	sshll.u32 s0, $0xA;
	s2 =	sadd.s32 s3, s2  }
0x8d: {  	s2 =	sadd.s32 s2, s16  }
0x8e: {  	[smem:$0x3FC0] =	sst s2  }
0x8f: {  	_ = 	snop  }
0x90: {  	(tm) =	ssettm $0x1  }
0x91: {  	s17 =	sld [smem:$0x3FFB];
	_ =	sdelay $0x3  }
0x92: {  	_ =	strace s17  }
0x93: {  	s2 =	sld [smem:$0x3FFC];
	_ =	sdelay $0x3  }
0x94: {  	_ =	strace s2  }
0x95: {  	s2 =	sld [smem:$0x3FFD];
	_ =	sdelay $0x3  }
0x96: {  	_ =	strace s2  }
0x97: {  	_ =	strace $0x8FFFFFFF  }
0x98: {  	s18 =	sld [smem:$0x3FDB];
	_ =	sdelay $0x1  }
0x99: {  	s19 =	simm.s32 $_scs_section_size  }
0x9a: {  	s4 =	simm.s32 $_size__tile_overlayer_lowered;
	s5 =	simm.s32 $_tile_overlayer_lowered  }
0x9b: {  	s22 =	simm.s32 $0x1BFF;
	s21 =	sshll.u32 s5, $0x1;
	s2 =	sadd.s32 s19, s18  }
0x9c: {  	s6 =	simm.s32 $0x0;
	s20 =	sshll.u32 s4, $0x1;
	s4 =	sadd.s32 s21, s2  }
0x9d: {  	[timem:s6], [sflag:s22] =	dma.local [hbm:s4], s20  }
0x9e: {  	_ =	swait.ge [sflag:s22], s20  }
0x9f: {  	s3 =	ssub.s32 $0x0, s20;
	[sflag:s22] =	ssyncset.done $0x0  }
0xa0: {  	[sflag:s22] =	ssyncadd.s32 s3;
	_ =	sdelay $0x1  }
0xa1: {  	s23 =	simm.s32 $0x1B8B  }
0xa2: {  	_ =	swait.ge [sflag:s23], $0x1  }
0xa3: {  	[sflag:s23] =	ssyncset.done $0x0  }
0xa4: {  	s25 =	simm.s32 $0x1B8E;
	s24 =	sld [smem:$0x3FFE];
	[sflag:s23] =	ssyncadd.s32 $0xFFFFFFFF  }
0xa5: {  	s26 =	simm.s32 $execute0_lowered;
	[smem:$0x3FD2] =	sst s25  }
0xa6: {  	s4 =	sshll.u32 s26, $0x1;
	_ =	strace $0x80000049;
	[dreg:$0x1] =	wrdreg $0xFFFFFFFF  }
0xa7: {  	s28 =	simm.s32 $_size_execute0_lowered;
	s2 =	sadd.s32 s2, s4;
	[dreg:$0x0] =	wrdreg $0x0  }
0xa8: {  	s4 =	sshll.u32 s28, $0x1;
	[dreg:$0x2] =	wrdreg s2  }
0xa9: {  	[dreg:$0x3] =	wrdreg s4  }
0xaa: {  	[dreg:$0x4] =	wrdreg $0xC0  }
0xab: {  	_ =	task [dreg:s6], $0x5FFFF  }
0xac: {  	[dreg:$0x1] =	wrdreg $0xFFFFFFFF  }
0xad: {  	[dreg:$0x0] =	wrdreg $0x60  }
0xae: {  	[dreg:$0x2] =	wrdreg s24  }
0xaf: {  	[dreg:$0x3] =	wrdreg $0x9  }
0xb0: {  	_ =	task.clear_ibuf [dreg:s6], $0x4FFFF;
	_ =	strace $0x90000049  }
0xb1: {  	s29 =	simm.s32 $0x9;
	_ =	strace $0x8000004B  }
0xb2: {  	_ =	swait.ge [sflag:s29], $0x1  }
0xb3: {  	[sflag:s29] =	ssyncadd.s32 $0xFFFFFFFF  }
0xb4: {  	_ =	strace $0x9000004B  }
0xb5: {  	_ =	sfence  }
0xb6: {  	s30 =	sld [smem:$0x0];
	_ =	sdelay $0x2  }
0xb7: {  	s31 =	sshll.u32 s1, $0xD;
	s1 =	sshrl.u32 s1, $0x2  }
0xb8: {  	s3 =	sand.u32 $0x4000, s31;
	s1 =	sadd.s32 s1, s30  }
0xb9: {  	s0 =	sor.u32 s3, s0;
	s1 =	sshll.u32 s1, $0x11  }
0xba: {  	s0 =	sor.u32 s1, s0  }
0xbb: {  	s0 =	sadd.s32 $0x8F2B, s0  }
0xbc: {  	[sflag:s0] =	ssyncadd.remote.s32 $0x1  }
0xbd: {  	_ =	sfence.sel $0xFFFF  }
0xbe: {  	[dreg:$0x0] =	wrdreg $0xFFFFFFFF;
	(pc) =	sbr.abs _section_cstart, $3  }
0xbf: {  	[dreg:$0x1] =	wrdreg $0xFFFFFFFF  }
0xc0: {  	_ =	task.clear_ibuf [dreg:s6], $0x2FFFF;
	_ =	strace $0x9FFFFFFF  }
0xc1: {  	(tm) =	ssettm $0x7FFFFFFF  }
tec
execute0_lowered:
.L_overlay_start_1:
0x0: {  	(tag) =	ssettag $0x1  }
0x1: {  	s0 =	srdreg.scid  }
0x2: {  	s5 =	rddreg [dreg:$0x0];
	s2 =	simm.s32 $0x0;
	s10 =	simm.s32 $0x1  }
0x3: {  	s11 =	simm.s32 $0xEE20;
	s12 =	simm.s32 $0xA000;
	s13 =	simm.s32 $0xC710  }
0x4: {  	s14 =	simm.s32 $0xEE30;
	s15 =	simm.s32 $0xEE40;
	s16 =	simm.s32 $0x0  }
0x5: {  	s3 =	sand.u32 $0x1, s0;
	s0 =	stileid.u32;
	[smem:$0x7FF] =	sst s2  }
0x6: {  	s1 =	sshll.u32 s3, $0x4;
	s7 =	ssub.s32 $0x2, s3;
	s3 =	sadd.s32 $0x14400, s5  }
0x7: {  	s4 =	sor.u32 s0, s1;
	s1 =	rddreg [dreg:$0x1];
	_ =	strace $0x8000004A  }
0x8: {  	s9 =	sshrl.u32 s7, $0x1;
	s6 =	smul.u32 $0x4E2, s4;
	s8 =	sshll.u32 s4, $0x1  }
0x9: {  	s4 =	sadd.s32 $0x15800, s5;
	s9 =	ssub.s32 s7, s9;
	s8 =	sadd.s32 s8, s5  }
0xa: {  	s9 =	smax.u32 s9, $0x1;
	s6 =	sadd.s32 s6, s5;
	s7 =	sadd.s32 $0x15A00, s8  }
0xb: {  	s8 =	sadd.s32 $0x15C00, s8;
	s5 =	sadd.s32 $0xA600, s6;
	s6 =	sadd.s32 $0x800, s6  }
.LBB2_1:
0xc: {  	[tilespmem:s2], [sflag:$0x1] =	stream.linear.gather [hbm4b:s3+s2], $0xA000, $0x38;
	[tilespmem:$0xEE50] =	vst v63  }
0xd: {  	_ =	swait.ge [sflag:s10], $0xA000  }
0xe: {  	[sflag:s10] =	ssyncset.done $0x0  }
0xf: {  	[sflag:s10] =	ssyncadd.s32 $0xFFFF6000  }
0x10: {  	[tilespmem:s11], [sflag:$0x1] =	stream.linear.gather [hbm4b:s4+s2], $0x10, $0x38;
	[tilespmem:$0xEE50] =	vst v63  }
0x11: {  	_ =	swait.ge [sflag:s10], $0x10  }
0x12: {  	[sflag:s10] =	ssyncset.done $0x0  }
0x13: {  	[sflag:s10] =	ssyncadd.s32 $0xFFFFFFF0  }
0x14: {  	[tilespmem:s12], [sflag:$0x1] =	stream.linear.gather [hbm4b:s5+s2], $0x2710, $0x38;
	[tilespmem:$0xEE50] =	vst v63  }
0x15: {  	_ =	swait.ge [sflag:s10], $0x2710  }
0x16: {  	[sflag:s10] =	ssyncset.done $0x0  }
0x17: {  	[sflag:s10] =	ssyncadd.s32 $0xFFFFD8F0  }
0x18: {  	[tilespmem:s13], [sflag:$0x1] =	stream.linear.gather [hbm4b:s6+s2], $0x2710, $0x38;
	[tilespmem:$0xEE50] =	vst v63  }
0x19: {  	_ =	swait.ge [sflag:s10], $0x2710  }
0x1a: {  	[sflag:s10] =	ssyncset.done $0x0  }
0x1b: {  	s17 =	simm.s32 $0x0;
	[sflag:s10] =	ssyncadd.s32 $0xFFFFD8F0  }
0x1c: {  	v0 =	vld [tilespmem:s17+$0xC710]  }
0x1d: {  	v1 =	vld [tilespmem:s17+$0xA000];
	_ =	sdelay $0x3  }
0x1e: {  	v2 =	vadd.s32 $0x2800, v0  }
0x1f: {  	v0 =	vadd.s32 $0x7800, v0  }
0x20: {  	v3 =	vadd.s32 $0x5000, v1;
	_ =	sdelay $0x1  }
0x21: {  	v1 =	vld.idx.msk [tilespmem:v1+s2+$0x0], $0xffff  }
0x22: {  	v4 =	vld.idx.msk [tilespmem:v2+s2+$0x0], $0xffff  }
0x23: {  	v0 =	vld.idx.msk [tilespmem:v0+s2+$0x0], $0xffff  }
0x24: {  	v3 =	vld.idx.msk [tilespmem:v3+s2+$0x0], $0xffff  }
0x25: {  	v2 =	vld [tilespmem:$0xEE20]  }
0x26: {  	s29 =	simm.s32 $0x10  }
0x27: {  	v5 =	vld [tilespmem:s29+$0xC710]  }
0x28: {  	v1 =	vadd.f32 v4, v1;
	v4 =	vld [tilespmem:s29+$0xA000]  }
0x29: {  	v0 =	vadd.f32 v0, v3  }
0x2a: {  	v3 =	vadd.f32 v1, v2  }
0x2b: {  	v12 =	vadd.f32 v0, v2  }
0x2c: {  	v1 =	vadd.s32 $0x2800, v5;
	v0 =	vand.u32 $0x7FFFFFFF, v3  }
0x2d: {  	v5 =	vadd.s32 $0x7800, v5;
	v6 =	vand.u32 $0x7FFFFFFF, v12;
	v0 =	vsub.f32 $0.0e+00, v0  }
0x2e: {  	v7 =	vadd.s32 $0x5000, v4;
	v6 =	vsub.f32 $0.0e+00, v6  }
0x2f: {  	v0 =	vmul.f32 $1.442695020e+00, v0  }
0x30: {  	v6 =	vmul.f32 $1.442695020e+00, v6;
	v4 =	vld.idx.msk [tilespmem:v4+s2+$0x0], $0xffff  }
0x31: {  	(erf) = vpow2.f32 v0;
	v0 =	vld.idx.msk [tilespmem:v1+s2+$0x0], $0xffff  }
0x32: {  	v1 =	vld.idx.msk [tilespmem:v5+s2+$0x0], $0xffff;
	(erf) = vpow2.f32 v6  }
0x33: {  	v5 =	vld.idx.msk [tilespmem:v7+s2+$0x0], $0xffff;
	_ =	sdelay $0x1  }
0x34: {  	s30 =	simm.s32 $0x20  }
0x35: {  	v0 =	vadd.f32 v0, v4;
	v4 =	vld [tilespmem:s30+$0xC710]  }
0x36: {  	v7 =	vld [tilespmem:s30+$0xA000]  }
0x37: {  	v8 =	vadd.f32 v0, v2;
	v0 =	vadd.f32 v1, v5;
	_ =	sdelay $0x1  }
0x38: {  	v6 =	vpop (erf);
	v9 =	vand.u32 $0x7FFFFFFF, v8;
	v1 =	vadd.f32 v0, v2  }
0x39: {  	v0 =	vmul.f32 $6.074752660e-03, v6;
	v5 =	vpop (erf);
	v9 =	vsub.f32 $0.0e+00, v9;
	v10 =	vadd.s32 $0x2800, v4  }
0x3a: {  	v4 =	vadd.s32 $0x7800, v4;
	v11 =	vmul.f32 $6.074752660e-03, v5;
	v13 =	vand.u32 $0x7FFFFFFF, v1  }
0x3b: {  	v14 =	vadd.s32 $0x5000, v7;
	v13 =	vsub.f32 $0.0e+00, v13;
	v0 =	vsub.f32 $3.441791240e-02, v0  }
0x3c: {  	v9 =	vmul.f32 $1.442695020e+00, v9;
	v11 =	vsub.f32 $3.441791240e-02, v11  }
0x3d: {  	v7 =	vld.idx.msk [tilespmem:v7+s2+$0x0], $0xffff;
	v13 =	vmul.f32 $1.442695020e+00, v13;
	v0 =	vmul.f32 v0, v6  }
0x3e: {  	(erf) = vpow2.f32 v9;
	v9 =	vld.idx.msk [tilespmem:v10+s2+$0x0], $0xffff;
	v10 =	vmul.f32 v11, v5  }
0x3f: {  	v4 =	vld.idx.msk [tilespmem:v4+s2+$0x0], $0xffff;
	v0 =	vadd.f32 $-9.231230610e-02, v0  }
0x40: {  	v11 =	vld.idx.msk [tilespmem:v14+s2+$0x0], $0xffff;
	(erf) = vpow2.f32 v13;
	v10 =	vadd.f32 $-9.231230610e-02, v10  }
0x41: {  	v0 =	vmul.f32 v0, v6  }
0x42: {  	s31 =	simm.s32 $0x30;
	v10 =	vmul.f32 v10, v5  }
0x43: {  	v13 =	vld [tilespmem:s31+$0xC710];
	v7 =	vadd.f32 v9, v7;
	v0 =	vadd.f32 $1.647818830e-01, v0  }
0x44: {  	v10 =	vadd.f32 $1.647818830e-01, v10  }
0x45: {  	v14 =	vld [tilespmem:s31+$0xA000];
	v4 =	vadd.f32 v4, v11;
	v7 =	vadd.f32 v7, v2;
	v0 =	vmul.f32 v0, v6  }
0x46: {  	v8 =	vsub.f32 $0.0e+00, v8;
	v11 =	vsub.f32 $0.0e+00, v3;
	v10 =	vmul.f32 v10, v5  }
0x47: {  	v15 =	vand.u32 $0x7FFFFFFF, v7;
	v16 =	vadd.f32 $-2.391897290e-01, v0;
	v0 =	vadd.f32 v4, v2  }
0x48: {  	v19 =	vadd.s32 $0x2800, v13;
	v21 =	vadd.s32 $0x7800, v13;
	v3 =	vpop (erf);
	v15 =	vsub.f32 $0.0e+00, v15  }
0x49: {  	v17 =	vmul.f32 $6.074752660e-03, v3;
	v4 =	vpop (erf);
	v10 =	vadd.f32 $-2.391897290e-01, v10;
	v20 =	vand.u32 $0x7FFFFFFF, v0  }
0x4a: {  	v18 =	vmul.f32 $6.074752660e-03, v4;
	v15 =	vmul.f32 $1.442695020e+00, v15;
	v20 =	vsub.f32 $0.0e+00, v20  }
0x4b: {  	v17 =	vsub.f32 $3.441791240e-02, v17;
	v16 =	vmul.f32 v16, v6;
	v10 =	vmul.f32 v10, v5  }
0x4c: {  	v18 =	vsub.f32 $3.441791240e-02, v18;
	v13 =	vmul.f32 $1.442695020e+00, v20;
	(erf) = vpow2.f32 v15  }
0x4d: {  	v17 =	vmul.f32 v17, v3;
	v15 =	vld.idx.msk [tilespmem:v14+s2+$0x0], $0xffff;
	v10 =	vadd.f32 $3.313336670e-01, v10;
	v14 =	vadd.s32 $0x5000, v14  }
0x4e: {  	v19 =	vld.idx.msk [tilespmem:v19+s2+$0x0], $0xffff;
	v18 =	vmul.f32 v18, v4;
	(erf) = vpow2.f32 v13;
	v13 =	vadd.f32 $3.313336670e-01, v16  }
0x4f: {  	v9 =	vimm.f32 $0.0e+00;
	v16 =	vadd.f32 $-9.231230610e-02, v17;
	v10 =	vmul.f32 v10, v5  }
0x50: {  	v17 =	vadd.f32 $-9.231230610e-02, v18;
	v18 =	vmax.f32 v11, $0.0e+00;
	v20 =	vmul.f32 v13, v6  }
0x51: {  	v11 =	vld.idx.msk [tilespmem:v21+s2+$0x0], $0xffff;
	v22 =	vmul.f32 v16, v3;
	v23 =	vadd.f32 $-4.998010990e-01, v10;
	v10 =	vadd.f32 v18, v9  }
0x52: {  	v16 =	vmax.f32 v12, $0.0e+00;
	v13 =	vmul.f32 v17, v4;
	v12 =	vld.idx.msk [tilespmem:v14+s2+$0x0], $0xffff;
	v17 =	vadd.f32 $-4.998010990e-01, v20  }
0x53: {  	s17 =	simm.s32 $0x100;
	v18 =	vadd.f32 v19, v15;
	v14 =	vadd.f32 $1.647818830e-01, v22;
	v15 =	vmul.f32 v23, v5  }
.LBB2_2:
0x54: {  	s18 =	sshra.s32 s17, $0x2;
	p0 =	sne.s32 s17, $0x9C00;
	s17 =	sadd.s32 $0x40, s17;
	v13 =	vadd.f32 $1.647818830e-01, v13;
	v17 =	vmul.f32 v17, v6;
	v9 =	vadd.f32 v16, v9  }
0x55: {  	v16 =	vld [tilespmem:s18+$0xC710];
	v18 =	vadd.f32 v18, v2;
	v19 =	vpop (erf);
	v14 =	vmul.f32 v14, v3;
	v15 =	vadd.f32 $9.999914760e-01, v15  }
0x56: {  	v20 =	vld [tilespmem:s18+$0xA000];
	v21 =	vmul.f32 $6.074752660e-03, v19;
	v13 =	vmul.f32 v13, v4;
	v17 =	vadd.f32 $9.999914760e-01, v17  }
0x57: {  	v11 =	vadd.f32 v11, v12;
	v12 =	vand.u32 $0x7FFFFFFF, v18;
	v22 =	vpop (erf);
	v14 =	vadd.f32 $-2.391897290e-01, v14  }
0x58: {  	v12 =	vsub.f32 $0.0e+00, v12;
	v23 =	vmul.f32 $6.074752660e-03, v22;
	v17 =	vmul.f32 v17, v6;
	v6 =	vmovc v3;
	v3 =	vmovc v19  }
0x59: {  	v19 =	vadd.f32 v11, v2;
	v11 =	vadd.f32 $-2.391897290e-01, v13;
	v13 =	vmul.f32 v15, v5;
	v5 =	vmovc v4;
	v4 =	vmovc v22  }
0x5a: {  	v15 =	vadd.s32 $0x2800, v16;
	v16 =	vadd.s32 $0x7800, v16;
	v17 =	vadd.f32 $9.099033340e-08, v17  }
0x5b: {  	v24 =	vand.u32 $0x7FFFFFFF, v19;
	v11 =	vmul.f32 v11, v5;
	v22 =	vadd.s32 $0x5000, v20  }
0x5c: {  	v12 =	vmul.f32 $1.442695020e+00, v12;
	v24 =	vsub.f32 $0.0e+00, v24;
	v10 =	vadd.f32 v17, v10  }
0x5d: {  	v14 =	vmul.f32 v14, v6;
	v17 =	vsub.f32 $3.441791240e-02, v21;
	v21 =	vsub.f32 $3.441791240e-02, v23  }
0x5e: {  	v23 =	vmul.f32 $1.442695020e+00, v24;
	v20 =	vld.idx.msk [tilespmem:v20+s2+$0x0], $0xffff;
	(erf) = vpow2.f32 v12;
	v12 =	vadd.f32 $9.099033340e-08, v13  }
0x5f: {  	v11 =	vadd.f32 $3.313336670e-01, v11;
	v13 =	vmul.f32 v17, v3;
	v17 =	vmul.f32 v21, v4;
	v15 =	vld.idx.msk [tilespmem:v15+s2+$0x0], $0xffff  }
0x60: {  	v14 =	vadd.f32 $3.313336670e-01, v14;
	(erf) = vpow2.f32 v23;
	v9 =	vadd.f32 v12, v9  }
.Ltmp0:
0x61: {  	v21 =	vmul.f32 v11, v5;
	v13 =	vadd.f32 $-9.231230610e-02, v13;
	v17 =	vadd.f32 $-9.231230610e-02, v17;
	(pc) =	sbr.rel @p0 .LBB2_2-.Ltmp0, $4  }
0x62: {  	v14 =	vmul.f32 v14, v6;
	v11 =	vld.idx.msk [tilespmem:v16+s2+$0x0], $0xffff;
	v16 =	vmax.f32 v8, $0.0e+00;
	v8 =	vsub.f32 $0.0e+00, v7;
	v7 =	vmovc v18  }
0x63: {  	v21 =	vadd.f32 $-4.998010990e-01, v21;
	v12 =	vld.idx.msk [tilespmem:v22+s2+$0x0], $0xffff;
	v22 =	vmul.f32 v13, v3;
	v13 =	vmul.f32 v17, v4  }
0x64: {  	v10 =	vadd.f32 v16, v10;
	v17 =	vadd.f32 $-4.998010990e-01, v14;
	v16 =	vmax.f32 v1, $0.0e+00;
	v1 =	vmovc v0;
	v0 =	vmovc v19  }
0x65: {  	v18 =	vadd.f32 v15, v20;
	v15 =	vmul.f32 v21, v5;
	v14 =	vadd.f32 $1.647818830e-01, v22  }
0x66: {  	_ =	sdelay $0x1  }
0x67: {  	v11 =	vadd.f32 v11, v12  }
0x68: {  	v24 =	vadd.f32 v18, v2  }
0x69: {  	v25 =	vadd.f32 v11, v2  }
0x6a: {  	v26 =	vand.u32 $0x7FFFFFFF, v24  }
0x6b: {  	v11 =	vsub.f32 $0.0e+00, v26;
	v27 =	vand.u32 $0x7FFFFFFF, v25  }
0x6c: {  	v18 =	vsub.f32 $0.0e+00, v27  }
0x6d: {  	v11 =	vmul.f32 $1.442695020e+00, v11  }
0x6e: {  	v18 =	vmul.f32 $1.442695020e+00, v18  }
0x6f: {  	(erf) = vpow2.f32 v11  }
0x70: {  	v17 =	vmul.f32 v17, v6;
	v13 =	vadd.f32 $1.647818830e-01, v13;
	v28 =	vpop (erf);
	(erf) = vpow2.f32 v18  }
0x71: {  	v9 =	vadd.f32 v16, v9;
	v14 =	vmul.f32 v14, v3;
	v15 =	vadd.f32 $9.999914760e-01, v15  }
0x72: {  	v8 =	vmax.f32 v8, $0.0e+00;
	v17 =	vadd.f32 $9.999914760e-01, v17;
	v13 =	vmul.f32 v13, v4  }
0x73: {  	v31 =	vmul.f32 $6.074752660e-03, v28;
	v29 =	vpop (erf);
	v14 =	vadd.f32 $-2.391897290e-01, v14;
	v5 =	vmul.f32 v15, v5  }
0x74: {  	v30 =	vmul.f32 v17, v6;
	v32 =	vmul.f32 $6.074752660e-03, v29;
	v13 =	vadd.f32 $-2.391897290e-01, v13  }
0x75: {  	v1 =	vmax.f32 v1, $0.0e+00;
	v33 =	vsub.f32 $3.441791240e-02, v31;
	v5 =	vadd.f32 $9.099033340e-08, v5  }
0x76: {  	v6 =	vadd.f32 $9.099033340e-08, v30;
	v13 =	vmul.f32 v13, v4;
	v34 =	vsub.f32 $3.441791240e-02, v32  }
0x77: {  	v35 =	vmul.f32 v14, v3;
	v36 =	vmul.f32 v33, v28;
	v5 =	vadd.f32 v5, v9  }
0x78: {  	v6 =	vadd.f32 v6, v10;
	v37 =	vmul.f32 v34, v29;
	v13 =	vadd.f32 $3.313336670e-01, v13;
	v40 =	vpop (erf)  }
0x79: {  	v10 =	vadd.f32 $3.313336670e-01, v35;
	v38 =	vadd.f32 $-9.231230610e-02, v36;
	v41 =	vmul.f32 $6.074752660e-03, v40;
	v42 =	vpop (erf)  }
0x7a: {  	v1 =	vadd.f32 v1, v5;
	v39 =	vadd.f32 $-9.231230610e-02, v37;
	v19 =	vmul.f32 $6.074752660e-03, v42  }
0x7b: {  	v13 =	vmul.f32 v13, v4;
	v10 =	vmul.f32 v10, v3;
	v17 =	vsub.f32 $3.441791240e-02, v41  }
0x7c: {  	v9 =	vmul.f32 v38, v28;
	v6 =	vadd.f32 v8, v6;
	v19 =	vsub.f32 $3.441791240e-02, v19  }
0x7d: {  	v14 =	vmul.f32 v39, v29;
	v10 =	vadd.f32 $-4.998010990e-01, v10;
	v43 =	vmul.f32 v17, v40  }
0x7e: {  	v13 =	vadd.f32 $-4.998010990e-01, v13;
	v9 =	vadd.f32 $1.647818830e-01, v9;
	v44 =	vmul.f32 v19, v42  }
0x7f: {  	v14 =	vadd.f32 $1.647818830e-01, v14;
	v10 =	vmul.f32 v10, v3;
	v8 =	vadd.f32 $-9.231230610e-02, v43  }
0x80: {  	v13 =	vmul.f32 v13, v4;
	v9 =	vmul.f32 v9, v28;
	v17 =	vadd.f32 $-9.231230610e-02, v44  }
0x81: {  	v14 =	vmul.f32 v14, v29;
	v10 =	vadd.f32 $9.999914760e-01, v10;
	v8 =	vmul.f32 v8, v40  }
0x82: {  	v13 =	vadd.f32 $9.999914760e-01, v13;
	v9 =	vadd.f32 $-2.391897290e-01, v9;
	v47 =	vmul.f32 v17, v42  }
0x83: {  	v45 =	vmul.f32 v10, v3;
	v46 =	vadd.f32 $-2.391897290e-01, v14;
	v8 =	vadd.f32 $1.647818830e-01, v8  }
0x84: {  	v48 =	vmul.f32 v13, v4;
	v50 =	vmul.f32 v9, v28;
	v49 =	vadd.f32 $1.647818830e-01, v47  }
0x85: {  	v3 =	vadd.f32 $9.099033340e-08, v45;
	v10 =	vmul.f32 v46, v29;
	v8 =	vmul.f32 v8, v40  }
0x86: {  	v4 =	vadd.f32 $9.099033340e-08, v48;
	v5 =	vadd.f32 $3.313336670e-01, v50;
	v51 =	vmul.f32 v49, v42  }
0x87: {  	v3 =	vadd.f32 v3, v6;
	v8 =	vadd.f32 $-2.391897290e-01, v8  }
0x88: {  	v52 =	vadd.f32 $3.313336670e-01, v10;
	v6 =	vadd.f32 $-2.391897290e-01, v51  }
0x89: {  	v7 =	vsub.f32 $0.0e+00, v7;
	v53 =	vmul.f32 v5, v28;
	v54 =	vmul.f32 v8, v40  }
0x8a: {  	v1 =	vadd.f32 v4, v1;
	v55 =	vmul.f32 v52, v29;
	v6 =	vmul.f32 v6, v42  }
0x8b: {  	v4 =	vadd.f32 $-4.998010990e-01, v53;
	v5 =	vadd.f32 $3.313336670e-01, v54  }
0x8c: {  	v8 =	vadd.f32 $-4.998010990e-01, v55;
	v6 =	vadd.f32 $3.313336670e-01, v6  }
0x8d: {  	v7 =	vmax.f32 v7, $0.0e+00;
	v4 =	vmul.f32 v4, v28;
	v5 =	vmul.f32 v5, v40  }
0x8e: {  	v3 =	vadd.f32 v7, v3;
	v57 =	vmul.f32 v8, v29;
	v6 =	vmul.f32 v6, v42  }
0x8f: {  	v4 =	vadd.f32 $9.999914760e-01, v4;
	v5 =	vadd.f32 $-4.998010990e-01, v5  }
0x90: {  	v0 =	vmax.f32 v0, $0.0e+00;
	v7 =	vadd.f32 $9.999914760e-01, v57;
	v6 =	vadd.f32 $-4.998010990e-01, v6  }
0x91: {  	v56 =	vsub.f32 $0.0e+00, v24;
	v4 =	vmul.f32 v4, v28;
	v5 =	vmul.f32 v5, v40  }
0x92: {  	v0 =	vadd.f32 v0, v1;
	v58 =	vmul.f32 v7, v29;
	v6 =	vmul.f32 v6, v42  }
0x93: {  	v4 =	vadd.f32 $9.099033340e-08, v4;
	v5 =	vadd.f32 $9.999914760e-01, v5  }
0x94: {  	v1 =	vadd.f32 $9.099033340e-08, v58;
	v6 =	vadd.f32 $9.999914760e-01, v6  }
0x95: {  	v3 =	vadd.f32 v4, v3;
	v59 =	vmul.f32 v5, v40  }
0x96: {  	v60 =	vmax.f32 v56, $0.0e+00;
	v0 =	vadd.f32 v1, v0;
	v61 =	vmul.f32 v6, v42  }
0x97: {  	v2 =	vmax.f32 v25, $0.0e+00;
	v1 =	vadd.f32 v60, v3;
	v62 =	vadd.f32 $9.099033340e-08, v59  }
0x98: {  	v0 =	vadd.f32 v2, v0;
	v63 =	vadd.f32 $9.099033340e-08, v61  }
0x99: {  	v1 =	vadd.f32 v62, v1  }
0x9a: {  	v0 =	vadd.f32 v63, v0  }
0x9b: {  	[tilespmem:$0xEE30] =	vst v1  }
0x9c: {  	[tilespmem:$0xEE40] =	vst v0  }
0x9d: {  	[hbm4b:s7+s2] =	stream.linear.scatter [tilespmem:s14], [sflag:$0x1], $0x10, $0x38;
	[tilespmem:$0xEE50] =	vst v63  }
0x9e: {  	s16 =	sadd.s32 $0x1, s16;
	_ =	swait.ge [sflag:s10], $0x10  }
0x9f: {  	p0 =	sne.s32 s16, s9;
	[sflag:s10] =	ssyncset.done $0x0  }
.Ltmp1:
0xa0: {  	[sflag:s10] =	ssyncadd.s32 $0xFFFFFFF0;
	(pc) =	sbr.rel @p0 .LBB2_1-.Ltmp1, $4  }
0xa1: {  	[hbm4b:s8+s2] =	stream.linear.scatter [tilespmem:s15], [sflag:$0x1], $0x10, $0x38;
	[tilespmem:$0xEE50] =	vst v63  }
0xa2: {  	_ =	swait.ge [sflag:s10], $0x10  }
0xa3: {  	[sflag:s10] =	ssyncset.done $0x0  }
0xa4: {  	[sflag:s10] =	ssyncadd.s32 $0xFFFFFFF0  }
0xa5: {  	_ =	sfence.sel $0x180000  }
0xa6: {  	[bflag:$0x0] =	sbarrier.arrive $0xFFFF  }
0xa7: {  	p0 =	sne.s32 s0, $0x0;
	_ =	strace $0x9000004A  }
0xa8: {  	s0 =	sadd.s32 @!p0 $0x100000, s1;
	[bflag:$0x2] =	sbarrier.arrive $0xFFFF  }
0xa9: {  	[sflag:s0] =	ssyncadd.tile.s32 @!p0 $0x1;
	_ =	shalt  }
.Lfunc_end2:
_tile_overlayer_lowered:
.L_overlay_start_2:
0xaa: {  	(tag) =	ssettag $0x2  }
0xab: {  	s0 =	rddreg [dreg:$0x0];
	s2 =	stileid.u32  }
0xac: {  	s1 =	rddreg [dreg:$0x1];
	p0 =	sne.s32 s2, $0x0  }
0xad: {  	s3 =	rddreg [dreg:$0x2];
	[bflag:$0x3] =	sbarrier.arrive $0xFFFF;
	s2 =	simm.s32 @!p0 $0x1C01  }
0xae: {  	[timem:s3], [sflag:s2] =	dma.local @!p0 [hbm:s0], s1  }
0xaf: {  	s0 =	simm.s32 @!p0 $0x1  }
0xb0: {  	_ =	swait.ge @!p0 [sflag:s0], s1  }
0xb1: {  	s1 =	ssub.s32 @!p0 $0x0, s1;
	[sflag:s0] =	ssyncset.done @!p0 $0x0  }
0xb2: {  	[sflag:s0] =	ssyncadd.s32 @!p0 s1  }
0xb3: {  	[bflag:$0x3] =	sbarrier.arrive $0xFFFF  }
0xb4: {  	_ =	shalt  }

</sc_bundles>
